<compile_context>
chip_gen: v7x
topology: tpu7x:2x2x1
jax: 0.10.2.dev20260603
libtpu: 0.0.44.dev20260713+nightly
codegen_flags: <defaults>
</compile_context>

<pallas_src>
import jax
import jax.numpy as jnp
from jax import lax
from jax.experimental import pallas as pl
from jax.experimental.pallas import tpu as pltpu
from jax.experimental.pallas import tpu_sc as plsc

N = 50000
NR = 4
MAX_DELAY = 5
E = 3200000
B = 12
DT = 1.0

C = 400
EPT = E // 16
WINS = EPT // C
HN = N // 2
HS = 25600
ACC_ROWS = NR * HS
CH = ACC_ROWS // 16


def _sc_body(z_rows, src_h, tgt_h, w_h, zeros_h, out_h,
             acc, sb0, sb1, tb0, tb1, wb0, wb1, rb0, rb1, ib0, ib1,
             es0, es1, et0, et1, ew0, ew1, gs0, gs1, ss0, ss1):
  ci = lax.axis_index("c")
  si = lax.axis_index("s")
  base_n = ci * HN
  e0 = si * EPT

  sbufs = (sb0, sb1)
  tbufs = (tb0, tb1)
  wbufs = (wb0, wb1)
  rbufs = (rb0, rb1)
  ibufs = (ib0, ib1)
  esems = (es0, es1)
  etsems = (et0, et1)
  ewsems = (ew0, ew1)
  gsems = (gs0, gs1)
  ssems = (ss0, ss1)

  pltpu.sync_copy(zeros_h, rb0)
  zstart = si * CH
  for kk in range(CH // C):
    pltpu.sync_copy(rb0, acc.at[pl.ds(zstart + kk * C, C)])
  plsc.subcore_barrier()

  def fire_edges(win, p):
    off = pl.multiple_of(e0 + win * C, 8)
    pltpu.async_copy(src_h.at[pl.ds(off, C)], sbufs[p], esems[p])
    pltpu.async_copy(tgt_h.at[pl.ds(off, C)], tbufs[p], etsems[p])
    pltpu.async_copy(w_h.at[pl.ds(off, C)], wbufs[p], ewsems[p])

  fire_edges(0, 0)
  fire_edges(1, 1)
  pltpu.make_async_copy(src_h.at[pl.ds(0, C)], sb0, es0).wait()
  pltpu.async_copy(z_rows.at[sb0], rb0, gs0)

  iota16 = lax.iota(jnp.int32, 16)
  gd = lax.GatherDimensionNumbers(offset_dims=(), collapsed_slice_dims=(0,),
                                  start_index_map=(0,))

  def splat(vec, l):
    return lax.gather(vec, jnp.full((16, 1), l, jnp.int32), gd, (1,),
                      mode=lax.GatherScatterMode.PROMISE_IN_BOUNDS)

  def win_body(g, carry):
    for p in range(2):
      pn = 1 - p

      if p == 0:
        pltpu.make_async_copy(src_h.at[pl.ds(0, C)], sbufs[pn],
                              esems[pn]).wait()
      else:
        @pl.when(g <= WINS // 2 - 2)
        def _():
          pltpu.make_async_copy(src_h.at[pl.ds(0, C)], sbufs[pn],
                                esems[pn]).wait()

      pltpu.make_async_copy(tgt_h.at[pl.ds(0, C)], tbufs[p], etsems[p]).wait()

      def idx_body(j, c):
        tv = tbufs[p][pl.ds(j * 16, 16)]
        nn = lax.shift_right_logical(tv, 2)
        rr = lax.bitwise_and(tv, 3)
        local = rr * HS + (nn - base_n)
        inr = (nn >= base_n) & (nn < base_n + HN)
        idx = jnp.where(inr, local, HN + (iota16 & 15))
        ibufs[p][pl.ds(j * 16, 16)] = idx
        return c

      lax.fori_loop(0, C // 16, idx_body, 0)

      if p == 0:
        @pl.when(g >= 1)
        def _():
          pltpu.make_async_copy(rbufs[pn], acc.at[ibufs[pn]],
                                ssems[pn]).wait()

        pltpu.async_copy(z_rows.at[sbufs[pn]], rbufs[pn], gsems[pn])
      else:
        pltpu.make_async_copy(rbufs[pn], acc.at[ibufs[pn]], ssems[pn]).wait()

        @pl.when(g <= WINS // 2 - 2)
        def _():
          pltpu.async_copy(z_rows.at[sbufs[pn]], rbufs[pn], gsems[pn])

      pltpu.make_async_copy(z_rows.at[sbufs[p]], rbufs[p], gsems[p]).wait()
      pltpu.make_async_copy(w_h.at[pl.ds(0, C)], wbufs[p], ewsems[p]).wait()

      def mul_body(j, c):
        wv = wbufs[p][pl.ds(j * 16, 16)]
        for l in range(16):
          e = j * 16 + l
          ws = splat(wv, l)
          rbufs[p][e] = rbufs[p][e] * ws
        return c

      lax.fori_loop(0, C // 16, mul_body, 0)

      @pl.when(g <= WINS // 2 - 2)
      def _():
        fire_edges(g * 2 + p + 2, p)

      pltpu.async_copy(rbufs[p], acc.at[ibufs[p]], ssems[p], add=True)
    return carry

  lax.fori_loop(0, WINS // 2, win_body, 0)

  pltpu.make_async_copy(rbufs[1], acc.at[ibufs[1]], ssems[1]).wait()
  plsc.subcore_barrier()

  W0 = 1568
  W1 = HN - 15 * W0
  for rr in range(NR):
    asrc = rr * HS + si * W0
    adst = ci * HN + si * W0

    @pl.when(si < 15)
    def _():
      pltpu.sync_copy(acc.at[pl.ds(asrc, W0)],
                      out_h.at[rr, pl.ds(adst, W0)])

    @pl.when(si == 15)
    def _():
      pltpu.sync_copy(acc.at[pl.ds(asrc, W1)],
                      out_h.at[rr, pl.ds(adst, W1)])


ZW = 2000
ZCHUNKS = (N * MAX_DELAY) // ZW
ZPER = -(-ZCHUNKS // 32)


def _zt_body(z_hbm, zeros_h, out_h, tin, tout, isem, osem):
  wid = lax.axis_index("c") * 16 + lax.axis_index("s")
  iota16 = lax.iota(jnp.int32, 16)
  pltpu.sync_copy(zeros_h, tin.at[pl.ds(B, 16 - B)])

  def chunk_body(c, carry):
    chunk = wid * ZPER + c

    @pl.when(chunk < ZCHUNKS)
    def _():
      off = pl.multiple_of(chunk * ZW, 8)
      for b in range(B):
        pltpu.async_copy(z_hbm.at[b, pl.ds(off, ZW)], tin.at[b], isem)
      for b in range(B):
        pltpu.make_async_copy(z_hbm.at[b, pl.ds(off, ZW)], tin.at[b],
                              isem).wait()

      def tr(j, c2):
        row = plsc.load_gather(tin, [iota16, jnp.broadcast_to(j, (16,))])
        tout[j] = row
        return c2

      lax.fori_loop(0, ZW, tr, 0)
      pltpu.async_copy(tout, out_h.at[pl.ds(off, ZW)], osem)
      pltpu.make_async_copy(tout, out_h.at[pl.ds(off, ZW)], osem).wait()

    return carry

  lax.fori_loop(0, ZPER, chunk_body, 0)


def _sc_transpose(z_buf, zeros_z):
  mesh = plsc.VectorSubcoreMesh(core_axis_name="c", subcore_axis_name="s")
  f = pl.kernel(
      _zt_body,
      out_type=jax.ShapeDtypeStruct((N * MAX_DELAY, 16), jnp.float32),
      mesh=mesh,
      compiler_params=pltpu.CompilerParams(use_tc_tiling_on_sc=False,
                                           needs_layout_passes=False),
      scratch_types=[
          pltpu.VMEM((16, ZW), jnp.float32),
          pltpu.VMEM((ZW, 16), jnp.float32),
          pltpu.SemaphoreType.DMA, pltpu.SemaphoreType.DMA,
      ],
  )
  return f(z_buf, zeros_z)


def _sc_sparse(z_rows, src, tgt, w, zeros_c):
  mesh = plsc.VectorSubcoreMesh(core_axis_name="c", subcore_axis_name="s")
  f = pl.kernel(
      _sc_body,
      out_type=jax.ShapeDtypeStruct((NR, N, 16), jnp.float32),
      mesh=mesh,
      compiler_params=pltpu.CompilerParams(use_tc_tiling_on_sc=False),
      scratch_types=[
          pltpu.VMEM_SHARED((ACC_ROWS, 16), jnp.float32),
          pltpu.VMEM((C,), jnp.int32), pltpu.VMEM((C,), jnp.int32),
          pltpu.VMEM((C,), jnp.int32), pltpu.VMEM((C,), jnp.int32),
          pltpu.VMEM((C,), jnp.float32), pltpu.VMEM((C,), jnp.float32),
          pltpu.VMEM((C, 16), jnp.float32), pltpu.VMEM((C, 16), jnp.float32),
          pltpu.VMEM((C,), jnp.int32), pltpu.VMEM((C,), jnp.int32),
          pltpu.SemaphoreType.DMA, pltpu.SemaphoreType.DMA,
          pltpu.SemaphoreType.DMA, pltpu.SemaphoreType.DMA,
          pltpu.SemaphoreType.DMA, pltpu.SemaphoreType.DMA,
          pltpu.SemaphoreType.DMA, pltpu.SemaphoreType.DMA,
          pltpu.SemaphoreType.DMA, pltpu.SemaphoreType.DMA,
      ],
  )
  return f(z_rows, src, tgt, w, zeros_c)


TN = 4096


def _dense_body(rec4, prt, pct, sdt, pit, v, r, asc1, asc2, ext,
                pz, vth, el, vrst, dec, cf, pg, tref, a0, a1, k0, k1,
                nz_o, nv_o, nr_o, na1_o, na2_o, npr_o, npc_o):
  pr = prt[...]
  pc = pct[...]
  syn = sdt[...]
  pit_ = pit[...]
  for rr in range(NR):
    rec_r = jnp.transpose(rec4[rr])[:B]
    npr_o[rr] = syn[rr] * pr[rr] + rec_r * pit_[rr]
    npc_o[rr] = pc[rr] * syn[rr] + DT * syn[rr] * pr[rr]

  prev_z = pz[...]
  new_r = jnp.maximum(r[...] + prev_z * tref[...] - DT, 0.0)
  nr_o[...] = new_r

  na1_o[...] = jnp.exp(-DT * k0[...]) * asc1[...] + prev_z * a0[...]
  na2_o[...] = jnp.exp(-DT * k1[...]) * asc2[...] + prev_z * a1[...]

  input_current = ((pc[0] + pc[1]) + pc[2]) + pc[3] + ext[...]
  c1 = input_current + asc1[...] + asc2[...] + pg[...] * el[...]
  new_v0 = dec[...] * v[...] + cf[...] * c1
  v_sc = (new_v0 - vth[...]) / (vth[...] - el[...])
  spike = (v_sc > 0.0).astype(jnp.float32)
  new_z = jnp.where(new_r > 0.0, 0.0, spike)
  nz_o[...] = new_z
  nv_o[...] = new_v0 - new_z * (vth[...] - vrst[...])


def _dense_call(rec4, prt, pct, sdt, pit, v, r, asc1, asc2, ext,
                pz, vth, el, vrst, dec, cf, pg, tref, a0, a1, k0, k1):
  g = pl.cdiv(N, TN)
  s4 = pl.BlockSpec((NR, TN, 16), lambda i: (0, i, 0))
  s3 = pl.BlockSpec((NR, B, TN), lambda i: (0, 0, i))
  s3p = pl.BlockSpec((NR, 1, TN), lambda i: (0, 0, i))
  s2 = pl.BlockSpec((B, TN), lambda i: (0, i))
  s2p = pl.BlockSpec((1, TN), lambda i: (0, i))
  f2 = jax.ShapeDtypeStruct((B, N), jnp.float32)
  f3 = jax.ShapeDtypeStruct((NR, B, N), jnp.float32)
  return pl.pallas_call(
      _dense_body,
      grid=(g,),
      in_specs=[s4, s3, s3, s3p, s3p, s2, s2, s2, s2, s2, s2,
                s2p, s2p, s2p, s2p, s2p, s2p, s2p, s2p, s2p, s2p, s2p],
      out_specs=[s2, s2, s2, s2, s2, s3, s3],
      out_shape=[f2, f2, f2, f2, f2, f3, f3],
  )(rec4, prt, pct, sdt, pit, v, r, asc1, asc2, ext, pz,
    vth, el, vrst, dec, cf, pg, tref, a0, a1, k0, k1)


def kernel(z_buf, v, r, asc_1, asc_2, psc_rise, psc, external_current,
           rec_indices, rec_weights, v_th, e_l, v_reset, decay,
           current_factor, param_g, t_ref, asc_amps, k, syn_decay,
           psc_initial):
  src = rec_indices[:, 1]
  tgt = rec_indices[:, 0]
  zeros_z = jnp.zeros((16 - B, ZW), jnp.float32)
  z_rows = _sc_transpose(z_buf, zeros_z)
  zeros_c = jnp.zeros((C, 16), jnp.float32)
  i_rows = _sc_sparse(z_rows, src, tgt, rec_weights, zeros_c)

  prt = psc_rise.reshape(B, N, NR).transpose(2, 0, 1)
  pct = psc.reshape(B, N, NR).transpose(2, 0, 1)
  sdt = syn_decay.T.reshape(NR, 1, N)
  pit = psc_initial.T.reshape(NR, 1, N)
  pz = z_buf[:, :N]
  row = lambda x: x.reshape(1, N)

  new_z, new_v, new_r, na1, na2, nprt, npct = _dense_call(
      i_rows, prt, pct, sdt, pit, v, r, asc_1, asc_2,
      external_current, pz,
      row(v_th), row(e_l), row(v_reset), row(decay), row(current_factor),
      row(param_g), row(t_ref),
      row(asc_amps[:, 0]), row(asc_amps[:, 1]), row(k[:, 0]), row(k[:, 1]))

  new_psc_rise = nprt.transpose(1, 2, 0).reshape(B, N * NR)
  new_psc = npct.transpose(1, 2, 0).reshape(B, N * NR)
  new_z_buf = jnp.concatenate([new_z, z_buf[:, :N * (MAX_DELAY - 1)]], axis=1)
  return (new_z, new_v, new_r, na1, na2, new_psc_rise, new_psc, new_z_buf)

# --- scband reference (transcript-rebuilt; emitter-appended) ---
"""Pipeline reference for scband-billeh-column-59339268162065 (READ-ONLY COPY).

The authoritative reference and input builder live on the scoring server;
editing this copy changes nothing except your own understanding.
"""

import jax, jax.numpy as jnp
import numpy as np

N = 50000
NR = 4
MAX_DELAY = 5
E = 3200000
B = 12
DT = 1.0
LR_SCALE = 1.0
DAMPENING = 0.3

@jax.custom_vjp
def spike_function(v_scaled, dampening_factor):
    return (v_scaled > 0.0).astype(jnp.float32)

def _spike_fwd(v_scaled, dampening_factor):
    return spike_function(v_scaled, dampening_factor), (v_scaled, dampening_factor)

def _spike_bwd(res, dy):
    v_scaled, dampening_factor = res
    dz_dv = dampening_factor * jnp.maximum(1.0 - jnp.abs(v_scaled), 0.0)
    return (dy * dz_dv, jnp.zeros_like(dampening_factor))

spike_function.defvjp(_spike_fwd, _spike_bwd)

def setup_inputs(seed: int = 0):
    key = jax.random.key(seed)
    ks = jax.random.split(key, 16)
    z_buf = (jax.random.uniform(ks[0], (B, N * MAX_DELAY)) < 0.02).astype(jnp.float32)
    v = jax.random.uniform(ks[1], (B, N)) * 0.5
    r = jnp.zeros((B, N), jnp.float32)
    asc_1 = jax.random.normal(ks[2], (B, N)) * 0.01
    asc_2 = jax.random.normal(ks[3], (B, N)) * 0.01
    psc_rise = jax.random.uniform(ks[4], (B, N * NR)) * 0.1
    psc = jax.random.uniform(ks[5], (B, N * NR)) * 0.1
    external_current = jax.random.normal(ks[6], (B, N)) * 0.1
    tgt = jax.random.randint(ks[7], (E,), 0, N * NR, dtype=jnp.int32)
    src = jax.random.randint(ks[8], (E,), 0, N * MAX_DELAY, dtype=jnp.int32)
    rec_indices = jnp.stack([tgt, src], axis=1)
    rec_weights = jax.random.normal(ks[9], (E,)) * 0.01
    v_th = jnp.ones((N,), jnp.float32)
    e_l = jnp.zeros((N,), jnp.float32)
    v_reset = jnp.zeros((N,), jnp.float32)
    tau = jax.random.uniform(ks[10], (N,)) * 20.0 + 5.0
    decay = jnp.exp(-DT / tau)
    param_g = jax.random.uniform(ks[11], (N,)) * 4.0 + 1.0
    c_m = tau * param_g
    current_factor = (1.0 / c_m) * (1.0 - decay) * tau
    t_ref = jnp.ones((N,), jnp.float32) * 2.0
    asc_amps = jax.random.normal(ks[12], (N, 2)) * 0.01
    k = jax.random.uniform(ks[13], (N, 2)) * 0.2 + 0.05
    tau_syn = jax.random.uniform(ks[14], (N, NR)) * 5.0 + 1.0
    syn_decay = jnp.exp(-DT / tau_syn)
    psc_initial = np.e / tau_syn
    return {"z_buf": z_buf, "v": v, "r": r, "asc_1": asc_1, "asc_2": asc_2,
            "psc_rise": psc_rise, "psc": psc, "external_current": external_current,
            "rec_indices": rec_indices, "rec_weights": rec_weights, "v_th": v_th,
            "e_l": e_l, "v_reset": v_reset, "decay": decay,
            "current_factor": current_factor, "param_g": param_g, "t_ref": t_ref,
            "asc_amps": asc_amps, "k": k, "syn_decay": syn_decay,
            "psc_initial": jnp.asarray(psc_initial, jnp.float32)}

def reference(z_buf, v, r, asc_1, asc_2, psc_rise, psc, external_current,
              rec_indices, rec_weights, v_th, e_l, v_reset, decay, current_factor,
              param_g, t_ref, asc_amps, k, syn_decay, psc_initial):
    prev_z = z_buf[:, :N]
    tgt = rec_indices[:, 0]
    src = rec_indices[:, 1]
    # sparse recurrent matmul: gather delayed spikes, weight, scatter-add to (neuron, receptor)
    gathered = jnp.take(z_buf, src, axis=1) * rec_weights[None, :]
    i_rec = jax.vmap(lambda g_: jax.ops.segment_sum(g_, tgt, num_segments=N * NR))(gathered)
    rec_inputs = i_rec.reshape(B, N, NR) * LR_SCALE
    psc_rise_r = psc_rise.reshape(B, N, NR)
    psc_r = psc.reshape(B, N, NR)
    new_psc_rise = syn_decay[None] * psc_rise_r + rec_inputs * psc_initial[None]
    new_psc = psc_r * syn_decay[None] + DT * syn_decay[None] * psc_rise_r
    new_r = jnp.maximum(r + prev_z * t_ref[None] - DT, 0.0)
    exp_dt_k = jnp.exp(-DT * k)
    new_asc_1 = exp_dt_k[:, 0][None] * asc_1 + prev_z * asc_amps[:, 0][None]
    new_asc_2 = exp_dt_k[:, 1][None] * asc_2 + prev_z * asc_amps[:, 1][None]
    input_current = jnp.sum(psc_r, -1) + external_current
    decayed_v = decay[None] * v
    gathered_g = (param_g * e_l)[None]
    c1 = input_current + asc_1 + asc_2 + gathered_g
    new_v = decayed_v + current_factor[None] * c1
    normalizer = v_th - e_l
    v_sc = (new_v - v_th[None]) / normalizer[None]
    new_z = spike_function(v_sc, jnp.asarray(DAMPENING, jnp.float32))
    new_z = jnp.where(new_r > 0.0, jnp.zeros_like(new_z), new_z)
    reset_current = new_z * (v_th - v_reset)[None]
    new_v = new_v - reset_current
    new_z_buf = jnp.concatenate([new_z, z_buf[:, :N * (MAX_DELAY - 1)]], axis=1)
    return (new_z, new_v, new_r, new_asc_1, new_asc_2,
            new_psc_rise.reshape(B, N * NR), new_psc.reshape(B, N * NR), new_z_buf)

if __name__ == "__main__":
    import jax
    _d = setup_inputs()
    print(jax.jit(kernel)(*tuple(_d.values())))

</pallas_src>

<mosaic_0001>
#map = affine_map<(d0, d1) -> (0, 0)>
module attributes {stable_mosaic.version = 14 : i64} {
  func.func @_zt_body(%arg0: i32, %arg1: i32, %arg2: memref<12x250000xf32, #tpu.memory_space<hbm>>, %arg3: memref<4x2000xf32, #tpu.memory_space<hbm>>, %arg4: memref<250000x16xf32, #tpu.memory_space<hbm>>, %arg5: memref<16x2000xf32, #tpu.memory_space<vmem>>, %arg6: memref<2000x16xf32, #tpu.memory_space<vmem>>, %arg7: memref<!tpu.dma_semaphore, #tpu.memory_space<semaphore_mem>>, %arg8: memref<!tpu.dma_semaphore, #tpu.memory_space<semaphore_mem>>) attributes {dimension_semantics = [#tpu.dimension_semantics<core_parallel>, #tpu.dimension_semantics<subcore_parallel>], iteration_bounds = array<i64: 2, 16>, scalar_prefetch = 0 : i64, scratch_operands = 4 : i64, tpu.core_type = #tpu.core_type<sc_vector_subcore>, window_params = [{transform_indices = #map}, {transform_indices = #map}, {transform_indices = #map}]} {
    %mul3A = arith.constant 16 : i32
    %mul3A_0 = arith.muli %arg0, %mul3A : i32
    %add3A = arith.addi %mul3A_0, %arg1 : i32
    %iota3A = tpu.iota {dimensions = array<i32: 0>} : vector<16xi32>
    "tpu.region"() ({
      %run_scoped3A = tpu.sem_alloc : memref<!tpu.dma_semaphore, #tpu.memory_space<semaphore_mem>>
      %dma_start3A = arith.constant 12 : i32
      %dma_start3A_6 = arith.constant 0 : i32
      %dma_start3A_7 = tpu.memref_slice %arg5[%dma_start3A, %dma_start3A_6] : memref<16x2000xf32, #tpu.memory_space<vmem>> -> memref<4x2000xf32, #tpu.memory_space<vmem>>
      %dma_start3A_8 = arith.constant 12 : i32
      %dma_start3A_9 = arith.constant 0 : i32
      %dma_start3A_10 = tpu.memref_slice %arg5[%dma_start3A_8, %dma_start3A_9] : memref<16x2000xf32, #tpu.memory_space<vmem>> -> memref<4x2000xf32, #tpu.memory_space<vmem>>
      tpu.enqueue_dma source(%arg3 : memref<4x2000xf32, #tpu.memory_space<hbm>>) target(%dma_start3A_10 : memref<4x2000xf32, #tpu.memory_space<vmem>>) target_semaphore(%run_scoped3A : memref<!tpu.dma_semaphore, #tpu.memory_space<semaphore_mem>>)
      %dma_wait3A = arith.constant 12 : i32
      %dma_wait3A_11 = arith.constant 0 : i32
      %dma_wait3A_12 = tpu.memref_slice %arg5[%dma_wait3A, %dma_wait3A_11] : memref<16x2000xf32, #tpu.memory_space<vmem>> -> memref<4x2000xf32, #tpu.memory_space<vmem>>
      %dma_wait3A_13 = arith.constant 12 : i32
      %dma_wait3A_14 = arith.constant 0 : i32
      %dma_wait3A_15 = tpu.memref_slice %arg5[%dma_wait3A_13, %dma_wait3A_14] : memref<16x2000xf32, #tpu.memory_space<vmem>> -> memref<4x2000xf32, #tpu.memory_space<vmem>>
      tpu.wait_dma2 semaphore(%run_scoped3A : memref<!tpu.dma_semaphore, #tpu.memory_space<semaphore_mem>>) src(%arg3 : memref<4x2000xf32, #tpu.memory_space<hbm>>) dst(%dma_wait3A_15 : memref<4x2000xf32, #tpu.memory_space<vmem>>)
      tpu.yield
    }) : () -> ()
    %scan3A = arith.constant 0 : i32
    %scan3A_1 = arith.constant 0 : i32
    %scan3A_2 = arith.constant 4 : i32
    %scan3A_3 = arith.addi %scan3A_1, %scan3A_2 : i32
    %scan3A_4 = arith.constant 1 : i32
    scf.for %scan3A_6 = %scan3A_1 to %scan3A_3 step %scan3A_4  : i32 {
      %mul3A_7 = arith.constant 4 : i32
      %mul3A_8 = arith.muli %add3A, %mul3A_7 : i32
      %add3A_9 = arith.addi %mul3A_8, %scan3A_6 : i32
      %lt3A = arith.constant 125 : i32
      %lt3A_10 = arith.cmpi slt, %add3A_9, %lt3A : i32
      %convert_element_type3A = arith.extui %lt3A_10 : i1 to i32
      %cond3A = arith.constant 0 : i32
      %cond3A_11 = arith.cmpi ne, %convert_element_type3A, %cond3A : i32
      scf.if %cond3A_11 {
        %mul3A_12 = arith.constant 2000 : i32
        %mul3A_13 = arith.muli %add3A_9, %mul3A_12 : i32
        %multiple_of3A = tpu.assume_multiple %mul3A_13, 8 : i32
        %dma_start3A = arith.constant 0 : i32
        %dma_start3A_14 = arith.constant 0 : i32
        %dma_start3A_15 = arith.constant 0 : i32
        %dma_start3A_16 = tpu.memref_slice %arg5[%dma_start3A_14, %dma_start3A_15] : memref<16x2000xf32, #tpu.memory_space<vmem>> -> memref<1x2000xf32, #tpu.memory_space<vmem>>
        %dma_start3A_17 = tpu.memref_squeeze %dma_start3A_16 : memref<1x2000xf32, #tpu.memory_space<vmem>> -> memref<2000xf32, #tpu.memory_space<vmem>>
        %dma_start3A_18 = tpu.memref_slice %arg2[%dma_start3A, %multiple_of3A] : memref<12x250000xf32, #tpu.memory_space<hbm>> -> memref<1x2000xf32, #tpu.memory_space<hbm>>
        %dma_start3A_19 = tpu.memref_squeeze %dma_start3A_18 : memref<1x2000xf32, #tpu.memory_space<hbm>> -> memref<2000xf32, #tpu.memory_space<hbm>>
        %dma_start3A_20 = arith.constant 0 : i32
        %dma_start3A_21 = tpu.memref_slice %arg5[%dma_start3A_14, %dma_start3A_20] : memref<16x2000xf32, #tpu.memory_space<vmem>> -> memref<1x2000xf32, #tpu.memory_space<vmem>>
        %dma_start3A_22 = tpu.memref_squeeze %dma_start3A_21 : memref<1x2000xf32, #tpu.memory_space<vmem>> -> memref<2000xf32, #tpu.memory_space<vmem>>
        %dma_start3A_23 = tpu.memref_slice %arg2[%dma_start3A, %multiple_of3A] : memref<12x250000xf32, #tpu.memory_space<hbm>> -> memref<1x2000xf32, #tpu.memory_space<hbm>>
        %dma_start3A_24 = tpu.memref_squeeze %dma_start3A_23 : memref<1x2000xf32, #tpu.memory_space<hbm>> -> memref<2000xf32, #tpu.memory_space<hbm>>
        tpu.enqueue_dma source(%dma_start3A_24 : memref<2000xf32, #tpu.memory_space<hbm>>) target(%dma_start3A_22 : memref<2000xf32, #tpu.memory_space<vmem>>) target_semaphore(%arg7 : memref<!tpu.dma_semaphore, #tpu.memory_space<semaphore_mem>>)
        %dma_start3A_25 = arith.constant 1 : i32
        %dma_start3A_26 = arith.constant 1 : i32
        %dma_start3A_27 = arith.constant 0 : i32
        %dma_start3A_28 = tpu.memref_slice %arg5[%dma_start3A_26, %dma_start3A_27] : memref<16x2000xf32, #tpu.memory_space<vmem>> -> memref<1x2000xf32, #tpu.memory_space<vmem>>
        %dma_start3A_29 = tpu.memref_squeeze %dma_start3A_28 : memref<1x2000xf32, #tpu.memory_space<vmem>> -> memref<2000xf32, #tpu.memory_space<vmem>>
        %dma_start3A_30 = tpu.memref_slice %arg2[%dma_start3A_25, %multiple_of3A] : memref<12x250000xf32, #tpu.memory_space<hbm>> -> memref<1x2000xf32, #tpu.memory_space<hbm>>
        %dma_start3A_31 = tpu.memref_squeeze %dma_start3A_30 : memref<1x2000xf32, #tpu.memory_space<hbm>> -> memref<2000xf32, #tpu.memory_space<hbm>>
        %dma_start3A_32 = arith.constant 0 : i32
        %dma_start3A_33 = tpu.memref_slice %arg5[%dma_start3A_26, %dma_start3A_32] : memref<16x2000xf32, #tpu.memory_space<vmem>> -> memref<1x2000xf32, #tpu.memory_space<vmem>>
        %dma_start3A_34 = tpu.memref_squeeze %dma_start3A_33 : memref<1x2000xf32, #tpu.memory_space<vmem>> -> memref<2000xf32, #tpu.memory_space<vmem>>
        %dma_start3A_35 = tpu.memref_slice %arg2[%dma_start3A_25, %multiple_of3A] : memref<12x250000xf32, #tpu.memory_space<hbm>> -> memref<1x2000xf32, #tpu.memory_space<hbm>>
        %dma_start3A_36 = tpu.memref_squeeze %dma_start3A_35 : memref<1x2000xf32, #tpu.memory_space<hbm>> -> memref<2000xf32, #tpu.memory_space<hbm>>
        tpu.enqueue_dma source(%dma_start3A_36 : memref<2000xf32, #tpu.memory_space<hbm>>) target(%dma_start3A_34 : memref<2000xf32, #tpu.memory_space<vmem>>) target_semaphore(%arg7 : memref<!tpu.dma_semaphore, #tpu.memory_space<semaphore_mem>>)
        %dma_start3A_37 = arith.constant 2 : i32
        %dma_start3A_38 = arith.constant 2 : i32
        %dma_start3A_39 = arith.constant 0 : i32
        %dma_start3A_40 = tpu.memref_slice %arg5[%dma_start3A_38, %dma_start3A_39] : memref<16x2000xf32, #tpu.memory_space<vmem>> -> memref<1x2000xf32, #tpu.memory_space<vmem>>
        %dma_start3A_41 = tpu.memref_squeeze %dma_start3A_40 : memref<1x2000xf32, #tpu.memory_space<vmem>> -> memref<2000xf32, #tpu.memory_space<vmem>>
        %dma_start3A_42 = tpu.memref_slice %arg2[%dma_start3A_37, %multiple_of3A] : memref<12x250000xf32, #tpu.memory_space<hbm>> -> memref<1x2000xf32, #tpu.memory_space<hbm>>
        %dma_start3A_43 = tpu.memref_squeeze %dma_start3A_42 : memref<1x2000xf32, #tpu.memory_space<hbm>> -> memref<2000xf32, #tpu.memory_space<hbm>>
        %dma_start3A_44 = arith.constant 0 : i32
        %dma_start3A_45 = tpu.memref_slice %arg5[%dma_start3A_38, %dma_start3A_44] : memref<16x2000xf32, #tpu.memory_space<vmem>> -> memref<1x2000xf32, #tpu.memory_space<vmem>>
        %dma_start3A_46 = tpu.memref_squeeze %dma_start3A_45 : memref<1x2000xf32, #tpu.memory_space<vmem>> -> memref<2000xf32, #tpu.memory_space<vmem>>
        %dma_start3A_47 = tpu.memref_slice %arg2[%dma_start3A_37, %multiple_of3A] : memref<12x250000xf32, #tpu.memory_space<hbm>> -> memref<1x2000xf32, #tpu.memory_space<hbm>>
        %dma_start3A_48 = tpu.memref_squeeze %dma_start3A_47 : memref<1x2000xf32, #tpu.memory_space<hbm>> -> memref<2000xf32, #tpu.memory_space<hbm>>
        tpu.enqueue_dma source(%dma_start3A_48 : memref<2000xf32, #tpu.memory_space<hbm>>) target(%dma_start3A_46 : memref<2000xf32, #tpu.memory_space<vmem>>) target_semaphore(%arg7 : memref<!tpu.dma_semaphore, #tpu.memory_space<semaphore_mem>>)
        %dma_start3A_49 = arith.constant 3 : i32
        %dma_start3A_50 = arith.constant 3 : i32
        %dma_start3A_51 = arith.constant 0 : i32
        %dma_start3A_52 = tpu.memref_slice %arg5[%dma_start3A_50, %dma_start3A_51] : memref<16x2000xf32, #tpu.memory_space<vmem>> -> memref<1x2000xf32, #tpu.memory_space<vmem>>
        %dma_start3A_53 = tpu.memref_squeeze %dma_start3A_52 : memref<1x2000xf32, #tpu.memory_space<vmem>> -> memref<2000xf32, #tpu.memory_space<vmem>>
        %dma_start3A_54 = tpu.memref_slice %arg2[%dma_start3A_49, %multiple_of3A] : memref<12x250000xf32, #tpu.memory_space<hbm>> -> memref<1x2000xf32, #tpu.memory_space<hbm>>
        %dma_start3A_55 = tpu.memref_squeeze %dma_start3A_54 : memref<1x2000xf32, #tpu.memory_space<hbm>> -> memref<2000xf32, #tpu.memory_space<hbm>>
        %dma_start3A_56 = arith.constant 0 : i32
        %dma_start3A_57 = tpu.memref_slice %arg5[%dma_start3A_50, %dma_start3A_56] : memref<16x2000xf32, #tpu.memory_space<vmem>> -> memref<1x2000xf32, #tpu.memory_space<vmem>>
        %dma_start3A_58 = tpu.memref_squeeze %dma_start3A_57 : memref<1x2000xf32, #tpu.memory_space<vmem>> -> memref<2000xf32, #tpu.memory_space<vmem>>
        %dma_start3A_59 = tpu.memref_slice %arg2[%dma_start3A_49, %multiple_of3A] : memref<12x250000xf32, #tpu.memory_space<hbm>> -> memref<1x2000xf32, #tpu.memory_space<hbm>>
        %dma_start3A_60 = tpu.memref_squeeze %dma_start3A_59 : memref<1x2000xf32, #tpu.memory_space<hbm>> -> memref<2000xf32, #tpu.memory_space<hbm>>
        tpu.enqueue_dma source(%dma_start3A_60 : memref<2000xf32, #tpu.memory_space<hbm>>) target(%dma_start3A_58 : memref<2000xf32, #tpu.memory_space<vmem>>) target_semaphore(%arg7 : memref<!tpu.dma_semaphore, #tpu.memory_space<semaphore_mem>>)
        %dma_start3A_61 = arith.constant 4 : i32
        %dma_start3A_62 = arith.constant 4 : i32
        %dma_start3A_63 = arith.constant 0 : i32
        %dma_start3A_64 = tpu.memref_slice %arg5[%dma_start3A_62, %dma_start3A_63] : memref<16x2000xf32, #tpu.memory_space<vmem>> -> memref<1x2000xf32, #tpu.memory_space<vmem>>
        %dma_start3A_65 = tpu.memref_squeeze %dma_start3A_64 : memref<1x2000xf32, #tpu.memory_space<vmem>> -> memref<2000xf32, #tpu.memory_space<vmem>>
        %dma_start3A_66 = tpu.memref_slice %arg2[%dma_start3A_61, %multiple_of3A] : memref<12x250000xf32, #tpu.memory_space<hbm>> -> memref<1x2000xf32, #tpu.memory_space<hbm>>
        %dma_start3A_67 = tpu.memref_squeeze %dma_start3A_66 : memref<1x2000xf32, #tpu.memory_space<hbm>> -> memref<2000xf32, #tpu.memory_space<hbm>>
        %dma_start3A_68 = arith.constant 0 : i32
        %dma_start3A_69 = tpu.memref_slice %arg5[%dma_start3A_62, %dma_start3A_68] : memref<16x2000xf32, #tpu.memory_space<vmem>> -> memref<1x2000xf32, #tpu.memory_space<vmem>>
        %dma_start3A_70 = tpu.memref_squeeze %dma_start3A_69 : memref<1x2000xf32, #tpu.memory_space<vmem>> -> memref<2000xf32, #tpu.memory_space<vmem>>
        %dma_start3A_71 = tpu.memref_slice %arg2[%dma_start3A_61, %multiple_of3A] : memref<12x250000xf32, #tpu.memory_space<hbm>> -> memref<1x2000xf32, #tpu.memory_space<hbm>>
        %dma_start3A_72 = tpu.memref_squeeze %dma_start3A_71 : memref<1x2000xf32, #tpu.memory_space<hbm>> -> memref<2000xf32, #tpu.memory_space<hbm>>
        tpu.enqueue_dma source(%dma_start3A_72 : memref<2000xf32, #tpu.memory_space<hbm>>) target(%dma_start3A_70 : memref<2000xf32, #tpu.memory_space<vmem>>) target_semaphore(%arg7 : memref<!tpu.dma_semaphore, #tpu.memory_space<semaphore_mem>>)
        %dma_start3A_73 = arith.constant 5 : i32
        %dma_start3A_74 = arith.constant 5 : i32
        %dma_start3A_75 = arith.constant 0 : i32
        %dma_start3A_76 = tpu.memref_slice %arg5[%dma_start3A_74, %dma_start3A_75] : memref<16x2000xf32, #tpu.memory_space<vmem>> -> memref<1x2000xf32, #tpu.memory_space<vmem>>
        %dma_start3A_77 = tpu.memref_squeeze %dma_start3A_76 : memref<1x2000xf32, #tpu.memory_space<vmem>> -> memref<2000xf32, #tpu.memory_space<vmem>>
        %dma_start3A_78 = tpu.memref_slice %arg2[%dma_start3A_73, %multiple_of3A] : memref<12x250000xf32, #tpu.memory_space<hbm>> -> memref<1x2000xf32, #tpu.memory_space<hbm>>
        %dma_start3A_79 = tpu.memref_squeeze %dma_start3A_78 : memref<1x2000xf32, #tpu.memory_space<hbm>> -> memref<2000xf32, #tpu.memory_space<hbm>>
        %dma_start3A_80 = arith.constant 0 : i32
        %dma_start3A_81 = tpu.memref_slice %arg5[%dma_start3A_74, %dma_start3A_80] : memref<16x2000xf32, #tpu.memory_space<vmem>> -> memref<1x2000xf32, #tpu.memory_space<vmem>>
        %dma_start3A_82 = tpu.memref_squeeze %dma_start3A_81 : memref<1x2000xf32, #tpu.memory_space<vmem>> -> memref<2000xf32, #tpu.memory_space<vmem>>
        %dma_start3A_83 = tpu.memref_slice %arg2[%dma_start3A_73, %multiple_of3A] : memref<12x250000xf32, #tpu.memory_space<hbm>> -> memref<1x2000xf32, #tpu.memory_space<hbm>>
        %dma_start3A_84 = tpu.memref_squeeze %dma_start3A_83 : memref<1x2000xf32, #tpu.memory_space<hbm>> -> memref<2000xf32, #tpu.memory_space<hbm>>
        tpu.enqueue_dma source(%dma_start3A_84 : memref<2000xf32, #tpu.memory_space<hbm>>) target(%dma_start3A_82 : memref<2000xf32, #tpu.memory_space<vmem>>) target_semaphore(%arg7 : memref<!tpu.dma_semaphore, #tpu.memory_space<semaphore_mem>>)
        %dma_start3A_85 = arith.constant 6 : i32
        %dma_start3A_86 = arith.constant 6 : i32
        %dma_start3A_87 = arith.constant 0 : i32
        %dma_start3A_88 = tpu.memref_slice %arg5[%dma_start3A_86, %dma_start3A_87] : memref<16x2000xf32, #tpu.memory_space<vmem>> -> memref<1x2000xf32, #tpu.memory_space<vmem>>
        %dma_start3A_89 = tpu.memref_squeeze %dma_start3A_88 : memref<1x2000xf32, #tpu.memory_space<vmem>> -> memref<2000xf32, #tpu.memory_space<vmem>>
        %dma_start3A_90 = tpu.memref_slice %arg2[%dma_start3A_85, %multiple_of3A] : memref<12x250000xf32, #tpu.memory_space<hbm>> -> memref<1x2000xf32, #tpu.memory_space<hbm>>
        %dma_start3A_91 = tpu.memref_squeeze %dma_start3A_90 : memref<1x2000xf32, #tpu.memory_space<hbm>> -> memref<2000xf32, #tpu.memory_space<hbm>>
        %dma_start3A_92 = arith.constant 0 : i32
        %dma_start3A_93 = tpu.memref_slice %arg5[%dma_start3A_86, %dma_start3A_92] : memref<16x2000xf32, #tpu.memory_space<vmem>> -> memref<1x2000xf32, #tpu.memory_space<vmem>>
        %dma_start3A_94 = tpu.memref_squeeze %dma_start3A_93 : memref<1x2000xf32, #tpu.memory_space<vmem>> -> memref<2000xf32, #tpu.memory_space<vmem>>
        %dma_start3A_95 = tpu.memref_slice %arg2[%dma_start3A_85, %multiple_of3A] : memref<12x250000xf32, #tpu.memory_space<hbm>> -> memref<1x2000xf32, #tpu.memory_space<hbm>>
        %dma_start3A_96 = tpu.memref_squeeze %dma_start3A_95 : memref<1x2000xf32, #tpu.memory_space<hbm>> -> memref<2000xf32, #tpu.memory_space<hbm>>
        tpu.enqueue_dma source(%dma_start3A_96 : memref<2000xf32, #tpu.memory_space<hbm>>) target(%dma_start3A_94 : memref<2000xf32, #tpu.memory_space<vmem>>) target_semaphore(%arg7 : memref<!tpu.dma_semaphore, #tpu.memory_space<semaphore_mem>>)
        %dma_start3A_97 = arith.constant 7 : i32
        %dma_start3A_98 = arith.constant 7 : i32
        %dma_start3A_99 = arith.constant 0 : i32
        %dma_start3A_100 = tpu.memref_slice %arg5[%dma_start3A_98, %dma_start3A_99] : memref<16x2000xf32, #tpu.memory_space<vmem>> -> memref<1x2000xf32, #tpu.memory_space<vmem>>
        %dma_start3A_101 = tpu.memref_squeeze %dma_start3A_100 : memref<1x2000xf32, #tpu.memory_space<vmem>> -> memref<2000xf32, #tpu.memory_space<vmem>>
        %dma_start3A_102 = tpu.memref_slice %arg2[%dma_start3A_97, %multiple_of3A] : memref<12x250000xf32, #tpu.memory_space<hbm>> -> memref<1x2000xf32, #tpu.memory_space<hbm>>
        %dma_start3A_103 = tpu.memref_squeeze %dma_start3A_102 : memref<1x2000xf32, #tpu.memory_space<hbm>> -> memref<2000xf32, #tpu.memory_space<hbm>>
        %dma_start3A_104 = arith.constant 0 : i32
        %dma_start3A_105 = tpu.memref_slice %arg5[%dma_start3A_98, %dma_start3A_104] : memref<16x2000xf32, #tpu.memory_space<vmem>> -> memref<1x2000xf32, #tpu.memory_space<vmem>>
        %dma_start3A_106 = tpu.memref_squeeze %dma_start3A_105 : memref<1x2000xf32, #tpu.memory_space<vmem>> -> memref<2000xf32, #tpu.memory_space<vmem>>
        %dma_start3A_107 = tpu.memref_slice %arg2[%dma_start3A_97, %multiple_of3A] : memref<12x250000xf32, #tpu.memory_space<hbm>> -> memref<1x2000xf32, #tpu.memory_space<hbm>>
        %dma_start3A_108 = tpu.memref_squeeze %dma_start3A_107 : memref<1x2000xf32, #tpu.memory_space<hbm>> -> memref<2000xf32, #tpu.memory_space<hbm>>
        tpu.enqueue_dma source(%dma_start3A_108 : memref<2000xf32, #tpu.memory_space<hbm>>) target(%dma_start3A_106 : memref<2000xf32, #tpu.memory_space<vmem>>) target_semaphore(%arg7 : memref<!tpu.dma_semaphore, #tpu.memory_space<semaphore_mem>>)
        %dma_start3A_109 = arith.constant 8 : i32
        %dma_start3A_110 = arith.constant 8 : i32
        %dma_start3A_111 = arith.constant 0 : i32
        %dma_start3A_112 = tpu.memref_slice %arg5[%dma_start3A_110, %dma_start3A_111] : memref<16x2000xf32, #tpu.memory_space<vmem>> -> memref<1x2000xf32, #tpu.memory_space<vmem>>
        %dma_start3A_113 = tpu.memref_squeeze %dma_start3A_112 : memref<1x2000xf32, #tpu.memory_space<vmem>> -> memref<2000xf32, #tpu.memory_space<vmem>>
        %dma_start3A_114 = tpu.memref_slice %arg2[%dma_start3A_109, %multiple_of3A] : memref<12x250000xf32, #tpu.memory_space<hbm>> -> memref<1x2000xf32, #tpu.memory_space<hbm>>
        %dma_start3A_115 = tpu.memref_squeeze %dma_start3A_114 : memref<1x2000xf32, #tpu.memory_space<hbm>> -> memref<2000xf32, #tpu.memory_space<hbm>>
        %dma_start3A_116 = arith.constant 0 : i32
        %dma_start3A_117 = tpu.memref_slice %arg5[%dma_start3A_110, %dma_start3A_116] : memref<16x2000xf32, #tpu.memory_space<vmem>> -> memref<1x2000xf32, #tpu.memory_space<vmem>>
        %dma_start3A_118 = tpu.memref_squeeze %dma_start3A_117 : memref<1x2000xf32, #tpu.memory_space<vmem>> -> memref<2000xf32, #tpu.memory_space<vmem>>
        %dma_start3A_119 = tpu.memref_slice %arg2[%dma_start3A_109, %multiple_of3A] : memref<12x250000xf32, #tpu.memory_space<hbm>> -> memref<1x2000xf32, #tpu.memory_space<hbm>>
        %dma_start3A_120 = tpu.memref_squeeze %dma_start3A_119 : memref<1x2000xf32, #tpu.memory_space<hbm>> -> memref<2000xf32, #tpu.memory_space<hbm>>
        tpu.enqueue_dma source(%dma_start3A_120 : memref<2000xf32, #tpu.memory_space<hbm>>) target(%dma_start3A_118 : memref<2000xf32, #tpu.memory_space<vmem>>) target_semaphore(%arg7 : memref<!tpu.dma_semaphore, #tpu.memory_space<semaphore_mem>>)
        %dma_start3A_121 = arith.constant 9 : i32
        %dma_start3A_122 = arith.constant 9 : i32
        %dma_start3A_123 = arith.constant 0 : i32
        %dma_start3A_124 = tpu.memref_slice %arg5[%dma_start3A_122, %dma_start3A_123] : memref<16x2000xf32, #tpu.memory_space<vmem>> -> memref<1x2000xf32, #tpu.memory_space<vmem>>
        %dma_start3A_125 = tpu.memref_squeeze %dma_start3A_124 : memref<1x2000xf32, #tpu.memory_space<vmem>> -> memref<2000xf32, #tpu.memory_space<vmem>>
        %dma_start3A_126 = tpu.memref_slice %arg2[%dma_start3A_121, %multiple_of3A] : memref<12x250000xf32, #tpu.memory_space<hbm>> -> memref<1x2000xf32, #tpu.memory_space<hbm>>
        %dma_start3A_127 = tpu.memref_squeeze %dma_start3A_126 : memref<1x2000xf32, #tpu.memory_space<hbm>> -> memref<2000xf32, #tpu.memory_space<hbm>>
        %dma_start3A_128 = arith.constant 0 : i32
        %dma_start3A_129 = tpu.memref_slice %arg5[%dma_start3A_122, %dma_start3A_128] : memref<16x2000xf32, #tpu.memory_space<vmem>> -> memref<1x2000xf32, #tpu.memory_space<vmem>>
        %dma_start3A_130 = tpu.memref_squeeze %dma_start3A_129 : memref<1x2000xf32, #tpu.memory_space<vmem>> -> memref<2000xf32, #tpu.memory_space<vmem>>
        %dma_start3A_131 = tpu.memref_slice %arg2[%dma_start3A_121, %multiple_of3A] : memref<12x250000xf32, #tpu.memory_space<hbm>> -> memref<1x2000xf32, #tpu.memory_space<hbm>>
        %dma_start3A_132 = tpu.memref_squeeze %dma_start3A_131 : memref<1x2000xf32, #tpu.memory_space<hbm>> -> memref<2000xf32, #tpu.memory_space<hbm>>
        tpu.enqueue_dma source(%dma_start3A_132 : memref<2000xf32, #tpu.memory_space<hbm>>) target(%dma_start3A_130 : memref<2000xf32, #tpu.memory_space<vmem>>) target_semaphore(%arg7 : memref<!tpu.dma_semaphore, #tpu.memory_space<semaphore_mem>>)
        %dma_start3A_133 = arith.constant 10 : i32
        %dma_start3A_134 = arith.constant 10 : i32
        %dma_start3A_135 = arith.constant 0 : i32
        %dma_start3A_136 = tpu.memref_slice %arg5[%dma_start3A_134, %dma_start3A_135] : memref<16x2000xf32, #tpu.memory_space<vmem>> -> memref<1x2000xf32, #tpu.memory_space<vmem>>
        %dma_start3A_137 = tpu.memref_squeeze %dma_start3A_136 : memref<1x2000xf32, #tpu.memory_space<vmem>> -> memref<2000xf32, #tpu.memory_space<vmem>>
        %dma_start3A_138 = tpu.memref_slice %arg2[%dma_start3A_133, %multiple_of3A] : memref<12x250000xf32, #tpu.memory_space<hbm>> -> memref<1x2000xf32, #tpu.memory_space<hbm>>
        %dma_start3A_139 = tpu.memref_squeeze %dma_start3A_138 : memref<1x2000xf32, #tpu.memory_space<hbm>> -> memref<2000xf32, #tpu.memory_space<hbm>>
        %dma_start3A_140 = arith.constant 0 : i32
        %dma_start3A_141 = tpu.memref_slice %arg5[%dma_start3A_134, %dma_start3A_140] : memref<16x2000xf32, #tpu.memory_space<vmem>> -> memref<1x2000xf32, #tpu.memory_space<vmem>>
        %dma_start3A_142 = tpu.memref_squeeze %dma_start3A_141 : memref<1x2000xf32, #tpu.memory_space<vmem>> -> memref<2000xf32, #tpu.memory_space<vmem>>
        %dma_start3A_143 = tpu.memref_slice %arg2[%dma_start3A_133, %multiple_of3A] : memref<12x250000xf32, #tpu.memory_space<hbm>> -> memref<1x2000xf32, #tpu.memory_space<hbm>>
        %dma_start3A_144 = tpu.memref_squeeze %dma_start3A_143 : memref<1x2000xf32, #tpu.memory_space<hbm>> -> memref<2000xf32, #tpu.memory_space<hbm>>
        tpu.enqueue_dma source(%dma_start3A_144 : memref<2000xf32, #tpu.memory_space<hbm>>) target(%dma_start3A_142 : memref<2000xf32, #tpu.memory_space<vmem>>) target_semaphore(%arg7 : memref<!tpu.dma_semaphore, #tpu.memory_space<semaphore_mem>>)
        %dma_start3A_145 = arith.constant 11 : i32
        %dma_start3A_146 = arith.constant 11 : i32
        %dma_start3A_147 = arith.constant 0 : i32
        %dma_start3A_148 = tpu.memref_slice %arg5[%dma_start3A_146, %dma_start3A_147] : memref<16x2000xf32, #tpu.memory_space<vmem>> -> memref<1x2000xf32, #tpu.memory_space<vmem>>
        %dma_start3A_149 = tpu.memref_squeeze %dma_start3A_148 : memref<1x2000xf32, #tpu.memory_space<vmem>> -> memref<2000xf32, #tpu.memory_space<vmem>>
        %dma_start3A_150 = tpu.memref_slice %arg2[%dma_start3A_145, %multiple_of3A] : memref<12x250000xf32, #tpu.memory_space<hbm>> -> memref<1x2000xf32, #tpu.memory_space<hbm>>
        %dma_start3A_151 = tpu.memref_squeeze %dma_start3A_150 : memref<1x2000xf32, #tpu.memory_space<hbm>> -> memref<2000xf32, #tpu.memory_space<hbm>>
        %dma_start3A_152 = arith.constant 0 : i32
        %dma_start3A_153 = tpu.memref_slice %arg5[%dma_start3A_146, %dma_start3A_152] : memref<16x2000xf32, #tpu.memory_space<vmem>> -> memref<1x2000xf32, #tpu.memory_space<vmem>>
        %dma_start3A_154 = tpu.memref_squeeze %dma_start3A_153 : memref<1x2000xf32, #tpu.memory_space<vmem>> -> memref<2000xf32, #tpu.memory_space<vmem>>
        %dma_start3A_155 = tpu.memref_slice %arg2[%dma_start3A_145, %multiple_of3A] : memref<12x250000xf32, #tpu.memory_space<hbm>> -> memref<1x2000xf32, #tpu.memory_space<hbm>>
        %dma_start3A_156 = tpu.memref_squeeze %dma_start3A_155 : memref<1x2000xf32, #tpu.memory_space<hbm>> -> memref<2000xf32, #tpu.memory_space<hbm>>
        tpu.enqueue_dma source(%dma_start3A_156 : memref<2000xf32, #tpu.memory_space<hbm>>) target(%dma_start3A_154 : memref<2000xf32, #tpu.memory_space<vmem>>) target_semaphore(%arg7 : memref<!tpu.dma_semaphore, #tpu.memory_space<semaphore_mem>>)
        %dma_wait3A = arith.constant 0 : i32
        %dma_wait3A_157 = arith.constant 0 : i32
        %dma_wait3A_158 = arith.constant 0 : i32
        %dma_wait3A_159 = tpu.memref_slice %arg5[%dma_wait3A_157, %dma_wait3A_158] : memref<16x2000xf32, #tpu.memory_space<vmem>> -> memref<1x2000xf32, #tpu.memory_space<vmem>>
        %dma_wait3A_160 = tpu.memref_squeeze %dma_wait3A_159 : memref<1x2000xf32, #tpu.memory_space<vmem>> -> memref<2000xf32, #tpu.memory_space<vmem>>
        %dma_wait3A_161 = tpu.memref_slice %arg2[%dma_wait3A, %multiple_of3A] : memref<12x250000xf32, #tpu.memory_space<hbm>> -> memref<1x2000xf32, #tpu.memory_space<hbm>>
        %dma_wait3A_162 = tpu.memref_squeeze %dma_wait3A_161 : memref<1x2000xf32, #tpu.memory_space<hbm>> -> memref<2000xf32, #tpu.memory_space<hbm>>
        %dma_wait3A_163 = arith.constant 0 : i32
        %dma_wait3A_164 = tpu.memref_slice %arg5[%dma_wait3A_157, %dma_wait3A_163] : memref<16x2000xf32, #tpu.memory_space<vmem>> -> memref<1x2000xf32, #tpu.memory_space<vmem>>
        %dma_wait3A_165 = tpu.memref_squeeze %dma_wait3A_164 : memref<1x2000xf32, #tpu.memory_space<vmem>> -> memref<2000xf32, #tpu.memory_space<vmem>>
        %dma_wait3A_166 = tpu.memref_slice %arg2[%dma_wait3A, %multiple_of3A] : memref<12x250000xf32, #tpu.memory_space<hbm>> -> memref<1x2000xf32, #tpu.memory_space<hbm>>
        %dma_wait3A_167 = tpu.memref_squeeze %dma_wait3A_166 : memref<1x2000xf32, #tpu.memory_space<hbm>> -> memref<2000xf32, #tpu.memory_space<hbm>>
        tpu.wait_dma2 semaphore(%arg7 : memref<!tpu.dma_semaphore, #tpu.memory_space<semaphore_mem>>) src(%dma_wait3A_167 : memref<2000xf32, #tpu.memory_space<hbm>>) dst(%dma_wait3A_165 : memref<2000xf32, #tpu.memory_space<vmem>>)
        %dma_wait3A_168 = arith.constant 1 : i32
        %dma_wait3A_169 = arith.constant 1 : i32
        %dma_wait3A_170 = arith.constant 0 : i32
        %dma_wait3A_171 = tpu.memref_slice %arg5[%dma_wait3A_169, %dma_wait3A_170] : memref<16x2000xf32, #tpu.memory_space<vmem>> -> memref<1x2000xf32, #tpu.memory_space<vmem>>
        %dma_wait3A_172 = tpu.memref_squeeze %dma_wait3A_171 : memref<1x2000xf32, #tpu.memory_space<vmem>> -> memref<2000xf32, #tpu.memory_space<vmem>>
        %dma_wait3A_173 = tpu.memref_slice %arg2[%dma_wait3A_168, %multiple_of3A] : memref<12x250000xf32, #tpu.memory_space<hbm>> -> memref<1x2000xf32, #tpu.memory_space<hbm>>
        %dma_wait3A_174 = tpu.memref_squeeze %dma_wait3A_173 : memref<1x2000xf32, #tpu.memory_space<hbm>> -> memref<2000xf32, #tpu.memory_space<hbm>>
        %dma_wait3A_175 = arith.constant 0 : i32
        %dma_wait3A_176 = tpu.memref_slice %arg5[%dma_wait3A_169, %dma_wait3A_175] : memref<16x2000xf32, #tpu.memory_space<vmem>> -> memref<1x2000xf32, #tpu.memory_space<vmem>>
        %dma_wait3A_177 = tpu.memref_squeeze %dma_wait3A_176 : memref<1x2000xf32, #tpu.memory_space<vmem>> -> memref<2000xf32, #tpu.memory_space<vmem>>
        %dma_wait3A_178 = tpu.memref_slice %arg2[%dma_wait3A_168, %multiple_of3A] : memref<12x250000xf32, #tpu.memory_space<hbm>> -> memref<1x2000xf32, #tpu.memory_space<hbm>>
        %dma_wait3A_179 = tpu.memref_squeeze %dma_wait3A_178 : memref<1x2000xf32, #tpu.memory_space<hbm>> -> memref<2000xf32, #tpu.memory_space<hbm>>
        tpu.wait_dma2 semaphore(%arg7 : memref<!tpu.dma_semaphore, #tpu.memory_space<semaphore_mem>>) src(%dma_wait3A_179 : memref<2000xf32, #tpu.memory_space<hbm>>) dst(%dma_wait3A_177 : memref<2000xf32, #tpu.memory_space<vmem>>)
        %dma_wait3A_180 = arith.constant 2 : i32
        %dma_wait3A_181 = arith.constant 2 : i32
        %dma_wait3A_182 = arith.constant 0 : i32
        %dma_wait3A_183 = tpu.memref_slice %arg5[%dma_wait3A_181, %dma_wait3A_182] : memref<16x2000xf32, #tpu.memory_space<vmem>> -> memref<1x2000xf32, #tpu.memory_space<vmem>>
        %dma_wait3A_184 = tpu.memref_squeeze %dma_wait3A_183 : memref<1x2000xf32, #tpu.memory_space<vmem>> -> memref<2000xf32, #tpu.memory_space<vmem>>
        %dma_wait3A_185 = tpu.memref_slice %arg2[%dma_wait3A_180, %multiple_of3A] : memref<12x250000xf32, #tpu.memory_space<hbm>> -> memref<1x2000xf32, #tpu.memory_space<hbm>>
        %dma_wait3A_186 = tpu.memref_squeeze %dma_wait3A_185 : memref<1x2000xf32, #tpu.memory_space<hbm>> -> memref<2000xf32, #tpu.memory_space<hbm>>
        %dma_wait3A_187 = arith.constant 0 : i32
        %dma_wait3A_188 = tpu.memref_slice %arg5[%dma_wait3A_181, %dma_wait3A_187] : memref<16x2000xf32, #tpu.memory_space<vmem>> -> memref<1x2000xf32, #tpu.memory_space<vmem>>
        %dma_wait3A_189 = tpu.memref_squeeze %dma_wait3A_188 : memref<1x2000xf32, #tpu.memory_space<vmem>> -> memref<2000xf32, #tpu.memory_space<vmem>>
        %dma_wait3A_190 = tpu.memref_slice %arg2[%dma_wait3A_180, %multiple_of3A] : memref<12x250000xf32, #tpu.memory_space<hbm>> -> memref<1x2000xf32, #tpu.memory_space<hbm>>
        %dma_wait3A_191 = tpu.memref_squeeze %dma_wait3A_190 : memref<1x2000xf32, #tpu.memory_space<hbm>> -> memref<2000xf32, #tpu.memory_space<hbm>>
        tpu.wait_dma2 semaphore(%arg7 : memref<!tpu.dma_semaphore, #tpu.memory_space<semaphore_mem>>) src(%dma_wait3A_191 : memref<2000xf32, #tpu.memory_space<hbm>>) dst(%dma_wait3A_189 : memref<2000xf32, #tpu.memory_space<vmem>>)
        %dma_wait3A_192 = arith.constant 3 : i32
        %dma_wait3A_193 = arith.constant 3 : i32
        %dma_wait3A_194 = arith.constant 0 : i32
        %dma_wait3A_195 = tpu.memref_slice %arg5[%dma_wait3A_193, %dma_wait3A_194] : memref<16x2000xf32, #tpu.memory_space<vmem>> -> memref<1x2000xf32, #tpu.memory_space<vmem>>
        %dma_wait3A_196 = tpu.memref_squeeze %dma_wait3A_195 : memref<1x2000xf32, #tpu.memory_space<vmem>> -> memref<2000xf32, #tpu.memory_space<vmem>>
        %dma_wait3A_197 = tpu.memref_slice %arg2[%dma_wait3A_192, %multiple_of3A] : memref<12x250000xf32, #tpu.memory_space<hbm>> -> memref<1x2000xf32, #tpu.memory_space<hbm>>
        %dma_wait3A_198 = tpu.memref_squeeze %dma_wait3A_197 : memref<1x2000xf32, #tpu.memory_space<hbm>> -> memref<2000xf32, #tpu.memory_space<hbm>>
        %dma_wait3A_199 = arith.constant 0 : i32
        %dma_wait3A_200 = tpu.memref_slice %arg5[%dma_wait3A_193, %dma_wait3A_199] : memref<16x2000xf32, #tpu.memory_space<vmem>> -> memref<1x2000xf32, #tpu.memory_space<vmem>>
        %dma_wait3A_201 = tpu.memref_squeeze %dma_wait3A_200 : memref<1x2000xf32, #tpu.memory_space<vmem>> -> memref<2000xf32, #tpu.memory_space<vmem>>
        %dma_wait3A_202 = tpu.memref_slice %arg2[%dma_wait3A_192, %multiple_of3A] : memref<12x250000xf32, #tpu.memory_space<hbm>> -> memref<1x2000xf32, #tpu.memory_space<hbm>>
        %dma_wait3A_203 = tpu.memref_squeeze %dma_wait3A_202 : memref<1x2000xf32, #tpu.memory_space<hbm>> -> memref<2000xf32, #tpu.memory_space<hbm>>
        tpu.wait_dma2 semaphore(%arg7 : memref<!tpu.dma_semaphore, #tpu.memory_space<semaphore_mem>>) src(%dma_wait3A_203 : memref<2000xf32, #tpu.memory_space<hbm>>) dst(%dma_wait3A_201 : memref<2000xf32, #tpu.memory_space<vmem>>)
        %dma_wait3A_204 = arith.constant 4 : i32
        %dma_wait3A_205 = arith.constant 4 : i32
        %dma_wait3A_206 = arith.constant 0 : i32
        %dma_wait3A_207 = tpu.memref_slice %arg5[%dma_wait3A_205, %dma_wait3A_206] : memref<16x2000xf32, #tpu.memory_space<vmem>> -> memref<1x2000xf32, #tpu.memory_space<vmem>>
        %dma_wait3A_208 = tpu.memref_squeeze %dma_wait3A_207 : memref<1x2000xf32, #tpu.memory_space<vmem>> -> memref<2000xf32, #tpu.memory_space<vmem>>
        %dma_wait3A_209 = tpu.memref_slice %arg2[%dma_wait3A_204, %multiple_of3A] : memref<12x250000xf32, #tpu.memory_space<hbm>> -> memref<1x2000xf32, #tpu.memory_space<hbm>>
        %dma_wait3A_210 = tpu.memref_squeeze %dma_wait3A_209 : memref<1x2000xf32, #tpu.memory_space<hbm>> -> memref<2000xf32, #tpu.memory_space<hbm>>
        %dma_wait3A_211 = arith.constant 0 : i32
        %dma_wait3A_212 = tpu.memref_slice %arg5[%dma_wait3A_205, %dma_wait3A_211] : memref<16x2000xf32, #tpu.memory_space<vmem>> -> memref<1x2000xf32, #tpu.memory_space<vmem>>
        %dma_wait3A_213 = tpu.memref_squeeze %dma_wait3A_212 : memref<1x2000xf32, #tpu.memory_space<vmem>> -> memref<2000xf32, #tpu.memory_space<vmem>>
        %dma_wait3A_214 = tpu.memref_slice %arg2[%dma_wait3A_204, %multiple_of3A] : memref<12x250000xf32, #tpu.memory_space<hbm>> -> memref<1x2000xf32, #tpu.memory_space<hbm>>
        %dma_wait3A_215 = tpu.memref_squeeze %dma_wait3A_214 : memref<1x2000xf32, #tpu.memory_space<hbm>> -> memref<2000xf32, #tpu.memory_space<hbm>>
        tpu.wait_dma2 semaphore(%arg7 : memref<!tpu.dma_semaphore, #tpu.memory_space<semaphore_mem>>) src(%dma_wait3A_215 : memref<2000xf32, #tpu.memory_space<hbm>>) dst(%dma_wait3A_213 : memref<2000xf32, #tpu.memory_space<vmem>>)
        %dma_wait3A_216 = arith.constant 5 : i32
        %dma_wait3A_217 = arith.constant 5 : i32
        %dma_wait3A_218 = arith.constant 0 : i32
        %dma_wait3A_219 = tpu.memref_slice %arg5[%dma_wait3A_217, %dma_wait3A_218] : memref<16x2000xf32, #tpu.memory_space<vmem>> -> memref<1x2000xf32, #tpu.memory_space<vmem>>
        %dma_wait3A_220 = tpu.memref_squeeze %dma_wait3A_219 : memref<1x2000xf32, #tpu.memory_space<vmem>> -> memref<2000xf32, #tpu.memory_space<vmem>>
        %dma_wait3A_221 = tpu.memref_slice %arg2[%dma_wait3A_216, %multiple_of3A] : memref<12x250000xf32, #tpu.memory_space<hbm>> -> memref<1x2000xf32, #tpu.memory_space<hbm>>
        %dma_wait3A_222 = tpu.memref_squeeze %dma_wait3A_221 : memref<1x2000xf32, #tpu.memory_space<hbm>> -> memref<2000xf32, #tpu.memory_space<hbm>>
        %dma_wait3A_223 = arith.constant 0 : i32
        %dma_wait3A_224 = tpu.memref_slice %arg5[%dma_wait3A_217, %dma_wait3A_223] : memref<16x2000xf32, #tpu.memory_space<vmem>> -> memref<1x2000xf32, #tpu.memory_space<vmem>>
        %dma_wait3A_225 = tpu.memref_squeeze %dma_wait3A_224 : memref<1x2000xf32, #tpu.memory_space<vmem>> -> memref<2000xf32, #tpu.memory_space<vmem>>
        %dma_wait3A_226 = tpu.memref_slice %arg2[%dma_wait3A_216, %multiple_of3A] : memref<12x250000xf32, #tpu.memory_space<hbm>> -> memref<1x2000xf32, #tpu.memory_space<hbm>>
        %dma_wait3A_227 = tpu.memref_squeeze %dma_wait3A_226 : memref<1x2000xf32, #tpu.memory_space<hbm>> -> memref<2000xf32, #tpu.memory_space<hbm>>
        tpu.wait_dma2 semaphore(%arg7 : memref<!tpu.dma_semaphore, #tpu.memory_space<semaphore_mem>>) src(%dma_wait3A_227 : memref<2000xf32, #tpu.memory_space<hbm>>) dst(%dma_wait3A_225 : memref<2000xf32, #tpu.memory_space<vmem>>)
        %dma_wait3A_228 = arith.constant 6 : i32
        %dma_wait3A_229 = arith.constant 6 : i32
        %dma_wait3A_230 = arith.constant 0 : i32
        %dma_wait3A_231 = tpu.memref_slice %arg5[%dma_wait3A_229, %dma_wait3A_230] : memref<16x2000xf32, #tpu.memory_space<vmem>> -> memref<1x2000xf32, #tpu.memory_space<vmem>>
        %dma_wait3A_232 = tpu.memref_squeeze %dma_wait3A_231 : memref<1x2000xf32, #tpu.memory_space<vmem>> -> memref<2000xf32, #tpu.memory_space<vmem>>
        %dma_wait3A_233 = tpu.memref_slice %arg2[%dma_wait3A_228, %multiple_of3A] : memref<12x250000xf32, #tpu.memory_space<hbm>> -> memref<1x2000xf32, #tpu.memory_space<hbm>>
        %dma_wait3A_234 = tpu.memref_squeeze %dma_wait3A_233 : memref<1x2000xf32, #tpu.memory_space<hbm>> -> memref<2000xf32, #tpu.memory_space<hbm>>
        %dma_wait3A_235 = arith.constant 0 : i32
        %dma_wait3A_236 = tpu.memref_slice %arg5[%dma_wait3A_229, %dma_wait3A_235] : memref<16x2000xf32, #tpu.memory_space<vmem>> -> memref<1x2000xf32, #tpu.memory_space<vmem>>
        %dma_wait3A_237 = tpu.memref_squeeze %dma_wait3A_236 : memref<1x2000xf32, #tpu.memory_space<vmem>> -> memref<2000xf32, #tpu.memory_space<vmem>>
        %dma_wait3A_238 = tpu.memref_slice %arg2[%dma_wait3A_228, %multiple_of3A] : memref<12x250000xf32, #tpu.memory_space<hbm>> -> memref<1x2000xf32, #tpu.memory_space<hbm>>
        %dma_wait3A_239 = tpu.memref_squeeze %dma_wait3A_238 : memref<1x2000xf32, #tpu.memory_space<hbm>> -> memref<2000xf32, #tpu.memory_space<hbm>>
        tpu.wait_dma2 semaphore(%arg7 : memref<!tpu.dma_semaphore, #tpu.memory_space<semaphore_mem>>) src(%dma_wait3A_239 : memref<2000xf32, #tpu.memory_space<hbm>>) dst(%dma_wait3A_237 : memref<2000xf32, #tpu.memory_space<vmem>>)
        %dma_wait3A_240 = arith.constant 7 : i32
        %dma_wait3A_241 = arith.constant 7 : i32
        %dma_wait3A_242 = arith.constant 0 : i32
        %dma_wait3A_243 = tpu.memref_slice %arg5[%dma_wait3A_241, %dma_wait3A_242] : memref<16x2000xf32, #tpu.memory_space<vmem>> -> memref<1x2000xf32, #tpu.memory_space<vmem>>
        %dma_wait3A_244 = tpu.memref_squeeze %dma_wait3A_243 : memref<1x2000xf32, #tpu.memory_space<vmem>> -> memref<2000xf32, #tpu.memory_space<vmem>>
        %dma_wait3A_245 = tpu.memref_slice %arg2[%dma_wait3A_240, %multiple_of3A] : memref<12x250000xf32, #tpu.memory_space<hbm>> -> memref<1x2000xf32, #tpu.memory_space<hbm>>
        %dma_wait3A_246 = tpu.memref_squeeze %dma_wait3A_245 : memref<1x2000xf32, #tpu.memory_space<hbm>> -> memref<2000xf32, #tpu.memory_space<hbm>>
        %dma_wait3A_247 = arith.constant 0 : i32
        %dma_wait3A_248 = tpu.memref_slice %arg5[%dma_wait3A_241, %dma_wait3A_247] : memref<16x2000xf32, #tpu.memory_space<vmem>> -> memref<1x2000xf32, #tpu.memory_space<vmem>>
        %dma_wait3A_249 = tpu.memref_squeeze %dma_wait3A_248 : memref<1x2000xf32, #tpu.memory_space<vmem>> -> memref<2000xf32, #tpu.memory_space<vmem>>
        %dma_wait3A_250 = tpu.memref_slice %arg2[%dma_wait3A_240, %multiple_of3A] : memref<12x250000xf32, #tpu.memory_space<hbm>> -> memref<1x2000xf32, #tpu.memory_space<hbm>>
        %dma_wait3A_251 = tpu.memref_squeeze %dma_wait3A_250 : memref<1x2000xf32, #tpu.memory_space<hbm>> -> memref<2000xf32, #tpu.memory_space<hbm>>
        tpu.wait_dma2 semaphore(%arg7 : memref<!tpu.dma_semaphore, #tpu.memory_space<semaphore_mem>>) src(%dma_wait3A_251 : memref<2000xf32, #tpu.memory_space<hbm>>) dst(%dma_wait3A_249 : memref<2000xf32, #tpu.memory_space<vmem>>)
        %dma_wait3A_252 = arith.constant 8 : i32
        %dma_wait3A_253 = arith.constant 8 : i32
        %dma_wait3A_254 = arith.constant 0 : i32
        %dma_wait3A_255 = tpu.memref_slice %arg5[%dma_wait3A_253, %dma_wait3A_254] : memref<16x2000xf32, #tpu.memory_space<vmem>> -> memref<1x2000xf32, #tpu.memory_space<vmem>>
        %dma_wait3A_256 = tpu.memref_squeeze %dma_wait3A_255 : memref<1x2000xf32, #tpu.memory_space<vmem>> -> memref<2000xf32, #tpu.memory_space<vmem>>
        %dma_wait3A_257 = tpu.memref_slice %arg2[%dma_wait3A_252, %multiple_of3A] : memref<12x250000xf32, #tpu.memory_space<hbm>> -> memref<1x2000xf32, #tpu.memory_space<hbm>>
        %dma_wait3A_258 = tpu.memref_squeeze %dma_wait3A_257 : memref<1x2000xf32, #tpu.memory_space<hbm>> -> memref<2000xf32, #tpu.memory_space<hbm>>
        %dma_wait3A_259 = arith.constant 0 : i32
        %dma_wait3A_260 = tpu.memref_slice %arg5[%dma_wait3A_253, %dma_wait3A_259] : memref<16x2000xf32, #tpu.memory_space<vmem>> -> memref<1x2000xf32, #tpu.memory_space<vmem>>
        %dma_wait3A_261 = tpu.memref_squeeze %dma_wait3A_260 : memref<1x2000xf32, #tpu.memory_space<vmem>> -> memref<2000xf32, #tpu.memory_space<vmem>>
        %dma_wait3A_262 = tpu.memref_slice %arg2[%dma_wait3A_252, %multiple_of3A] : memref<12x250000xf32, #tpu.memory_space<hbm>> -> memref<1x2000xf32, #tpu.memory_space<hbm>>
        %dma_wait3A_263 = tpu.memref_squeeze %dma_wait3A_262 : memref<1x2000xf32, #tpu.memory_space<hbm>> -> memref<2000xf32, #tpu.memory_space<hbm>>
        tpu.wait_dma2 semaphore(%arg7 : memref<!tpu.dma_semaphore, #tpu.memory_space<semaphore_mem>>) src(%dma_wait3A_263 : memref<2000xf32, #tpu.memory_space<hbm>>) dst(%dma_wait3A_261 : memref<2000xf32, #tpu.memory_space<vmem>>)
        %dma_wait3A_264 = arith.constant 9 : i32
        %dma_wait3A_265 = arith.constant 9 : i32
        %dma_wait3A_266 = arith.constant 0 : i32
        %dma_wait3A_267 = tpu.memref_slice %arg5[%dma_wait3A_265, %dma_wait3A_266] : memref<16x2000xf32, #tpu.memory_space<vmem>> -> memref<1x2000xf32, #tpu.memory_space<vmem>>
        %dma_wait3A_268 = tpu.memref_squeeze %dma_wait3A_267 : memref<1x2000xf32, #tpu.memory_space<vmem>> -> memref<2000xf32, #tpu.memory_space<vmem>>
        %dma_wait3A_269 = tpu.memref_slice %arg2[%dma_wait3A_264, %multiple_of3A] : memref<12x250000xf32, #tpu.memory_space<hbm>> -> memref<1x2000xf32, #tpu.memory_space<hbm>>
        %dma_wait3A_270 = tpu.memref_squeeze %dma_wait3A_269 : memref<1x2000xf32, #tpu.memory_space<hbm>> -> memref<2000xf32, #tpu.memory_space<hbm>>
        %dma_wait3A_271 = arith.constant 0 : i32
        %dma_wait3A_272 = tpu.memref_slice %arg5[%dma_wait3A_265, %dma_wait3A_271] : memref<16x2000xf32, #tpu.memory_space<vmem>> -> memref<1x2000xf32, #tpu.memory_space<vmem>>
        %dma_wait3A_273 = tpu.memref_squeeze %dma_wait3A_272 : memref<1x2000xf32, #tpu.memory_space<vmem>> -> memref<2000xf32, #tpu.memory_space<vmem>>
        %dma_wait3A_274 = tpu.memref_slice %arg2[%dma_wait3A_264, %multiple_of3A] : memref<12x250000xf32, #tpu.memory_space<hbm>> -> memref<1x2000xf32, #tpu.memory_space<hbm>>
        %dma_wait3A_275 = tpu.memref_squeeze %dma_wait3A_274 : memref<1x2000xf32, #tpu.memory_space<hbm>> -> memref<2000xf32, #tpu.memory_space<hbm>>
        tpu.wait_dma2 semaphore(%arg7 : memref<!tpu.dma_semaphore, #tpu.memory_space<semaphore_mem>>) src(%dma_wait3A_275 : memref<2000xf32, #tpu.memory_space<hbm>>) dst(%dma_wait3A_273 : memref<2000xf32, #tpu.memory_space<vmem>>)
        %dma_wait3A_276 = arith.constant 10 : i32
        %dma_wait3A_277 = arith.constant 10 : i32
        %dma_wait3A_278 = arith.constant 0 : i32
        %dma_wait3A_279 = tpu.memref_slice %arg5[%dma_wait3A_277, %dma_wait3A_278] : memref<16x2000xf32, #tpu.memory_space<vmem>> -> memref<1x2000xf32, #tpu.memory_space<vmem>>
        %dma_wait3A_280 = tpu.memref_squeeze %dma_wait3A_279 : memref<1x2000xf32, #tpu.memory_space<vmem>> -> memref<2000xf32, #tpu.memory_space<vmem>>
        %dma_wait3A_281 = tpu.memref_slice %arg2[%dma_wait3A_276, %multiple_of3A] : memref<12x250000xf32, #tpu.memory_space<hbm>> -> memref<1x2000xf32, #tpu.memory_space<hbm>>
        %dma_wait3A_282 = tpu.memref_squeeze %dma_wait3A_281 : memref<1x2000xf32, #tpu.memory_space<hbm>> -> memref<2000xf32, #tpu.memory_space<hbm>>
        %dma_wait3A_283 = arith.constant 0 : i32
        %dma_wait3A_284 = tpu.memref_slice %arg5[%dma_wait3A_277, %dma_wait3A_283] : memref<16x2000xf32, #tpu.memory_space<vmem>> -> memref<1x2000xf32, #tpu.memory_space<vmem>>
        %dma_wait3A_285 = tpu.memref_squeeze %dma_wait3A_284 : memref<1x2000xf32, #tpu.memory_space<vmem>> -> memref<2000xf32, #tpu.memory_space<vmem>>
        %dma_wait3A_286 = tpu.memref_slice %arg2[%dma_wait3A_276, %multiple_of3A] : memref<12x250000xf32, #tpu.memory_space<hbm>> -> memref<1x2000xf32, #tpu.memory_space<hbm>>
        %dma_wait3A_287 = tpu.memref_squeeze %dma_wait3A_286 : memref<1x2000xf32, #tpu.memory_space<hbm>> -> memref<2000xf32, #tpu.memory_space<hbm>>
        tpu.wait_dma2 semaphore(%arg7 : memref<!tpu.dma_semaphore, #tpu.memory_space<semaphore_mem>>) src(%dma_wait3A_287 : memref<2000xf32, #tpu.memory_space<hbm>>) dst(%dma_wait3A_285 : memref<2000xf32, #tpu.memory_space<vmem>>)
        %dma_wait3A_288 = arith.constant 11 : i32
        %dma_wait3A_289 = arith.constant 11 : i32
        %dma_wait3A_290 = arith.constant 0 : i32
        %dma_wait3A_291 = tpu.memref_slice %arg5[%dma_wait3A_289, %dma_wait3A_290] : memref<16x2000xf32, #tpu.memory_space<vmem>> -> memref<1x2000xf32, #tpu.memory_space<vmem>>
        %dma_wait3A_292 = tpu.memref_squeeze %dma_wait3A_291 : memref<1x2000xf32, #tpu.memory_space<vmem>> -> memref<2000xf32, #tpu.memory_space<vmem>>
        %dma_wait3A_293 = tpu.memref_slice %arg2[%dma_wait3A_288, %multiple_of3A] : memref<12x250000xf32, #tpu.memory_space<hbm>> -> memref<1x2000xf32, #tpu.memory_space<hbm>>
        %dma_wait3A_294 = tpu.memref_squeeze %dma_wait3A_293 : memref<1x2000xf32, #tpu.memory_space<hbm>> -> memref<2000xf32, #tpu.memory_space<hbm>>
        %dma_wait3A_295 = arith.constant 0 : i32
        %dma_wait3A_296 = tpu.memref_slice %arg5[%dma_wait3A_289, %dma_wait3A_295] : memref<16x2000xf32, #tpu.memory_space<vmem>> -> memref<1x2000xf32, #tpu.memory_space<vmem>>
        %dma_wait3A_297 = tpu.memref_squeeze %dma_wait3A_296 : memref<1x2000xf32, #tpu.memory_space<vmem>> -> memref<2000xf32, #tpu.memory_space<vmem>>
        %dma_wait3A_298 = tpu.memref_slice %arg2[%dma_wait3A_288, %multiple_of3A] : memref<12x250000xf32, #tpu.memory_space<hbm>> -> memref<1x2000xf32, #tpu.memory_space<hbm>>
        %dma_wait3A_299 = tpu.memref_squeeze %dma_wait3A_298 : memref<1x2000xf32, #tpu.memory_space<hbm>> -> memref<2000xf32, #tpu.memory_space<hbm>>
        tpu.wait_dma2 semaphore(%arg7 : memref<!tpu.dma_semaphore, #tpu.memory_space<semaphore_mem>>) src(%dma_wait3A_299 : memref<2000xf32, #tpu.memory_space<hbm>>) dst(%dma_wait3A_297 : memref<2000xf32, #tpu.memory_space<vmem>>)
        %scan3A_300 = arith.constant 0 : i32
        %scan3A_301 = arith.constant 0 : i32
        %scan3A_302 = arith.constant 2000 : i32
        %scan3A_303 = arith.addi %scan3A_301, %scan3A_302 : i32
        %scan3A_304 = arith.constant 1 : i32
        scf.for %scan3A_314 = %scan3A_301 to %scan3A_303 step %scan3A_304  : i32 {
          %broadcast_in_dim3A = vector.broadcast %scan3A_314 : i32 to vector<16xi32>
          %gather3A = tpu.vector_load_idx %arg5[%iota3A, %broadcast_in_dim3A] : memref<16x2000xf32, #tpu.memory_space<vmem>>[vector<16xi32>, vector<16xi32>], vector<16xf32>,
          %swap3A = arith.index_cast %scan3A_314 : i32 to index
          %swap3A_315 = arith.constant 0 : index
          %swap3A_316 = tpu.vector_load %arg6[%swap3A, %swap3A_315] {strides = array<i32>} : memref<2000x16xf32, #tpu.memory_space<vmem>>, vector<16xf32>,
          tpu.vector_store %arg6[%swap3A, %swap3A_315], %gather3A {strides = array<i32>} : memref<2000x16xf32, #tpu.memory_space<vmem>>, vector<16xf32>,
        }
        %scan3A_305 = arith.constant 2000 : i32
        %dma_start3A_306 = arith.constant 0 : i32
        %dma_start3A_307 = tpu.memref_slice %arg4[%multiple_of3A, %dma_start3A_306] : memref<250000x16xf32, #tpu.memory_space<hbm>> -> memref<2000x16xf32, #tpu.memory_space<hbm>>
        %dma_start3A_308 = arith.constant 0 : i32
        %dma_start3A_309 = tpu.memref_slice %arg4[%multiple_of3A, %dma_start3A_308] : memref<250000x16xf32, #tpu.memory_space<hbm>> -> memref<2000x16xf32, #tpu.memory_space<hbm>>
        tpu.enqueue_dma source(%arg6 : memref<2000x16xf32, #tpu.memory_space<vmem>>) target(%dma_start3A_309 : memref<2000x16xf32, #tpu.memory_space<hbm>>) target_semaphore(%arg8 : memref<!tpu.dma_semaphore, #tpu.memory_space<semaphore_mem>>)
        %dma_wait3A_310 = arith.constant 0 : i32
        %dma_wait3A_311 = tpu.memref_slice %arg4[%multiple_of3A, %dma_wait3A_310] : memref<250000x16xf32, #tpu.memory_space<hbm>> -> memref<2000x16xf32, #tpu.memory_space<hbm>>
        %dma_wait3A_312 = arith.constant 0 : i32
        %dma_wait3A_313 = tpu.memref_slice %arg4[%multiple_of3A, %dma_wait3A_312] : memref<250000x16xf32, #tpu.memory_space<hbm>> -> memref<2000x16xf32, #tpu.memory_space<hbm>>
        tpu.wait_dma2 semaphore(%arg8 : memref<!tpu.dma_semaphore, #tpu.memory_space<semaphore_mem>>) src(%arg6 : memref<2000x16xf32, #tpu.memory_space<vmem>>) dst(%dma_wait3A_313 : memref<2000x16xf32, #tpu.memory_space<hbm>>)
      } else {
      }
    }
    %scan3A_5 = arith.constant 4 : i32
    return
  }
}

#map = affine_map<(d0, d1) -> (0, 0)>
#map1 = affine_map<(d0, d1) -> (0)>
#map2 = affine_map<(d0, d1) -> (0, 0, 0)>
module attributes {stable_mosaic.version = 14 : i64} {
  func.func @_sc_body(%arg0: i32, %arg1: i32, %arg2: memref<250000x16xf32, #tpu.memory_space<hbm>>, %arg3: memref<3200000xi32, #tpu.memory_space<hbm>>, %arg4: memref<3200000xi32, #tpu.memory_space<hbm>>, %arg5: memref<3200000xf32, #tpu.memory_space<hbm>>, %arg6: memref<400x16xf32, #tpu.memory_space<hbm>>, %arg7: memref<4x50000x16xf32, #tpu.memory_space<hbm>>, %arg8: memref<102400x16xf32, #tpu.memory_space<vmem_shared>>, %arg9: memref<400xi32, #tpu.memory_space<vmem>>, %arg10: memref<400xi32, #tpu.memory_space<vmem>>, %arg11: memref<400xi32, #tpu.memory_space<vmem>>, %arg12: memref<400xi32, #tpu.memory_space<vmem>>, %arg13: memref<400xf32, #tpu.memory_space<vmem>>, %arg14: memref<400xf32, #tpu.memory_space<vmem>>, %arg15: memref<400x16xf32, #tpu.memory_space<vmem>>, %arg16: memref<400x16xf32, #tpu.memory_space<vmem>>, %arg17: memref<400xi32, #tpu.memory_space<vmem>>, %arg18: memref<400xi32, #tpu.memory_space<vmem>>, %arg19: memref<!tpu.dma_semaphore, #tpu.memory_space<semaphore_mem>>, %arg20: memref<!tpu.dma_semaphore, #tpu.memory_space<semaphore_mem>>, %arg21: memref<!tpu.dma_semaphore, #tpu.memory_space<semaphore_mem>>, %arg22: memref<!tpu.dma_semaphore, #tpu.memory_space<semaphore_mem>>, %arg23: memref<!tpu.dma_semaphore, #tpu.memory_space<semaphore_mem>>, %arg24: memref<!tpu.dma_semaphore, #tpu.memory_space<semaphore_mem>>, %arg25: memref<!tpu.dma_semaphore, #tpu.memory_space<semaphore_mem>>, %arg26: memref<!tpu.dma_semaphore, #tpu.memory_space<semaphore_mem>>, %arg27: memref<!tpu.dma_semaphore, #tpu.memory_space<semaphore_mem>>, %arg28: memref<!tpu.dma_semaphore, #tpu.memory_space<semaphore_mem>>) attributes {dimension_semantics = [#tpu.dimension_semantics<core_parallel>, #tpu.dimension_semantics<subcore_parallel>], iteration_bounds = array<i64: 2, 16>, scalar_prefetch = 0 : i64, scratch_operands = 21 : i64, tpu.core_type = #tpu.core_type<sc_vector_subcore>, window_params = [{transform_indices = #map}, {transform_indices = #map1}, {transform_indices = #map1}, {transform_indices = #map1}, {transform_indices = #map}, {transform_indices = #map2}]} {
    %mul3A = arith.constant 25000 : i32
    %mul3A_0 = arith.muli %arg0, %mul3A : i32
    %mul3A_1 = arith.constant 200000 : i32
    %mul3A_2 = arith.muli %arg1, %mul3A_1 : i32
    "tpu.region"() ({
      %run_scoped3A = tpu.sem_alloc : memref<!tpu.dma_semaphore, #tpu.memory_space<semaphore_mem>>
      tpu.enqueue_dma source(%arg6 : memref<400x16xf32, #tpu.memory_space<hbm>>) target(%arg15 : memref<400x16xf32, #tpu.memory_space<vmem>>) target_semaphore(%run_scoped3A : memref<!tpu.dma_semaphore, #tpu.memory_space<semaphore_mem>>)
      tpu.wait_dma2 semaphore(%run_scoped3A : memref<!tpu.dma_semaphore, #tpu.memory_space<semaphore_mem>>) src(%arg6 : memref<400x16xf32, #tpu.memory_space<hbm>>) dst(%arg15 : memref<400x16xf32, #tpu.memory_space<vmem>>)
      tpu.yield
    }) : () -> ()
    %mul3A_3 = arith.constant 6400 : i32
    %mul3A_4 = arith.muli %arg1, %mul3A_3 : i32
    %add3A = arith.constant 0 : i32
    %add3A_5 = arith.addi %mul3A_4, %add3A : i32
    "tpu.region"() ({
      %run_scoped3A = tpu.sem_alloc : memref<!tpu.dma_semaphore, #tpu.memory_space<semaphore_mem>>
      %dma_start3A_139 = arith.constant 0 : i32
      %dma_start3A_140 = tpu.memref_slice %arg8[%add3A_5, %dma_start3A_139] : memref<102400x16xf32, #tpu.memory_space<vmem_shared>> -> memref<400x16xf32, #tpu.memory_space<vmem_shared>>
      %dma_start3A_141 = arith.constant 0 : i32
      %dma_start3A_142 = tpu.memref_slice %arg8[%add3A_5, %dma_start3A_141] : memref<102400x16xf32, #tpu.memory_space<vmem_shared>> -> memref<400x16xf32, #tpu.memory_space<vmem_shared>>
      tpu.enqueue_dma source(%arg15 : memref<400x16xf32, #tpu.memory_space<vmem>>) target(%dma_start3A_142 : memref<400x16xf32, #tpu.memory_space<vmem_shared>>) target_semaphore(%run_scoped3A : memref<!tpu.dma_semaphore, #tpu.memory_space<semaphore_mem>>)
      %dma_wait3A_143 = arith.constant 0 : i32
      %dma_wait3A_144 = tpu.memref_slice %arg8[%add3A_5, %dma_wait3A_143] : memref<102400x16xf32, #tpu.memory_space<vmem_shared>> -> memref<400x16xf32, #tpu.memory_space<vmem_shared>>
      %dma_wait3A_145 = arith.constant 0 : i32
      %dma_wait3A_146 = tpu.memref_slice %arg8[%add3A_5, %dma_wait3A_145] : memref<102400x16xf32, #tpu.memory_space<vmem_shared>> -> memref<400x16xf32, #tpu.memory_space<vmem_shared>>
      tpu.wait_dma2 semaphore(%run_scoped3A : memref<!tpu.dma_semaphore, #tpu.memory_space<semaphore_mem>>) src(%arg15 : memref<400x16xf32, #tpu.memory_space<vmem>>) dst(%dma_wait3A_146 : memref<400x16xf32, #tpu.memory_space<vmem_shared>>)
      tpu.yield
    }) : () -> ()
    %add3A_6 = arith.constant 400 : i32
    %add3A_7 = arith.addi %mul3A_4, %add3A_6 : i32
    "tpu.region"() ({
      %run_scoped3A = tpu.sem_alloc : memref<!tpu.dma_semaphore, #tpu.memory_space<semaphore_mem>>
      %dma_start3A_139 = arith.constant 0 : i32
      %dma_start3A_140 = tpu.memref_slice %arg8[%add3A_7, %dma_start3A_139] : memref<102400x16xf32, #tpu.memory_space<vmem_shared>> -> memref<400x16xf32, #tpu.memory_space<vmem_shared>>
      %dma_start3A_141 = arith.constant 0 : i32
      %dma_start3A_142 = tpu.memref_slice %arg8[%add3A_7, %dma_start3A_141] : memref<102400x16xf32, #tpu.memory_space<vmem_shared>> -> memref<400x16xf32, #tpu.memory_space<vmem_shared>>
      tpu.enqueue_dma source(%arg15 : memref<400x16xf32, #tpu.memory_space<vmem>>) target(%dma_start3A_142 : memref<400x16xf32, #tpu.memory_space<vmem_shared>>) target_semaphore(%run_scoped3A : memref<!tpu.dma_semaphore, #tpu.memory_space<semaphore_mem>>)
      %dma_wait3A_143 = arith.constant 0 : i32
      %dma_wait3A_144 = tpu.memref_slice %arg8[%add3A_7, %dma_wait3A_143] : memref<102400x16xf32, #tpu.memory_space<vmem_shared>> -> memref<400x16xf32, #tpu.memory_space<vmem_shared>>
      %dma_wait3A_145 = arith.constant 0 : i32
      %dma_wait3A_146 = tpu.memref_slice %arg8[%add3A_7, %dma_wait3A_145] : memref<102400x16xf32, #tpu.memory_space<vmem_shared>> -> memref<400x16xf32, #tpu.memory_space<vmem_shared>>
      tpu.wait_dma2 semaphore(%run_scoped3A : memref<!tpu.dma_semaphore, #tpu.memory_space<semaphore_mem>>) src(%arg15 : memref<400x16xf32, #tpu.memory_space<vmem>>) dst(%dma_wait3A_146 : memref<400x16xf32, #tpu.memory_space<vmem_shared>>)
      tpu.yield
    }) : () -> ()
    %add3A_8 = arith.constant 800 : i32
    %add3A_9 = arith.addi %mul3A_4, %add3A_8 : i32
    "tpu.region"() ({
      %run_scoped3A = tpu.sem_alloc : memref<!tpu.dma_semaphore, #tpu.memory_space<semaphore_mem>>
      %dma_start3A_139 = arith.constant 0 : i32
      %dma_start3A_140 = tpu.memref_slice %arg8[%add3A_9, %dma_start3A_139] : memref<102400x16xf32, #tpu.memory_space<vmem_shared>> -> memref<400x16xf32, #tpu.memory_space<vmem_shared>>
      %dma_start3A_141 = arith.constant 0 : i32
      %dma_start3A_142 = tpu.memref_slice %arg8[%add3A_9, %dma_start3A_141] : memref<102400x16xf32, #tpu.memory_space<vmem_shared>> -> memref<400x16xf32, #tpu.memory_space<vmem_shared>>
      tpu.enqueue_dma source(%arg15 : memref<400x16xf32, #tpu.memory_space<vmem>>) target(%dma_start3A_142 : memref<400x16xf32, #tpu.memory_space<vmem_shared>>) target_semaphore(%run_scoped3A : memref<!tpu.dma_semaphore, #tpu.memory_space<semaphore_mem>>)
      %dma_wait3A_143 = arith.constant 0 : i32
      %dma_wait3A_144 = tpu.memref_slice %arg8[%add3A_9, %dma_wait3A_143] : memref<102400x16xf32, #tpu.memory_space<vmem_shared>> -> memref<400x16xf32, #tpu.memory_space<vmem_shared>>
      %dma_wait3A_145 = arith.constant 0 : i32
      %dma_wait3A_146 = tpu.memref_slice %arg8[%add3A_9, %dma_wait3A_145] : memref<102400x16xf32, #tpu.memory_space<vmem_shared>> -> memref<400x16xf32, #tpu.memory_space<vmem_shared>>
      tpu.wait_dma2 semaphore(%run_scoped3A : memref<!tpu.dma_semaphore, #tpu.memory_space<semaphore_mem>>) src(%arg15 : memref<400x16xf32, #tpu.memory_space<vmem>>) dst(%dma_wait3A_146 : memref<400x16xf32, #tpu.memory_space<vmem_shared>>)
      tpu.yield
    }) : () -> ()
    %add3A_10 = arith.constant 1200 : i32
    %add3A_11 = arith.addi %mul3A_4, %add3A_10 : i32
    "tpu.region"() ({
      %run_scoped3A = tpu.sem_alloc : memref<!tpu.dma_semaphore, #tpu.memory_space<semaphore_mem>>
      %dma_start3A_139 = arith.constant 0 : i32
      %dma_start3A_140 = tpu.memref_slice %arg8[%add3A_11, %dma_start3A_139] : memref<102400x16xf32, #tpu.memory_space<vmem_shared>> -> memref<400x16xf32, #tpu.memory_space<vmem_shared>>
      %dma_start3A_141 = arith.constant 0 : i32
      %dma_start3A_142 = tpu.memref_slice %arg8[%add3A_11, %dma_start3A_141] : memref<102400x16xf32, #tpu.memory_space<vmem_shared>> -> memref<400x16xf32, #tpu.memory_space<vmem_shared>>
      tpu.enqueue_dma source(%arg15 : memref<400x16xf32, #tpu.memory_space<vmem>>) target(%dma_start3A_142 : memref<400x16xf32, #tpu.memory_space<vmem_shared>>) target_semaphore(%run_scoped3A : memref<!tpu.dma_semaphore, #tpu.memory_space<semaphore_mem>>)
      %dma_wait3A_143 = arith.constant 0 : i32
      %dma_wait3A_144 = tpu.memref_slice %arg8[%add3A_11, %dma_wait3A_143] : memref<102400x16xf32, #tpu.memory_space<vmem_shared>> -> memref<400x16xf32, #tpu.memory_space<vmem_shared>>
      %dma_wait3A_145 = arith.constant 0 : i32
      %dma_wait3A_146 = tpu.memref_slice %arg8[%add3A_11, %dma_wait3A_145] : memref<102400x16xf32, #tpu.memory_space<vmem_shared>> -> memref<400x16xf32, #tpu.memory_space<vmem_shared>>
      tpu.wait_dma2 semaphore(%run_scoped3A : memref<!tpu.dma_semaphore, #tpu.memory_space<semaphore_mem>>) src(%arg15 : memref<400x16xf32, #tpu.memory_space<vmem>>) dst(%dma_wait3A_146 : memref<400x16xf32, #tpu.memory_space<vmem_shared>>)
      tpu.yield
    }) : () -> ()
    %add3A_12 = arith.constant 1600 : i32
    %add3A_13 = arith.addi %mul3A_4, %add3A_12 : i32
    "tpu.region"() ({
      %run_scoped3A = tpu.sem_alloc : memref<!tpu.dma_semaphore, #tpu.memory_space<semaphore_mem>>
      %dma_start3A_139 = arith.constant 0 : i32
      %dma_start3A_140 = tpu.memref_slice %arg8[%add3A_13, %dma_start3A_139] : memref<102400x16xf32, #tpu.memory_space<vmem_shared>> -> memref<400x16xf32, #tpu.memory_space<vmem_shared>>
      %dma_start3A_141 = arith.constant 0 : i32
      %dma_start3A_142 = tpu.memref_slice %arg8[%add3A_13, %dma_start3A_141] : memref<102400x16xf32, #tpu.memory_space<vmem_shared>> -> memref<400x16xf32, #tpu.memory_space<vmem_shared>>
      tpu.enqueue_dma source(%arg15 : memref<400x16xf32, #tpu.memory_space<vmem>>) target(%dma_start3A_142 : memref<400x16xf32, #tpu.memory_space<vmem_shared>>) target_semaphore(%run_scoped3A : memref<!tpu.dma_semaphore, #tpu.memory_space<semaphore_mem>>)
      %dma_wait3A_143 = arith.constant 0 : i32
      %dma_wait3A_144 = tpu.memref_slice %arg8[%add3A_13, %dma_wait3A_143] : memref<102400x16xf32, #tpu.memory_space<vmem_shared>> -> memref<400x16xf32, #tpu.memory_space<vmem_shared>>
      %dma_wait3A_145 = arith.constant 0 : i32
      %dma_wait3A_146 = tpu.memref_slice %arg8[%add3A_13, %dma_wait3A_145] : memref<102400x16xf32, #tpu.memory_space<vmem_shared>> -> memref<400x16xf32, #tpu.memory_space<vmem_shared>>
      tpu.wait_dma2 semaphore(%run_scoped3A : memref<!tpu.dma_semaphore, #tpu.memory_space<semaphore_mem>>) src(%arg15 : memref<400x16xf32, #tpu.memory_space<vmem>>) dst(%dma_wait3A_146 : memref<400x16xf32, #tpu.memory_space<vmem_shared>>)
      tpu.yield
    }) : () -> ()
    %add3A_14 = arith.constant 2000 : i32
    %add3A_15 = arith.addi %mul3A_4, %add3A_14 : i32
    "tpu.region"() ({
      %run_scoped3A = tpu.sem_alloc : memref<!tpu.dma_semaphore, #tpu.memory_space<semaphore_mem>>
      %dma_start3A_139 = arith.constant 0 : i32
      %dma_start3A_140 = tpu.memref_slice %arg8[%add3A_15, %dma_start3A_139] : memref<102400x16xf32, #tpu.memory_space<vmem_shared>> -> memref<400x16xf32, #tpu.memory_space<vmem_shared>>
      %dma_start3A_141 = arith.constant 0 : i32
      %dma_start3A_142 = tpu.memref_slice %arg8[%add3A_15, %dma_start3A_141] : memref<102400x16xf32, #tpu.memory_space<vmem_shared>> -> memref<400x16xf32, #tpu.memory_space<vmem_shared>>
      tpu.enqueue_dma source(%arg15 : memref<400x16xf32, #tpu.memory_space<vmem>>) target(%dma_start3A_142 : memref<400x16xf32, #tpu.memory_space<vmem_shared>>) target_semaphore(%run_scoped3A : memref<!tpu.dma_semaphore, #tpu.memory_space<semaphore_mem>>)
      %dma_wait3A_143 = arith.constant 0 : i32
      %dma_wait3A_144 = tpu.memref_slice %arg8[%add3A_15, %dma_wait3A_143] : memref<102400x16xf32, #tpu.memory_space<vmem_shared>> -> memref<400x16xf32, #tpu.memory_space<vmem_shared>>
      %dma_wait3A_145 = arith.constant 0 : i32
      %dma_wait3A_146 = tpu.memref_slice %arg8[%add3A_15, %dma_wait3A_145] : memref<102400x16xf32, #tpu.memory_space<vmem_shared>> -> memref<400x16xf32, #tpu.memory_space<vmem_shared>>
      tpu.wait_dma2 semaphore(%run_scoped3A : memref<!tpu.dma_semaphore, #tpu.memory_space<semaphore_mem>>) src(%arg15 : memref<400x16xf32, #tpu.memory_space<vmem>>) dst(%dma_wait3A_146 : memref<400x16xf32, #tpu.memory_space<vmem_shared>>)
      tpu.yield
    }) : () -> ()
    %add3A_16 = arith.constant 2400 : i32
    %add3A_17 = arith.addi %mul3A_4, %add3A_16 : i32
    "tpu.region"() ({
      %run_scoped3A = tpu.sem_alloc : memref<!tpu.dma_semaphore, #tpu.memory_space<semaphore_mem>>
      %dma_start3A_139 = arith.constant 0 : i32
      %dma_start3A_140 = tpu.memref_slice %arg8[%add3A_17, %dma_start3A_139] : memref<102400x16xf32, #tpu.memory_space<vmem_shared>> -> memref<400x16xf32, #tpu.memory_space<vmem_shared>>
      %dma_start3A_141 = arith.constant 0 : i32
      %dma_start3A_142 = tpu.memref_slice %arg8[%add3A_17, %dma_start3A_141] : memref<102400x16xf32, #tpu.memory_space<vmem_shared>> -> memref<400x16xf32, #tpu.memory_space<vmem_shared>>
      tpu.enqueue_dma source(%arg15 : memref<400x16xf32, #tpu.memory_space<vmem>>) target(%dma_start3A_142 : memref<400x16xf32, #tpu.memory_space<vmem_shared>>) target_semaphore(%run_scoped3A : memref<!tpu.dma_semaphore, #tpu.memory_space<semaphore_mem>>)
      %dma_wait3A_143 = arith.constant 0 : i32
      %dma_wait3A_144 = tpu.memref_slice %arg8[%add3A_17, %dma_wait3A_143] : memref<102400x16xf32, #tpu.memory_space<vmem_shared>> -> memref<400x16xf32, #tpu.memory_space<vmem_shared>>
      %dma_wait3A_145 = arith.constant 0 : i32
      %dma_wait3A_146 = tpu.memref_slice %arg8[%add3A_17, %dma_wait3A_145] : memref<102400x16xf32, #tpu.memory_space<vmem_shared>> -> memref<400x16xf32, #tpu.memory_space<vmem_shared>>
      tpu.wait_dma2 semaphore(%run_scoped3A : memref<!tpu.dma_semaphore, #tpu.memory_space<semaphore_mem>>) src(%arg15 : memref<400x16xf32, #tpu.memory_space<vmem>>) dst(%dma_wait3A_146 : memref<400x16xf32, #tpu.memory_space<vmem_shared>>)
      tpu.yield
    }) : () -> ()
    %add3A_18 = arith.constant 2800 : i32
    %add3A_19 = arith.addi %mul3A_4, %add3A_18 : i32
    "tpu.region"() ({
      %run_scoped3A = tpu.sem_alloc : memref<!tpu.dma_semaphore, #tpu.memory_space<semaphore_mem>>
      %dma_start3A_139 = arith.constant 0 : i32
      %dma_start3A_140 = tpu.memref_slice %arg8[%add3A_19, %dma_start3A_139] : memref<102400x16xf32, #tpu.memory_space<vmem_shared>> -> memref<400x16xf32, #tpu.memory_space<vmem_shared>>
      %dma_start3A_141 = arith.constant 0 : i32
      %dma_start3A_142 = tpu.memref_slice %arg8[%add3A_19, %dma_start3A_141] : memref<102400x16xf32, #tpu.memory_space<vmem_shared>> -> memref<400x16xf32, #tpu.memory_space<vmem_shared>>
      tpu.enqueue_dma source(%arg15 : memref<400x16xf32, #tpu.memory_space<vmem>>) target(%dma_start3A_142 : memref<400x16xf32, #tpu.memory_space<vmem_shared>>) target_semaphore(%run_scoped3A : memref<!tpu.dma_semaphore, #tpu.memory_space<semaphore_mem>>)
      %dma_wait3A_143 = arith.constant 0 : i32
      %dma_wait3A_144 = tpu.memref_slice %arg8[%add3A_19, %dma_wait3A_143] : memref<102400x16xf32, #tpu.memory_space<vmem_shared>> -> memref<400x16xf32, #tpu.memory_space<vmem_shared>>
      %dma_wait3A_145 = arith.constant 0 : i32
      %dma_wait3A_146 = tpu.memref_slice %arg8[%add3A_19, %dma_wait3A_145] : memref<102400x16xf32, #tpu.memory_space<vmem_shared>> -> memref<400x16xf32, #tpu.memory_space<vmem_shared>>
      tpu.wait_dma2 semaphore(%run_scoped3A : memref<!tpu.dma_semaphore, #tpu.memory_space<semaphore_mem>>) src(%arg15 : memref<400x16xf32, #tpu.memory_space<vmem>>) dst(%dma_wait3A_146 : memref<400x16xf32, #tpu.memory_space<vmem_shared>>)
      tpu.yield
    }) : () -> ()
    %add3A_20 = arith.constant 3200 : i32
    %add3A_21 = arith.addi %mul3A_4, %add3A_20 : i32
    "tpu.region"() ({
      %run_scoped3A = tpu.sem_alloc : memref<!tpu.dma_semaphore, #tpu.memory_space<semaphore_mem>>
      %dma_start3A_139 = arith.constant 0 : i32
      %dma_start3A_140 = tpu.memref_slice %arg8[%add3A_21, %dma_start3A_139] : memref<102400x16xf32, #tpu.memory_space<vmem_shared>> -> memref<400x16xf32, #tpu.memory_space<vmem_shared>>
      %dma_start3A_141 = arith.constant 0 : i32
      %dma_start3A_142 = tpu.memref_slice %arg8[%add3A_21, %dma_start3A_141] : memref<102400x16xf32, #tpu.memory_space<vmem_shared>> -> memref<400x16xf32, #tpu.memory_space<vmem_shared>>
      tpu.enqueue_dma source(%arg15 : memref<400x16xf32, #tpu.memory_space<vmem>>) target(%dma_start3A_142 : memref<400x16xf32, #tpu.memory_space<vmem_shared>>) target_semaphore(%run_scoped3A : memref<!tpu.dma_semaphore, #tpu.memory_space<semaphore_mem>>)
      %dma_wait3A_143 = arith.constant 0 : i32
      %dma_wait3A_144 = tpu.memref_slice %arg8[%add3A_21, %dma_wait3A_143] : memref<102400x16xf32, #tpu.memory_space<vmem_shared>> -> memref<400x16xf32, #tpu.memory_space<vmem_shared>>
      %dma_wait3A_145 = arith.constant 0 : i32
      %dma_wait3A_146 = tpu.memref_slice %arg8[%add3A_21, %dma_wait3A_145] : memref<102400x16xf32, #tpu.memory_space<vmem_shared>> -> memref<400x16xf32, #tpu.memory_space<vmem_shared>>
      tpu.wait_dma2 semaphore(%run_scoped3A : memref<!tpu.dma_semaphore, #tpu.memory_space<semaphore_mem>>) src(%arg15 : memref<400x16xf32, #tpu.memory_space<vmem>>) dst(%dma_wait3A_146 : memref<400x16xf32, #tpu.memory_space<vmem_shared>>)
      tpu.yield
    }) : () -> ()
    %add3A_22 = arith.constant 3600 : i32
    %add3A_23 = arith.addi %mul3A_4, %add3A_22 : i32
    "tpu.region"() ({
      %run_scoped3A = tpu.sem_alloc : memref<!tpu.dma_semaphore, #tpu.memory_space<semaphore_mem>>
      %dma_start3A_139 = arith.constant 0 : i32
      %dma_start3A_140 = tpu.memref_slice %arg8[%add3A_23, %dma_start3A_139] : memref<102400x16xf32, #tpu.memory_space<vmem_shared>> -> memref<400x16xf32, #tpu.memory_space<vmem_shared>>
      %dma_start3A_141 = arith.constant 0 : i32
      %dma_start3A_142 = tpu.memref_slice %arg8[%add3A_23, %dma_start3A_141] : memref<102400x16xf32, #tpu.memory_space<vmem_shared>> -> memref<400x16xf32, #tpu.memory_space<vmem_shared>>
      tpu.enqueue_dma source(%arg15 : memref<400x16xf32, #tpu.memory_space<vmem>>) target(%dma_start3A_142 : memref<400x16xf32, #tpu.memory_space<vmem_shared>>) target_semaphore(%run_scoped3A : memref<!tpu.dma_semaphore, #tpu.memory_space<semaphore_mem>>)
      %dma_wait3A_143 = arith.constant 0 : i32
      %dma_wait3A_144 = tpu.memref_slice %arg8[%add3A_23, %dma_wait3A_143] : memref<102400x16xf32, #tpu.memory_space<vmem_shared>> -> memref<400x16xf32, #tpu.memory_space<vmem_shared>>
      %dma_wait3A_145 = arith.constant 0 : i32
      %dma_wait3A_146 = tpu.memref_slice %arg8[%add3A_23, %dma_wait3A_145] : memref<102400x16xf32, #tpu.memory_space<vmem_shared>> -> memref<400x16xf32, #tpu.memory_space<vmem_shared>>
      tpu.wait_dma2 semaphore(%run_scoped3A : memref<!tpu.dma_semaphore, #tpu.memory_space<semaphore_mem>>) src(%arg15 : memref<400x16xf32, #tpu.memory_space<vmem>>) dst(%dma_wait3A_146 : memref<400x16xf32, #tpu.memory_space<vmem_shared>>)
      tpu.yield
    }) : () -> ()
    %add3A_24 = arith.constant 4000 : i32
    %add3A_25 = arith.addi %mul3A_4, %add3A_24 : i32
    "tpu.region"() ({
      %run_scoped3A = tpu.sem_alloc : memref<!tpu.dma_semaphore, #tpu.memory_space<semaphore_mem>>
      %dma_start3A_139 = arith.constant 0 : i32
      %dma_start3A_140 = tpu.memref_slice %arg8[%add3A_25, %dma_start3A_139] : memref<102400x16xf32, #tpu.memory_space<vmem_shared>> -> memref<400x16xf32, #tpu.memory_space<vmem_shared>>
      %dma_start3A_141 = arith.constant 0 : i32
      %dma_start3A_142 = tpu.memref_slice %arg8[%add3A_25, %dma_start3A_141] : memref<102400x16xf32, #tpu.memory_space<vmem_shared>> -> memref<400x16xf32, #tpu.memory_space<vmem_shared>>
      tpu.enqueue_dma source(%arg15 : memref<400x16xf32, #tpu.memory_space<vmem>>) target(%dma_start3A_142 : memref<400x16xf32, #tpu.memory_space<vmem_shared>>) target_semaphore(%run_scoped3A : memref<!tpu.dma_semaphore, #tpu.memory_space<semaphore_mem>>)
      %dma_wait3A_143 = arith.constant 0 : i32
      %dma_wait3A_144 = tpu.memref_slice %arg8[%add3A_25, %dma_wait3A_143] : memref<102400x16xf32, #tpu.memory_space<vmem_shared>> -> memref<400x16xf32, #tpu.memory_space<vmem_shared>>
      %dma_wait3A_145 = arith.constant 0 : i32
      %dma_wait3A_146 = tpu.memref_slice %arg8[%add3A_25, %dma_wait3A_145] : memref<102400x16xf32, #tpu.memory_space<vmem_shared>> -> memref<400x16xf32, #tpu.memory_space<vmem_shared>>
      tpu.wait_dma2 semaphore(%run_scoped3A : memref<!tpu.dma_semaphore, #tpu.memory_space<semaphore_mem>>) src(%arg15 : memref<400x16xf32, #tpu.memory_space<vmem>>) dst(%dma_wait3A_146 : memref<400x16xf32, #tpu.memory_space<vmem_shared>>)
      tpu.yield
    }) : () -> ()
    %add3A_26 = arith.constant 4400 : i32
    %add3A_27 = arith.addi %mul3A_4, %add3A_26 : i32
    "tpu.region"() ({
      %run_scoped3A = tpu.sem_alloc : memref<!tpu.dma_semaphore, #tpu.memory_space<semaphore_mem>>
      %dma_start3A_139 = arith.constant 0 : i32
      %dma_start3A_140 = tpu.memref_slice %arg8[%add3A_27, %dma_start3A_139] : memref<102400x16xf32, #tpu.memory_space<vmem_shared>> -> memref<400x16xf32, #tpu.memory_space<vmem_shared>>
      %dma_start3A_141 = arith.constant 0 : i32
      %dma_start3A_142 = tpu.memref_slice %arg8[%add3A_27, %dma_start3A_141] : memref<102400x16xf32, #tpu.memory_space<vmem_shared>> -> memref<400x16xf32, #tpu.memory_space<vmem_shared>>
      tpu.enqueue_dma source(%arg15 : memref<400x16xf32, #tpu.memory_space<vmem>>) target(%dma_start3A_142 : memref<400x16xf32, #tpu.memory_space<vmem_shared>>) target_semaphore(%run_scoped3A : memref<!tpu.dma_semaphore, #tpu.memory_space<semaphore_mem>>)
      %dma_wait3A_143 = arith.constant 0 : i32
      %dma_wait3A_144 = tpu.memref_slice %arg8[%add3A_27, %dma_wait3A_143] : memref<102400x16xf32, #tpu.memory_space<vmem_shared>> -> memref<400x16xf32, #tpu.memory_space<vmem_shared>>
      %dma_wait3A_145 = arith.constant 0 : i32
      %dma_wait3A_146 = tpu.memref_slice %arg8[%add3A_27, %dma_wait3A_145] : memref<102400x16xf32, #tpu.memory_space<vmem_shared>> -> memref<400x16xf32, #tpu.memory_space<vmem_shared>>
      tpu.wait_dma2 semaphore(%run_scoped3A : memref<!tpu.dma_semaphore, #tpu.memory_space<semaphore_mem>>) src(%arg15 : memref<400x16xf32, #tpu.memory_space<vmem>>) dst(%dma_wait3A_146 : memref<400x16xf32, #tpu.memory_space<vmem_shared>>)
      tpu.yield
    }) : () -> ()
    %add3A_28 = arith.constant 4800 : i32
    %add3A_29 = arith.addi %mul3A_4, %add3A_28 : i32
    "tpu.region"() ({
      %run_scoped3A = tpu.sem_alloc : memref<!tpu.dma_semaphore, #tpu.memory_space<semaphore_mem>>
      %dma_start3A_139 = arith.constant 0 : i32
      %dma_start3A_140 = tpu.memref_slice %arg8[%add3A_29, %dma_start3A_139] : memref<102400x16xf32, #tpu.memory_space<vmem_shared>> -> memref<400x16xf32, #tpu.memory_space<vmem_shared>>
      %dma_start3A_141 = arith.constant 0 : i32
      %dma_start3A_142 = tpu.memref_slice %arg8[%add3A_29, %dma_start3A_141] : memref<102400x16xf32, #tpu.memory_space<vmem_shared>> -> memref<400x16xf32, #tpu.memory_space<vmem_shared>>
      tpu.enqueue_dma source(%arg15 : memref<400x16xf32, #tpu.memory_space<vmem>>) target(%dma_start3A_142 : memref<400x16xf32, #tpu.memory_space<vmem_shared>>) target_semaphore(%run_scoped3A : memref<!tpu.dma_semaphore, #tpu.memory_space<semaphore_mem>>)
      %dma_wait3A_143 = arith.constant 0 : i32
      %dma_wait3A_144 = tpu.memref_slice %arg8[%add3A_29, %dma_wait3A_143] : memref<102400x16xf32, #tpu.memory_space<vmem_shared>> -> memref<400x16xf32, #tpu.memory_space<vmem_shared>>
      %dma_wait3A_145 = arith.constant 0 : i32
      %dma_wait3A_146 = tpu.memref_slice %arg8[%add3A_29, %dma_wait3A_145] : memref<102400x16xf32, #tpu.memory_space<vmem_shared>> -> memref<400x16xf32, #tpu.memory_space<vmem_shared>>
      tpu.wait_dma2 semaphore(%run_scoped3A : memref<!tpu.dma_semaphore, #tpu.memory_space<semaphore_mem>>) src(%arg15 : memref<400x16xf32, #tpu.memory_space<vmem>>) dst(%dma_wait3A_146 : memref<400x16xf32, #tpu.memory_space<vmem_shared>>)
      tpu.yield
    }) : () -> ()
    %add3A_30 = arith.constant 5200 : i32
    %add3A_31 = arith.addi %mul3A_4, %add3A_30 : i32
    "tpu.region"() ({
      %run_scoped3A = tpu.sem_alloc : memref<!tpu.dma_semaphore, #tpu.memory_space<semaphore_mem>>
      %dma_start3A_139 = arith.constant 0 : i32
      %dma_start3A_140 = tpu.memref_slice %arg8[%add3A_31, %dma_start3A_139] : memref<102400x16xf32, #tpu.memory_space<vmem_shared>> -> memref<400x16xf32, #tpu.memory_space<vmem_shared>>
      %dma_start3A_141 = arith.constant 0 : i32
      %dma_start3A_142 = tpu.memref_slice %arg8[%add3A_31, %dma_start3A_141] : memref<102400x16xf32, #tpu.memory_space<vmem_shared>> -> memref<400x16xf32, #tpu.memory_space<vmem_shared>>
      tpu.enqueue_dma source(%arg15 : memref<400x16xf32, #tpu.memory_space<vmem>>) target(%dma_start3A_142 : memref<400x16xf32, #tpu.memory_space<vmem_shared>>) target_semaphore(%run_scoped3A : memref<!tpu.dma_semaphore, #tpu.memory_space<semaphore_mem>>)
      %dma_wait3A_143 = arith.constant 0 : i32
      %dma_wait3A_144 = tpu.memref_slice %arg8[%add3A_31, %dma_wait3A_143] : memref<102400x16xf32, #tpu.memory_space<vmem_shared>> -> memref<400x16xf32, #tpu.memory_space<vmem_shared>>
      %dma_wait3A_145 = arith.constant 0 : i32
      %dma_wait3A_146 = tpu.memref_slice %arg8[%add3A_31, %dma_wait3A_145] : memref<102400x16xf32, #tpu.memory_space<vmem_shared>> -> memref<400x16xf32, #tpu.memory_space<vmem_shared>>
      tpu.wait_dma2 semaphore(%run_scoped3A : memref<!tpu.dma_semaphore, #tpu.memory_space<semaphore_mem>>) src(%arg15 : memref<400x16xf32, #tpu.memory_space<vmem>>) dst(%dma_wait3A_146 : memref<400x16xf32, #tpu.memory_space<vmem_shared>>)
      tpu.yield
    }) : () -> ()
    %add3A_32 = arith.constant 5600 : i32
    %add3A_33 = arith.addi %mul3A_4, %add3A_32 : i32
    "tpu.region"() ({
      %run_scoped3A = tpu.sem_alloc : memref<!tpu.dma_semaphore, #tpu.memory_space<semaphore_mem>>
      %dma_start3A_139 = arith.constant 0 : i32
      %dma_start3A_140 = tpu.memref_slice %arg8[%add3A_33, %dma_start3A_139] : memref<102400x16xf32, #tpu.memory_space<vmem_shared>> -> memref<400x16xf32, #tpu.memory_space<vmem_shared>>
      %dma_start3A_141 = arith.constant 0 : i32
      %dma_start3A_142 = tpu.memref_slice %arg8[%add3A_33, %dma_start3A_141] : memref<102400x16xf32, #tpu.memory_space<vmem_shared>> -> memref<400x16xf32, #tpu.memory_space<vmem_shared>>
      tpu.enqueue_dma source(%arg15 : memref<400x16xf32, #tpu.memory_space<vmem>>) target(%dma_start3A_142 : memref<400x16xf32, #tpu.memory_space<vmem_shared>>) target_semaphore(%run_scoped3A : memref<!tpu.dma_semaphore, #tpu.memory_space<semaphore_mem>>)
      %dma_wait3A_143 = arith.constant 0 : i32
      %dma_wait3A_144 = tpu.memref_slice %arg8[%add3A_33, %dma_wait3A_143] : memref<102400x16xf32, #tpu.memory_space<vmem_shared>> -> memref<400x16xf32, #tpu.memory_space<vmem_shared>>
      %dma_wait3A_145 = arith.constant 0 : i32
      %dma_wait3A_146 = tpu.memref_slice %arg8[%add3A_33, %dma_wait3A_145] : memref<102400x16xf32, #tpu.memory_space<vmem_shared>> -> memref<400x16xf32, #tpu.memory_space<vmem_shared>>
      tpu.wait_dma2 semaphore(%run_scoped3A : memref<!tpu.dma_semaphore, #tpu.memory_space<semaphore_mem>>) src(%arg15 : memref<400x16xf32, #tpu.memory_space<vmem>>) dst(%dma_wait3A_146 : memref<400x16xf32, #tpu.memory_space<vmem_shared>>)
      tpu.yield
    }) : () -> ()
    %add3A_34 = arith.constant 6000 : i32
    %add3A_35 = arith.addi %mul3A_4, %add3A_34 : i32
    "tpu.region"() ({
      %run_scoped3A = tpu.sem_alloc : memref<!tpu.dma_semaphore, #tpu.memory_space<semaphore_mem>>
      %dma_start3A_139 = arith.constant 0 : i32
      %dma_start3A_140 = tpu.memref_slice %arg8[%add3A_35, %dma_start3A_139] : memref<102400x16xf32, #tpu.memory_space<vmem_shared>> -> memref<400x16xf32, #tpu.memory_space<vmem_shared>>
      %dma_start3A_141 = arith.constant 0 : i32
      %dma_start3A_142 = tpu.memref_slice %arg8[%add3A_35, %dma_start3A_141] : memref<102400x16xf32, #tpu.memory_space<vmem_shared>> -> memref<400x16xf32, #tpu.memory_space<vmem_shared>>
      tpu.enqueue_dma source(%arg15 : memref<400x16xf32, #tpu.memory_space<vmem>>) target(%dma_start3A_142 : memref<400x16xf32, #tpu.memory_space<vmem_shared>>) target_semaphore(%run_scoped3A : memref<!tpu.dma_semaphore, #tpu.memory_space<semaphore_mem>>)
      %dma_wait3A_143 = arith.constant 0 : i32
      %dma_wait3A_144 = tpu.memref_slice %arg8[%add3A_35, %dma_wait3A_143] : memref<102400x16xf32, #tpu.memory_space<vmem_shared>> -> memref<400x16xf32, #tpu.memory_space<vmem_shared>>
      %dma_wait3A_145 = arith.constant 0 : i32
      %dma_wait3A_146 = tpu.memref_slice %arg8[%add3A_35, %dma_wait3A_145] : memref<102400x16xf32, #tpu.memory_space<vmem_shared>> -> memref<400x16xf32, #tpu.memory_space<vmem_shared>>
      tpu.wait_dma2 semaphore(%run_scoped3A : memref<!tpu.dma_semaphore, #tpu.memory_space<semaphore_mem>>) src(%arg15 : memref<400x16xf32, #tpu.memory_space<vmem>>) dst(%dma_wait3A_146 : memref<400x16xf32, #tpu.memory_space<vmem_shared>>)
      tpu.yield
    }) : () -> ()
    %barrier3A = arith.constant 0 : index
    tpu.barrier barrier_id(%barrier3A)
    %add3A_36 = arith.constant 0 : i32
    %add3A_37 = arith.addi %mul3A_2, %add3A_36 : i32
    %multiple_of3A = tpu.assume_multiple %add3A_37, 8 : i32
    %dma_start3A = tpu.memref_slice %arg3[%multiple_of3A] : memref<3200000xi32, #tpu.memory_space<hbm>> -> memref<400xi32, #tpu.memory_space<hbm>>
    %dma_start3A_38 = tpu.memref_slice %arg3[%multiple_of3A] : memref<3200000xi32, #tpu.memory_space<hbm>> -> memref<400xi32, #tpu.memory_space<hbm>>
    tpu.enqueue_dma source(%dma_start3A_38 : memref<400xi32, #tpu.memory_space<hbm>>) target(%arg9 : memref<400xi32, #tpu.memory_space<vmem>>) target_semaphore(%arg19 : memref<!tpu.dma_semaphore, #tpu.memory_space<semaphore_mem>>)
    %dma_start3A_39 = tpu.memref_slice %arg4[%multiple_of3A] : memref<3200000xi32, #tpu.memory_space<hbm>> -> memref<400xi32, #tpu.memory_space<hbm>>
    %dma_start3A_40 = tpu.memref_slice %arg4[%multiple_of3A] : memref<3200000xi32, #tpu.memory_space<hbm>> -> memref<400xi32, #tpu.memory_space<hbm>>
    tpu.enqueue_dma source(%dma_start3A_40 : memref<400xi32, #tpu.memory_space<hbm>>) target(%arg11 : memref<400xi32, #tpu.memory_space<vmem>>) target_semaphore(%arg21 : memref<!tpu.dma_semaphore, #tpu.memory_space<semaphore_mem>>)
    %dma_start3A_41 = tpu.memref_slice %arg5[%multiple_of3A] : memref<3200000xf32, #tpu.memory_space<hbm>> -> memref<400xf32, #tpu.memory_space<hbm>>
    %dma_start3A_42 = tpu.memref_slice %arg5[%multiple_of3A] : memref<3200000xf32, #tpu.memory_space<hbm>> -> memref<400xf32, #tpu.memory_space<hbm>>
    tpu.enqueue_dma source(%dma_start3A_42 : memref<400xf32, #tpu.memory_space<hbm>>) target(%arg13 : memref<400xf32, #tpu.memory_space<vmem>>) target_semaphore(%arg23 : memref<!tpu.dma_semaphore, #tpu.memory_space<semaphore_mem>>)
    %add3A_43 = arith.constant 400 : i32
    %add3A_44 = arith.addi %mul3A_2, %add3A_43 : i32
    %multiple_of3A_45 = tpu.assume_multiple %add3A_44, 8 : i32
    %dma_start3A_46 = tpu.memref_slice %arg3[%multiple_of3A_45] : memref<3200000xi32, #tpu.memory_space<hbm>> -> memref<400xi32, #tpu.memory_space<hbm>>
    %dma_start3A_47 = tpu.memref_slice %arg3[%multiple_of3A_45] : memref<3200000xi32, #tpu.memory_space<hbm>> -> memref<400xi32, #tpu.memory_space<hbm>>
    tpu.enqueue_dma source(%dma_start3A_47 : memref<400xi32, #tpu.memory_space<hbm>>) target(%arg10 : memref<400xi32, #tpu.memory_space<vmem>>) target_semaphore(%arg20 : memref<!tpu.dma_semaphore, #tpu.memory_space<semaphore_mem>>)
    %dma_start3A_48 = tpu.memref_slice %arg4[%multiple_of3A_45] : memref<3200000xi32, #tpu.memory_space<hbm>> -> memref<400xi32, #tpu.memory_space<hbm>>
    %dma_start3A_49 = tpu.memref_slice %arg4[%multiple_of3A_45] : memref<3200000xi32, #tpu.memory_space<hbm>> -> memref<400xi32, #tpu.memory_space<hbm>>
    tpu.enqueue_dma source(%dma_start3A_49 : memref<400xi32, #tpu.memory_space<hbm>>) target(%arg12 : memref<400xi32, #tpu.memory_space<vmem>>) target_semaphore(%arg22 : memref<!tpu.dma_semaphore, #tpu.memory_space<semaphore_mem>>)
    %dma_start3A_50 = tpu.memref_slice %arg5[%multiple_of3A_45] : memref<3200000xf32, #tpu.memory_space<hbm>> -> memref<400xf32, #tpu.memory_space<hbm>>
    %dma_start3A_51 = tpu.memref_slice %arg5[%multiple_of3A_45] : memref<3200000xf32, #tpu.memory_space<hbm>> -> memref<400xf32, #tpu.memory_space<hbm>>
    tpu.enqueue_dma source(%dma_start3A_51 : memref<400xf32, #tpu.memory_space<hbm>>) target(%arg14 : memref<400xf32, #tpu.memory_space<vmem>>) target_semaphore(%arg24 : memref<!tpu.dma_semaphore, #tpu.memory_space<semaphore_mem>>)
    %dma_wait3A = arith.constant 0 : i32
    %dma_wait3A_52 = tpu.memref_slice %arg3[%dma_wait3A] : memref<3200000xi32, #tpu.memory_space<hbm>> -> memref<400xi32, #tpu.memory_space<hbm>>
    %dma_wait3A_53 = arith.constant 0 : i32
    %dma_wait3A_54 = tpu.memref_slice %arg3[%dma_wait3A_53] : memref<3200000xi32, #tpu.memory_space<hbm>> -> memref<400xi32, #tpu.memory_space<hbm>>
    tpu.wait_dma2 semaphore(%arg19 : memref<!tpu.dma_semaphore, #tpu.memory_space<semaphore_mem>>) src(%dma_wait3A_54 : memref<400xi32, #tpu.memory_space<hbm>>) dst(%arg9 : memref<400xi32, #tpu.memory_space<vmem>>)
    %dma_start3A_55 = arith.constant 0 : i32
    %dma_start3A_56 = arith.constant 0 : i32
    %dma_start3A_57 = tpu.memref_slice %arg2[%dma_start3A_55, %dma_start3A_56] : memref<250000x16xf32, #tpu.memory_space<hbm>> -> memref<250000x16xf32, #tpu.memory_space<hbm>>
    tpu.enqueue_indirect_dma source(%dma_start3A_57 : memref<250000x16xf32, #tpu.memory_space<hbm>>) target(%arg15 : memref<400x16xf32, #tpu.memory_space<vmem>>) offsets(%arg9 : memref<400xi32, #tpu.memory_space<vmem>>) semaphore(%arg25 : memref<!tpu.dma_semaphore, #tpu.memory_space<semaphore_mem>>)
    %iota3A = tpu.iota {dimensions = array<i32: 0>} : vector<16xi32>
    %scan3A = arith.constant 0 : i32
    %scan3A_58 = arith.constant 0 : i32
    %scan3A_59 = arith.constant 250 : i32
    %scan3A_60 = arith.addi %scan3A_58, %scan3A_59 : i32
    %scan3A_61 = arith.constant 1 : i32
    scf.for %scan3A_139 = %scan3A_58 to %scan3A_60 step %scan3A_61  : i32 {
      %dma_wait3A_140 = arith.constant 0 : i32
      %dma_wait3A_141 = tpu.memref_slice %arg3[%dma_wait3A_140] : memref<3200000xi32, #tpu.memory_space<hbm>> -> memref<400xi32, #tpu.memory_space<hbm>>
      %dma_wait3A_142 = arith.constant 0 : i32
      %dma_wait3A_143 = tpu.memref_slice %arg3[%dma_wait3A_142] : memref<3200000xi32, #tpu.memory_space<hbm>> -> memref<400xi32, #tpu.memory_space<hbm>>
      tpu.wait_dma2 semaphore(%arg20 : memref<!tpu.dma_semaphore, #tpu.memory_space<semaphore_mem>>) src(%dma_wait3A_143 : memref<400xi32, #tpu.memory_space<hbm>>) dst(%arg10 : memref<400xi32, #tpu.memory_space<vmem>>)
      %dma_wait3A_144 = arith.constant 0 : i32
      %dma_wait3A_145 = tpu.memref_slice %arg4[%dma_wait3A_144] : memref<3200000xi32, #tpu.memory_space<hbm>> -> memref<400xi32, #tpu.memory_space<hbm>>
      %dma_wait3A_146 = arith.constant 0 : i32
      %dma_wait3A_147 = tpu.memref_slice %arg4[%dma_wait3A_146] : memref<3200000xi32, #tpu.memory_space<hbm>> -> memref<400xi32, #tpu.memory_space<hbm>>
      tpu.wait_dma2 semaphore(%arg21 : memref<!tpu.dma_semaphore, #tpu.memory_space<semaphore_mem>>) src(%dma_wait3A_147 : memref<400xi32, #tpu.memory_space<hbm>>) dst(%arg11 : memref<400xi32, #tpu.memory_space<vmem>>)
      %scan3A_148 = arith.constant 0 : i32
      %scan3A_149 = arith.constant 0 : i32
      %scan3A_150 = arith.constant 25 : i32
      %scan3A_151 = arith.addi %scan3A_149, %scan3A_150 : i32
      %scan3A_152 = arith.constant 1 : i32
      scf.for %scan3A_225 = %scan3A_149 to %scan3A_151 step %scan3A_152  : i32 {
        %mul3A_226 = arith.constant 16 : i32
        %mul3A_227 = arith.muli %scan3A_225, %mul3A_226 : i32
        %get3A = arith.index_cast %mul3A_227 : i32 to index
        %get3A_228 = tpu.vector_load %arg11[%get3A] {strides = array<i32>} : memref<400xi32, #tpu.memory_space<vmem>>, vector<16xi32>,
        %get3A_229 = vector.shape_cast %get3A_228 : vector<16xi32> to vector<16xi32>
        %shift_right_logical3A = arith.constant 2 : i32
        %shift_right_logical3A_230 = vector.broadcast %shift_right_logical3A : i32 to vector<16xi32>
        %shift_right_logical3A_231 = arith.shrui %get3A_229, %shift_right_logical3A_230 : vector<16xi32>
        %and3A = arith.constant 3 : i32
        %and3A_232 = vector.broadcast %and3A : i32 to vector<16xi32>
        %and3A_233 = arith.andi %get3A_229, %and3A_232 : vector<16xi32>
        %mul3A_234 = arith.constant 25600 : i32
        %mul3A_235 = vector.broadcast %mul3A_234 : i32 to vector<16xi32>
        %mul3A_236 = arith.muli %and3A_233, %mul3A_235 : vector<16xi32>
        %sub3A = vector.broadcast %mul3A_0 : i32 to vector<16xi32>
        %sub3A_237 = arith.subi %shift_right_logical3A_231, %sub3A : vector<16xi32>
        %add3A_238 = arith.addi %mul3A_236, %sub3A_237 : vector<16xi32>
        %ge3A_239 = vector.broadcast %mul3A_0 : i32 to vector<16xi32>
        %ge3A_240 = arith.cmpi sge, %shift_right_logical3A_231, %ge3A_239 : vector<16xi32>
        %add3A_241 = arith.constant 25000 : i32
        %add3A_242 = arith.addi %mul3A_0, %add3A_241 : i32
        %lt3A_243 = vector.broadcast %add3A_242 : i32 to vector<16xi32>
        %lt3A_244 = arith.cmpi slt, %shift_right_logical3A_231, %lt3A_243 : vector<16xi32>
        %and3A_245 = arith.andi %ge3A_240, %lt3A_244 : vector<16xi1>
        %and3A_246 = arith.constant 15 : i32
        %and3A_247 = vector.broadcast %and3A_246 : i32 to vector<16xi32>
        %and3A_248 = arith.andi %iota3A, %and3A_247 : vector<16xi32>
        %add3A_249 = arith.constant 25000 : i32
        %add3A_250 = vector.broadcast %add3A_249 : i32 to vector<16xi32>
        %add3A_251 = arith.addi %add3A_250, %and3A_248 : vector<16xi32>
        %select_n3A = arith.select %and3A_245, %add3A_238, %add3A_251 : vector<16xi1>, vector<16xi32>
        %mul3A_252 = arith.constant 16 : i32
        %mul3A_253 = arith.muli %scan3A_225, %mul3A_252 : i32
        %swap3A = arith.index_cast %mul3A_253 : i32 to index
        %swap3A_254 = tpu.vector_load %arg17[%swap3A] {strides = array<i32>} : memref<400xi32, #tpu.memory_space<vmem>>, vector<16xi32>,
        %swap3A_255 = vector.shape_cast %swap3A_254 : vector<16xi32> to vector<16xi32>
        %swap3A_256 = vector.shape_cast %select_n3A : vector<16xi32> to vector<16xi32>
        tpu.vector_store %arg17[%swap3A], %swap3A_256 {strides = array<i32>} : memref<400xi32, #tpu.memory_space<vmem>>, vector<16xi32>,
      }
      %scan3A_153 = arith.constant 25 : i32
      %ge3A = arith.constant 1 : i32
      %ge3A_154 = arith.cmpi sge, %scan3A_139, %ge3A : i32
      %convert_element_type3A_155 = arith.extui %ge3A_154 : i1 to i32
      %cond3A_156 = arith.constant 0 : i32
      %cond3A_157 = arith.cmpi ne, %convert_element_type3A_155, %cond3A_156 : i32
      scf.if %cond3A_157 {
        %dma_wait3A_225 = arith.constant 0 : i32
        %dma_wait3A_226 = arith.constant 0 : i32
        %dma_wait3A_227 = tpu.memref_slice %arg8[%dma_wait3A_225, %dma_wait3A_226] : memref<102400x16xf32, #tpu.memory_space<vmem_shared>> -> memref<102400x16xf32, #tpu.memory_space<vmem_shared>>
        tpu.wait_indirect_dma semaphore(%arg28 : memref<!tpu.dma_semaphore, #tpu.memory_space<semaphore_mem>>) src(%arg16 : memref<400x16xf32, #tpu.memory_space<vmem>>) dst(%dma_wait3A_227 : memref<102400x16xf32, #tpu.memory_space<vmem_shared>>)
      } else {
      }
      %dma_start3A_158 = arith.constant 0 : i32
      %dma_start3A_159 = arith.constant 0 : i32
      %dma_start3A_160 = tpu.memref_slice %arg2[%dma_start3A_158, %dma_start3A_159] : memref<250000x16xf32, #tpu.memory_space<hbm>> -> memref<250000x16xf32, #tpu.memory_space<hbm>>
      tpu.enqueue_indirect_dma source(%dma_start3A_160 : memref<250000x16xf32, #tpu.memory_space<hbm>>) target(%arg16 : memref<400x16xf32, #tpu.memory_space<vmem>>) offsets(%arg10 : memref<400xi32, #tpu.memory_space<vmem>>) semaphore(%arg26 : memref<!tpu.dma_semaphore, #tpu.memory_space<semaphore_mem>>)
      %dma_wait3A_161 = arith.constant 0 : i32
      %dma_wait3A_162 = arith.constant 0 : i32
      %dma_wait3A_163 = tpu.memref_slice %arg2[%dma_wait3A_161, %dma_wait3A_162] : memref<250000x16xf32, #tpu.memory_space<hbm>> -> memref<250000x16xf32, #tpu.memory_space<hbm>>
      tpu.wait_indirect_dma semaphore(%arg25 : memref<!tpu.dma_semaphore, #tpu.memory_space<semaphore_mem>>) src(%dma_wait3A_163 : memref<250000x16xf32, #tpu.memory_space<hbm>>) dst(%arg15 : memref<400x16xf32, #tpu.memory_space<vmem>>)
      %dma_wait3A_164 = arith.constant 0 : i32
      %dma_wait3A_165 = tpu.memref_slice %arg5[%dma_wait3A_164] : memref<3200000xf32, #tpu.memory_space<hbm>> -> memref<400xf32, #tpu.memory_space<hbm>>
      %dma_wait3A_166 = arith.constant 0 : i32
      %dma_wait3A_167 = tpu.memref_slice %arg5[%dma_wait3A_166] : memref<3200000xf32, #tpu.memory_space<hbm>> -> memref<400xf32, #tpu.memory_space<hbm>>
      tpu.wait_dma2 semaphore(%arg23 : memref<!tpu.dma_semaphore, #tpu.memory_space<semaphore_mem>>) src(%dma_wait3A_167 : memref<400xf32, #tpu.memory_space<hbm>>) dst(%arg13 : memref<400xf32, #tpu.memory_space<vmem>>)
      %scan3A_168 = arith.constant 0 : i32
      %scan3A_169 = arith.constant 0 : i32
      %scan3A_170 = arith.constant 25 : i32
      %scan3A_171 = arith.addi %scan3A_169, %scan3A_170 : i32
      %scan3A_172 = arith.constant 1 : i32
      scf.for %scan3A_225 = %scan3A_169 to %scan3A_171 step %scan3A_172  : i32 {
        %mul3A_226 = arith.constant 16 : i32
        %mul3A_227 = arith.muli %scan3A_225, %mul3A_226 : i32
        %get3A = arith.index_cast %mul3A_227 : i32 to index
        %get3A_228 = tpu.vector_load %arg13[%get3A] {strides = array<i32>} : memref<400xf32, #tpu.memory_space<vmem>>, vector<16xf32>,
        %get3A_229 = vector.shape_cast %get3A_228 : vector<16xf32> to vector<16xf32>
        %mul3A_230 = arith.constant 16 : i32
        %mul3A_231 = arith.muli %scan3A_225, %mul3A_230 : i32
        %add3A_232 = arith.constant 0 : i32
        %add3A_233 = arith.addi %mul3A_231, %add3A_232 : i32
        %broadcast_in_dim3A = arith.constant 0 : i32
        %broadcast_in_dim3A_234 = vector.broadcast %broadcast_in_dim3A : i32 to vector<16x1xi32>
        %gather3A = vector.shape_cast %broadcast_in_dim3A_234 : vector<16x1xi32> to vector<16xi32>
        %gather3A_235 = tpu.dynamic_gather %get3A_229[%gather3A] in [0] : vector<16xf32>, vector<16xi32> -> vector<16xf32>
        %get3A_236 = arith.index_cast %add3A_233 : i32 to index
        %get3A_237 = arith.constant 0 : index
        %get3A_238 = tpu.vector_load %arg15[%get3A_236, %get3A_237] {strides = array<i32>} : memref<400x16xf32, #tpu.memory_space<vmem>>, vector<1x16xf32>,
        %get3A_239 = vector.shape_cast %get3A_238 : vector<1x16xf32> to vector<16xf32>
        %mul3A_240 = arith.mulf %get3A_239, %gather3A_235 : vector<16xf32>
        %swap3A = arith.index_cast %add3A_233 : i32 to index
        %swap3A_241 = arith.constant 0 : index
        %swap3A_242 = tpu.vector_load %arg15[%swap3A, %swap3A_241] {strides = array<i32>} : memref<400x16xf32, #tpu.memory_space<vmem>>, vector<1x16xf32>,
        %swap3A_243 = vector.shape_cast %swap3A_242 : vector<1x16xf32> to vector<16xf32>
        %swap3A_244 = vector.shape_cast %mul3A_240 : vector<16xf32> to vector<1x16xf32>
        tpu.vector_store %arg15[%swap3A, %swap3A_241], %swap3A_244 {strides = array<i32>} : memref<400x16xf32, #tpu.memory_space<vmem>>, vector<1x16xf32>,
        %mul3A_245 = arith.constant 16 : i32
        %mul3A_246 = arith.muli %scan3A_225, %mul3A_245 : i32
        %add3A_247 = arith.constant 1 : i32
        %add3A_248 = arith.addi %mul3A_246, %add3A_247 : i32
        %broadcast_in_dim3A_249 = arith.constant 1 : i32
        %broadcast_in_dim3A_250 = vector.broadcast %broadcast_in_dim3A_249 : i32 to vector<16x1xi32>
        %gather3A_251 = vector.shape_cast %broadcast_in_dim3A_250 : vector<16x1xi32> to vector<16xi32>
        %gather3A_252 = tpu.dynamic_gather %get3A_229[%gather3A_251] in [0] : vector<16xf32>, vector<16xi32> -> vector<16xf32>
        %get3A_253 = arith.index_cast %add3A_248 : i32 to index
        %get3A_254 = arith.constant 0 : index
        %get3A_255 = tpu.vector_load %arg15[%get3A_253, %get3A_254] {strides = array<i32>} : memref<400x16xf32, #tpu.memory_space<vmem>>, vector<1x16xf32>,
        %get3A_256 = vector.shape_cast %get3A_255 : vector<1x16xf32> to vector<16xf32>
        %mul3A_257 = arith.mulf %get3A_256, %gather3A_252 : vector<16xf32>
        %swap3A_258 = arith.index_cast %add3A_248 : i32 to index
        %swap3A_259 = arith.constant 0 : index
        %swap3A_260 = tpu.vector_load %arg15[%swap3A_258, %swap3A_259] {strides = array<i32>} : memref<400x16xf32, #tpu.memory_space<vmem>>, vector<1x16xf32>,
        %swap3A_261 = vector.shape_cast %swap3A_260 : vector<1x16xf32> to vector<16xf32>
        %swap3A_262 = vector.shape_cast %mul3A_257 : vector<16xf32> to vector<1x16xf32>
        tpu.vector_store %arg15[%swap3A_258, %swap3A_259], %swap3A_262 {strides = array<i32>} : memref<400x16xf32, #tpu.memory_space<vmem>>, vector<1x16xf32>,
        %mul3A_263 = arith.constant 16 : i32
        %mul3A_264 = arith.muli %scan3A_225, %mul3A_263 : i32
        %add3A_265 = arith.constant 2 : i32
        %add3A_266 = arith.addi %mul3A_264, %add3A_265 : i32
        %broadcast_in_dim3A_267 = arith.constant 2 : i32
        %broadcast_in_dim3A_268 = vector.broadcast %broadcast_in_dim3A_267 : i32 to vector<16x1xi32>
        %gather3A_269 = vector.shape_cast %broadcast_in_dim3A_268 : vector<16x1xi32> to vector<16xi32>
        %gather3A_270 = tpu.dynamic_gather %get3A_229[%gather3A_269] in [0] : vector<16xf32>, vector<16xi32> -> vector<16xf32>
        %get3A_271 = arith.index_cast %add3A_266 : i32 to index
        %get3A_272 = arith.constant 0 : index
        %get3A_273 = tpu.vector_load %arg15[%get3A_271, %get3A_272] {strides = array<i32>} : memref<400x16xf32, #tpu.memory_space<vmem>>, vector<1x16xf32>,
        %get3A_274 = vector.shape_cast %get3A_273 : vector<1x16xf32> to vector<16xf32>
        %mul3A_275 = arith.mulf %get3A_274, %gather3A_270 : vector<16xf32>
        %swap3A_276 = arith.index_cast %add3A_266 : i32 to index
        %swap3A_277 = arith.constant 0 : index
        %swap3A_278 = tpu.vector_load %arg15[%swap3A_276, %swap3A_277] {strides = array<i32>} : memref<400x16xf32, #tpu.memory_space<vmem>>, vector<1x16xf32>,
        %swap3A_279 = vector.shape_cast %swap3A_278 : vector<1x16xf32> to vector<16xf32>
        %swap3A_280 = vector.shape_cast %mul3A_275 : vector<16xf32> to vector<1x16xf32>
        tpu.vector_store %arg15[%swap3A_276, %swap3A_277], %swap3A_280 {strides = array<i32>} : memref<400x16xf32, #tpu.memory_space<vmem>>, vector<1x16xf32>,
        %mul3A_281 = arith.constant 16 : i32
        %mul3A_282 = arith.muli %scan3A_225, %mul3A_281 : i32
        %add3A_283 = arith.constant 3 : i32
        %add3A_284 = arith.addi %mul3A_282, %add3A_283 : i32
        %broadcast_in_dim3A_285 = arith.constant 3 : i32
        %broadcast_in_dim3A_286 = vector.broadcast %broadcast_in_dim3A_285 : i32 to vector<16x1xi32>
        %gather3A_287 = vector.shape_cast %broadcast_in_dim3A_286 : vector<16x1xi32> to vector<16xi32>
        %gather3A_288 = tpu.dynamic_gather %get3A_229[%gather3A_287] in [0] : vector<16xf32>, vector<16xi32> -> vector<16xf32>
        %get3A_289 = arith.index_cast %add3A_284 : i32 to index
        %get3A_290 = arith.constant 0 : index
        %get3A_291 = tpu.vector_load %arg15[%get3A_289, %get3A_290] {strides = array<i32>} : memref<400x16xf32, #tpu.memory_space<vmem>>, vector<1x16xf32>,
        %get3A_292 = vector.shape_cast %get3A_291 : vector<1x16xf32> to vector<16xf32>
        %mul3A_293 = arith.mulf %get3A_292, %gather3A_288 : vector<16xf32>
        %swap3A_294 = arith.index_cast %add3A_284 : i32 to index
        %swap3A_295 = arith.constant 0 : index
        %swap3A_296 = tpu.vector_load %arg15[%swap3A_294, %swap3A_295] {strides = array<i32>} : memref<400x16xf32, #tpu.memory_space<vmem>>, vector<1x16xf32>,
        %swap3A_297 = vector.shape_cast %swap3A_296 : vector<1x16xf32> to vector<16xf32>
        %swap3A_298 = vector.shape_cast %mul3A_293 : vector<16xf32> to vector<1x16xf32>
        tpu.vector_store %arg15[%swap3A_294, %swap3A_295], %swap3A_298 {strides = array<i32>} : memref<400x16xf32, #tpu.memory_space<vmem>>, vector<1x16xf32>,
        %mul3A_299 = arith.constant 16 : i32
        %mul3A_300 = arith.muli %scan3A_225, %mul3A_299 : i32
        %add3A_301 = arith.constant 4 : i32
        %add3A_302 = arith.addi %mul3A_300, %add3A_301 : i32
        %broadcast_in_dim3A_303 = arith.constant 4 : i32
        %broadcast_in_dim3A_304 = vector.broadcast %broadcast_in_dim3A_303 : i32 to vector<16x1xi32>
        %gather3A_305 = vector.shape_cast %broadcast_in_dim3A_304 : vector<16x1xi32> to vector<16xi32>
        %gather3A_306 = tpu.dynamic_gather %get3A_229[%gather3A_305] in [0] : vector<16xf32>, vector<16xi32> -> vector<16xf32>
        %get3A_307 = arith.index_cast %add3A_302 : i32 to index
        %get3A_308 = arith.constant 0 : index
        %get3A_309 = tpu.vector_load %arg15[%get3A_307, %get3A_308] {strides = array<i32>} : memref<400x16xf32, #tpu.memory_space<vmem>>, vector<1x16xf32>,
        %get3A_310 = vector.shape_cast %get3A_309 : vector<1x16xf32> to vector<16xf32>
        %mul3A_311 = arith.mulf %get3A_310, %gather3A_306 : vector<16xf32>
        %swap3A_312 = arith.index_cast %add3A_302 : i32 to index
        %swap3A_313 = arith.constant 0 : index
        %swap3A_314 = tpu.vector_load %arg15[%swap3A_312, %swap3A_313] {strides = array<i32>} : memref<400x16xf32, #tpu.memory_space<vmem>>, vector<1x16xf32>,
        %swap3A_315 = vector.shape_cast %swap3A_314 : vector<1x16xf32> to vector<16xf32>
        %swap3A_316 = vector.shape_cast %mul3A_311 : vector<16xf32> to vector<1x16xf32>
        tpu.vector_store %arg15[%swap3A_312, %swap3A_313], %swap3A_316 {strides = array<i32>} : memref<400x16xf32, #tpu.memory_space<vmem>>, vector<1x16xf32>,
        %mul3A_317 = arith.constant 16 : i32
        %mul3A_318 = arith.muli %scan3A_225, %mul3A_317 : i32
        %add3A_319 = arith.constant 5 : i32
        %add3A_320 = arith.addi %mul3A_318, %add3A_319 : i32
        %broadcast_in_dim3A_321 = arith.constant 5 : i32
        %broadcast_in_dim3A_322 = vector.broadcast %broadcast_in_dim3A_321 : i32 to vector<16x1xi32>
        %gather3A_323 = vector.shape_cast %broadcast_in_dim3A_322 : vector<16x1xi32> to vector<16xi32>
        %gather3A_324 = tpu.dynamic_gather %get3A_229[%gather3A_323] in [0] : vector<16xf32>, vector<16xi32> -> vector<16xf32>
        %get3A_325 = arith.index_cast %add3A_320 : i32 to index
        %get3A_326 = arith.constant 0 : index
        %get3A_327 = tpu.vector_load %arg15[%get3A_325, %get3A_326] {strides = array<i32>} : memref<400x16xf32, #tpu.memory_space<vmem>>, vector<1x16xf32>,
        %get3A_328 = vector.shape_cast %get3A_327 : vector<1x16xf32> to vector<16xf32>
        %mul3A_329 = arith.mulf %get3A_328, %gather3A_324 : vector<16xf32>
        %swap3A_330 = arith.index_cast %add3A_320 : i32 to index
        %swap3A_331 = arith.constant 0 : index
        %swap3A_332 = tpu.vector_load %arg15[%swap3A_330, %swap3A_331] {strides = array<i32>} : memref<400x16xf32, #tpu.memory_space<vmem>>, vector<1x16xf32>,
        %swap3A_333 = vector.shape_cast %swap3A_332 : vector<1x16xf32> to vector<16xf32>
        %swap3A_334 = vector.shape_cast %mul3A_329 : vector<16xf32> to vector<1x16xf32>
        tpu.vector_store %arg15[%swap3A_330, %swap3A_331], %swap3A_334 {strides = array<i32>} : memref<400x16xf32, #tpu.memory_space<vmem>>, vector<1x16xf32>,
        %mul3A_335 = arith.constant 16 : i32
        %mul3A_336 = arith.muli %scan3A_225, %mul3A_335 : i32
        %add3A_337 = arith.constant 6 : i32
        %add3A_338 = arith.addi %mul3A_336, %add3A_337 : i32
        %broadcast_in_dim3A_339 = arith.constant 6 : i32
        %broadcast_in_dim3A_340 = vector.broadcast %broadcast_in_dim3A_339 : i32 to vector<16x1xi32>
        %gather3A_341 = vector.shape_cast %broadcast_in_dim3A_340 : vector<16x1xi32> to vector<16xi32>
        %gather3A_342 = tpu.dynamic_gather %get3A_229[%gather3A_341] in [0] : vector<16xf32>, vector<16xi32> -> vector<16xf32>
        %get3A_343 = arith.index_cast %add3A_338 : i32 to index
        %get3A_344 = arith.constant 0 : index
        %get3A_345 = tpu.vector_load %arg15[%get3A_343, %get3A_344] {strides = array<i32>} : memref<400x16xf32, #tpu.memory_space<vmem>>, vector<1x16xf32>,
        %get3A_346 = vector.shape_cast %get3A_345 : vector<1x16xf32> to vector<16xf32>
        %mul3A_347 = arith.mulf %get3A_346, %gather3A_342 : vector<16xf32>
        %swap3A_348 = arith.index_cast %add3A_338 : i32 to index
        %swap3A_349 = arith.constant 0 : index
        %swap3A_350 = tpu.vector_load %arg15[%swap3A_348, %swap3A_349] {strides = array<i32>} : memref<400x16xf32, #tpu.memory_space<vmem>>, vector<1x16xf32>,
        %swap3A_351 = vector.shape_cast %swap3A_350 : vector<1x16xf32> to vector<16xf32>
        %swap3A_352 = vector.shape_cast %mul3A_347 : vector<16xf32> to vector<1x16xf32>
        tpu.vector_store %arg15[%swap3A_348, %swap3A_349], %swap3A_352 {strides = array<i32>} : memref<400x16xf32, #tpu.memory_space<vmem>>, vector<1x16xf32>,
        %mul3A_353 = arith.constant 16 : i32
        %mul3A_354 = arith.muli %scan3A_225, %mul3A_353 : i32
        %add3A_355 = arith.constant 7 : i32
        %add3A_356 = arith.addi %mul3A_354, %add3A_355 : i32
        %broadcast_in_dim3A_357 = arith.constant 7 : i32
        %broadcast_in_dim3A_358 = vector.broadcast %broadcast_in_dim3A_357 : i32 to vector<16x1xi32>
        %gather3A_359 = vector.shape_cast %broadcast_in_dim3A_358 : vector<16x1xi32> to vector<16xi32>
        %gather3A_360 = tpu.dynamic_gather %get3A_229[%gather3A_359] in [0] : vector<16xf32>, vector<16xi32> -> vector<16xf32>
        %get3A_361 = arith.index_cast %add3A_356 : i32 to index
        %get3A_362 = arith.constant 0 : index
        %get3A_363 = tpu.vector_load %arg15[%get3A_361, %get3A_362] {strides = array<i32>} : memref<400x16xf32, #tpu.memory_space<vmem>>, vector<1x16xf32>,
        %get3A_364 = vector.shape_cast %get3A_363 : vector<1x16xf32> to vector<16xf32>
        %mul3A_365 = arith.mulf %get3A_364, %gather3A_360 : vector<16xf32>
        %swap3A_366 = arith.index_cast %add3A_356 : i32 to index
        %swap3A_367 = arith.constant 0 : index
        %swap3A_368 = tpu.vector_load %arg15[%swap3A_366, %swap3A_367] {strides = array<i32>} : memref<400x16xf32, #tpu.memory_space<vmem>>, vector<1x16xf32>,
        %swap3A_369 = vector.shape_cast %swap3A_368 : vector<1x16xf32> to vector<16xf32>
        %swap3A_370 = vector.shape_cast %mul3A_365 : vector<16xf32> to vector<1x16xf32>
        tpu.vector_store %arg15[%swap3A_366, %swap3A_367], %swap3A_370 {strides = array<i32>} : memref<400x16xf32, #tpu.memory_space<vmem>>, vector<1x16xf32>,
        %mul3A_371 = arith.constant 16 : i32
        %mul3A_372 = arith.muli %scan3A_225, %mul3A_371 : i32
        %add3A_373 = arith.constant 8 : i32
        %add3A_374 = arith.addi %mul3A_372, %add3A_373 : i32
        %broadcast_in_dim3A_375 = arith.constant 8 : i32
        %broadcast_in_dim3A_376 = vector.broadcast %broadcast_in_dim3A_375 : i32 to vector<16x1xi32>
        %gather3A_377 = vector.shape_cast %broadcast_in_dim3A_376 : vector<16x1xi32> to vector<16xi32>
        %gather3A_378 = tpu.dynamic_gather %get3A_229[%gather3A_377] in [0] : vector<16xf32>, vector<16xi32> -> vector<16xf32>
        %get3A_379 = arith.index_cast %add3A_374 : i32 to index
        %get3A_380 = arith.constant 0 : index
        %get3A_381 = tpu.vector_load %arg15[%get3A_379, %get3A_380] {strides = array<i32>} : memref<400x16xf32, #tpu.memory_space<vmem>>, vector<1x16xf32>,
        %get3A_382 = vector.shape_cast %get3A_381 : vector<1x16xf32> to vector<16xf32>
        %mul3A_383 = arith.mulf %get3A_382, %gather3A_378 : vector<16xf32>
        %swap3A_384 = arith.index_cast %add3A_374 : i32 to index
        %swap3A_385 = arith.constant 0 : index
        %swap3A_386 = tpu.vector_load %arg15[%swap3A_384, %swap3A_385] {strides = array<i32>} : memref<400x16xf32, #tpu.memory_space<vmem>>, vector<1x16xf32>,
        %swap3A_387 = vector.shape_cast %swap3A_386 : vector<1x16xf32> to vector<16xf32>
        %swap3A_388 = vector.shape_cast %mul3A_383 : vector<16xf32> to vector<1x16xf32>
        tpu.vector_store %arg15[%swap3A_384, %swap3A_385], %swap3A_388 {strides = array<i32>} : memref<400x16xf32, #tpu.memory_space<vmem>>, vector<1x16xf32>,
        %mul3A_389 = arith.constant 16 : i32
        %mul3A_390 = arith.muli %scan3A_225, %mul3A_389 : i32
        %add3A_391 = arith.constant 9 : i32
        %add3A_392 = arith.addi %mul3A_390, %add3A_391 : i32
        %broadcast_in_dim3A_393 = arith.constant 9 : i32
        %broadcast_in_dim3A_394 = vector.broadcast %broadcast_in_dim3A_393 : i32 to vector<16x1xi32>
        %gather3A_395 = vector.shape_cast %broadcast_in_dim3A_394 : vector<16x1xi32> to vector<16xi32>
        %gather3A_396 = tpu.dynamic_gather %get3A_229[%gather3A_395] in [0] : vector<16xf32>, vector<16xi32> -> vector<16xf32>
        %get3A_397 = arith.index_cast %add3A_392 : i32 to index
        %get3A_398 = arith.constant 0 : index
        %get3A_399 = tpu.vector_load %arg15[%get3A_397, %get3A_398] {strides = array<i32>} : memref<400x16xf32, #tpu.memory_space<vmem>>, vector<1x16xf32>,
        %get3A_400 = vector.shape_cast %get3A_399 : vector<1x16xf32> to vector<16xf32>
        %mul3A_401 = arith.mulf %get3A_400, %gather3A_396 : vector<16xf32>
        %swap3A_402 = arith.index_cast %add3A_392 : i32 to index
        %swap3A_403 = arith.constant 0 : index
        %swap3A_404 = tpu.vector_load %arg15[%swap3A_402, %swap3A_403] {strides = array<i32>} : memref<400x16xf32, #tpu.memory_space<vmem>>, vector<1x16xf32>,
        %swap3A_405 = vector.shape_cast %swap3A_404 : vector<1x16xf32> to vector<16xf32>
        %swap3A_406 = vector.shape_cast %mul3A_401 : vector<16xf32> to vector<1x16xf32>
        tpu.vector_store %arg15[%swap3A_402, %swap3A_403], %swap3A_406 {strides = array<i32>} : memref<400x16xf32, #tpu.memory_space<vmem>>, vector<1x16xf32>,
        %mul3A_407 = arith.constant 16 : i32
        %mul3A_408 = arith.muli %scan3A_225, %mul3A_407 : i32
        %add3A_409 = arith.constant 10 : i32
        %add3A_410 = arith.addi %mul3A_408, %add3A_409 : i32
        %broadcast_in_dim3A_411 = arith.constant 10 : i32
        %broadcast_in_dim3A_412 = vector.broadcast %broadcast_in_dim3A_411 : i32 to vector<16x1xi32>
        %gather3A_413 = vector.shape_cast %broadcast_in_dim3A_412 : vector<16x1xi32> to vector<16xi32>
        %gather3A_414 = tpu.dynamic_gather %get3A_229[%gather3A_413] in [0] : vector<16xf32>, vector<16xi32> -> vector<16xf32>
        %get3A_415 = arith.index_cast %add3A_410 : i32 to index
        %get3A_416 = arith.constant 0 : index
        %get3A_417 = tpu.vector_load %arg15[%get3A_415, %get3A_416] {strides = array<i32>} : memref<400x16xf32, #tpu.memory_space<vmem>>, vector<1x16xf32>,
        %get3A_418 = vector.shape_cast %get3A_417 : vector<1x16xf32> to vector<16xf32>
        %mul3A_419 = arith.mulf %get3A_418, %gather3A_414 : vector<16xf32>
        %swap3A_420 = arith.index_cast %add3A_410 : i32 to index
        %swap3A_421 = arith.constant 0 : index
        %swap3A_422 = tpu.vector_load %arg15[%swap3A_420, %swap3A_421] {strides = array<i32>} : memref<400x16xf32, #tpu.memory_space<vmem>>, vector<1x16xf32>,
        %swap3A_423 = vector.shape_cast %swap3A_422 : vector<1x16xf32> to vector<16xf32>
        %swap3A_424 = vector.shape_cast %mul3A_419 : vector<16xf32> to vector<1x16xf32>
        tpu.vector_store %arg15[%swap3A_420, %swap3A_421], %swap3A_424 {strides = array<i32>} : memref<400x16xf32, #tpu.memory_space<vmem>>, vector<1x16xf32>,
        %mul3A_425 = arith.constant 16 : i32
        %mul3A_426 = arith.muli %scan3A_225, %mul3A_425 : i32
        %add3A_427 = arith.constant 11 : i32
        %add3A_428 = arith.addi %mul3A_426, %add3A_427 : i32
        %broadcast_in_dim3A_429 = arith.constant 11 : i32
        %broadcast_in_dim3A_430 = vector.broadcast %broadcast_in_dim3A_429 : i32 to vector<16x1xi32>
        %gather3A_431 = vector.shape_cast %broadcast_in_dim3A_430 : vector<16x1xi32> to vector<16xi32>
        %gather3A_432 = tpu.dynamic_gather %get3A_229[%gather3A_431] in [0] : vector<16xf32>, vector<16xi32> -> vector<16xf32>
        %get3A_433 = arith.index_cast %add3A_428 : i32 to index
        %get3A_434 = arith.constant 0 : index
        %get3A_435 = tpu.vector_load %arg15[%get3A_433, %get3A_434] {strides = array<i32>} : memref<400x16xf32, #tpu.memory_space<vmem>>, vector<1x16xf32>,
        %get3A_436 = vector.shape_cast %get3A_435 : vector<1x16xf32> to vector<16xf32>
        %mul3A_437 = arith.mulf %get3A_436, %gather3A_432 : vector<16xf32>
        %swap3A_438 = arith.index_cast %add3A_428 : i32 to index
        %swap3A_439 = arith.constant 0 : index
        %swap3A_440 = tpu.vector_load %arg15[%swap3A_438, %swap3A_439] {strides = array<i32>} : memref<400x16xf32, #tpu.memory_space<vmem>>, vector<1x16xf32>,
        %swap3A_441 = vector.shape_cast %swap3A_440 : vector<1x16xf32> to vector<16xf32>
        %swap3A_442 = vector.shape_cast %mul3A_437 : vector<16xf32> to vector<1x16xf32>
        tpu.vector_store %arg15[%swap3A_438, %swap3A_439], %swap3A_442 {strides = array<i32>} : memref<400x16xf32, #tpu.memory_space<vmem>>, vector<1x16xf32>,
        %mul3A_443 = arith.constant 16 : i32
        %mul3A_444 = arith.muli %scan3A_225, %mul3A_443 : i32
        %add3A_445 = arith.constant 12 : i32
        %add3A_446 = arith.addi %mul3A_444, %add3A_445 : i32
        %broadcast_in_dim3A_447 = arith.constant 12 : i32
        %broadcast_in_dim3A_448 = vector.broadcast %broadcast_in_dim3A_447 : i32 to vector<16x1xi32>
        %gather3A_449 = vector.shape_cast %broadcast_in_dim3A_448 : vector<16x1xi32> to vector<16xi32>
        %gather3A_450 = tpu.dynamic_gather %get3A_229[%gather3A_449] in [0] : vector<16xf32>, vector<16xi32> -> vector<16xf32>
        %get3A_451 = arith.index_cast %add3A_446 : i32 to index
        %get3A_452 = arith.constant 0 : index
        %get3A_453 = tpu.vector_load %arg15[%get3A_451, %get3A_452] {strides = array<i32>} : memref<400x16xf32, #tpu.memory_space<vmem>>, vector<1x16xf32>,
        %get3A_454 = vector.shape_cast %get3A_453 : vector<1x16xf32> to vector<16xf32>
        %mul3A_455 = arith.mulf %get3A_454, %gather3A_450 : vector<16xf32>
        %swap3A_456 = arith.index_cast %add3A_446 : i32 to index
        %swap3A_457 = arith.constant 0 : index
        %swap3A_458 = tpu.vector_load %arg15[%swap3A_456, %swap3A_457] {strides = array<i32>} : memref<400x16xf32, #tpu.memory_space<vmem>>, vector<1x16xf32>,
        %swap3A_459 = vector.shape_cast %swap3A_458 : vector<1x16xf32> to vector<16xf32>
        %swap3A_460 = vector.shape_cast %mul3A_455 : vector<16xf32> to vector<1x16xf32>
        tpu.vector_store %arg15[%swap3A_456, %swap3A_457], %swap3A_460 {strides = array<i32>} : memref<400x16xf32, #tpu.memory_space<vmem>>, vector<1x16xf32>,
        %mul3A_461 = arith.constant 16 : i32
        %mul3A_462 = arith.muli %scan3A_225, %mul3A_461 : i32
        %add3A_463 = arith.constant 13 : i32
        %add3A_464 = arith.addi %mul3A_462, %add3A_463 : i32
        %broadcast_in_dim3A_465 = arith.constant 13 : i32
        %broadcast_in_dim3A_466 = vector.broadcast %broadcast_in_dim3A_465 : i32 to vector<16x1xi32>
        %gather3A_467 = vector.shape_cast %broadcast_in_dim3A_466 : vector<16x1xi32> to vector<16xi32>
        %gather3A_468 = tpu.dynamic_gather %get3A_229[%gather3A_467] in [0] : vector<16xf32>, vector<16xi32> -> vector<16xf32>
        %get3A_469 = arith.index_cast %add3A_464 : i32 to index
        %get3A_470 = arith.constant 0 : index
        %get3A_471 = tpu.vector_load %arg15[%get3A_469, %get3A_470] {strides = array<i32>} : memref<400x16xf32, #tpu.memory_space<vmem>>, vector<1x16xf32>,
        %get3A_472 = vector.shape_cast %get3A_471 : vector<1x16xf32> to vector<16xf32>
        %mul3A_473 = arith.mulf %get3A_472, %gather3A_468 : vector<16xf32>
        %swap3A_474 = arith.index_cast %add3A_464 : i32 to index
        %swap3A_475 = arith.constant 0 : index
        %swap3A_476 = tpu.vector_load %arg15[%swap3A_474, %swap3A_475] {strides = array<i32>} : memref<400x16xf32, #tpu.memory_space<vmem>>, vector<1x16xf32>,
        %swap3A_477 = vector.shape_cast %swap3A_476 : vector<1x16xf32> to vector<16xf32>
        %swap3A_478 = vector.shape_cast %mul3A_473 : vector<16xf32> to vector<1x16xf32>
        tpu.vector_store %arg15[%swap3A_474, %swap3A_475], %swap3A_478 {strides = array<i32>} : memref<400x16xf32, #tpu.memory_space<vmem>>, vector<1x16xf32>,
        %mul3A_479 = arith.constant 16 : i32
        %mul3A_480 = arith.muli %scan3A_225, %mul3A_479 : i32
        %add3A_481 = arith.constant 14 : i32
        %add3A_482 = arith.addi %mul3A_480, %add3A_481 : i32
        %broadcast_in_dim3A_483 = arith.constant 14 : i32
        %broadcast_in_dim3A_484 = vector.broadcast %broadcast_in_dim3A_483 : i32 to vector<16x1xi32>
        %gather3A_485 = vector.shape_cast %broadcast_in_dim3A_484 : vector<16x1xi32> to vector<16xi32>
        %gather3A_486 = tpu.dynamic_gather %get3A_229[%gather3A_485] in [0] : vector<16xf32>, vector<16xi32> -> vector<16xf32>
        %get3A_487 = arith.index_cast %add3A_482 : i32 to index
        %get3A_488 = arith.constant 0 : index
        %get3A_489 = tpu.vector_load %arg15[%get3A_487, %get3A_488] {strides = array<i32>} : memref<400x16xf32, #tpu.memory_space<vmem>>, vector<1x16xf32>,
        %get3A_490 = vector.shape_cast %get3A_489 : vector<1x16xf32> to vector<16xf32>
        %mul3A_491 = arith.mulf %get3A_490, %gather3A_486 : vector<16xf32>
        %swap3A_492 = arith.index_cast %add3A_482 : i32 to index
        %swap3A_493 = arith.constant 0 : index
        %swap3A_494 = tpu.vector_load %arg15[%swap3A_492, %swap3A_493] {strides = array<i32>} : memref<400x16xf32, #tpu.memory_space<vmem>>, vector<1x16xf32>,
        %swap3A_495 = vector.shape_cast %swap3A_494 : vector<1x16xf32> to vector<16xf32>
        %swap3A_496 = vector.shape_cast %mul3A_491 : vector<16xf32> to vector<1x16xf32>
        tpu.vector_store %arg15[%swap3A_492, %swap3A_493], %swap3A_496 {strides = array<i32>} : memref<400x16xf32, #tpu.memory_space<vmem>>, vector<1x16xf32>,
        %mul3A_497 = arith.constant 16 : i32
        %mul3A_498 = arith.muli %scan3A_225, %mul3A_497 : i32
        %add3A_499 = arith.constant 15 : i32
        %add3A_500 = arith.addi %mul3A_498, %add3A_499 : i32
        %broadcast_in_dim3A_501 = arith.constant 15 : i32
        %broadcast_in_dim3A_502 = vector.broadcast %broadcast_in_dim3A_501 : i32 to vector<16x1xi32>
        %gather3A_503 = vector.shape_cast %broadcast_in_dim3A_502 : vector<16x1xi32> to vector<16xi32>
        %gather3A_504 = tpu.dynamic_gather %get3A_229[%gather3A_503] in [0] : vector<16xf32>, vector<16xi32> -> vector<16xf32>
        %get3A_505 = arith.index_cast %add3A_500 : i32 to index
        %get3A_506 = arith.constant 0 : index
        %get3A_507 = tpu.vector_load %arg15[%get3A_505, %get3A_506] {strides = array<i32>} : memref<400x16xf32, #tpu.memory_space<vmem>>, vector<1x16xf32>,
        %get3A_508 = vector.shape_cast %get3A_507 : vector<1x16xf32> to vector<16xf32>
        %mul3A_509 = arith.mulf %get3A_508, %gather3A_504 : vector<16xf32>
        %swap3A_510 = arith.index_cast %add3A_500 : i32 to index
        %swap3A_511 = arith.constant 0 : index
        %swap3A_512 = tpu.vector_load %arg15[%swap3A_510, %swap3A_511] {strides = array<i32>} : memref<400x16xf32, #tpu.memory_space<vmem>>, vector<1x16xf32>,
        %swap3A_513 = vector.shape_cast %swap3A_512 : vector<1x16xf32> to vector<16xf32>
        %swap3A_514 = vector.shape_cast %mul3A_509 : vector<16xf32> to vector<1x16xf32>
        tpu.vector_store %arg15[%swap3A_510, %swap3A_511], %swap3A_514 {strides = array<i32>} : memref<400x16xf32, #tpu.memory_space<vmem>>, vector<1x16xf32>,
      }
      %scan3A_173 = arith.constant 25 : i32
      %le3A = arith.constant 248 : i32
      %le3A_174 = arith.cmpi sle, %scan3A_139, %le3A : i32
      %convert_element_type3A_175 = arith.extui %le3A_174 : i1 to i32
      %cond3A_176 = arith.constant 0 : i32
      %cond3A_177 = arith.cmpi ne, %convert_element_type3A_175, %cond3A_176 : i32
      scf.if %cond3A_177 {
        %mul3A_225 = arith.constant 2 : i32
        %mul3A_226 = arith.muli %scan3A_139, %mul3A_225 : i32
        %add3A_227 = arith.constant 0 : i32
        %add3A_228 = arith.addi %mul3A_226, %add3A_227 : i32
        %add3A_229 = arith.constant 2 : i32
        %add3A_230 = arith.addi %add3A_228, %add3A_229 : i32
        %mul3A_231 = arith.constant 400 : i32
        %mul3A_232 = arith.muli %add3A_230, %mul3A_231 : i32
        %add3A_233 = arith.addi %mul3A_2, %mul3A_232 : i32
        %multiple_of3A_234 = tpu.assume_multiple %add3A_233, 8 : i32
        %dma_start3A_235 = tpu.memref_slice %arg3[%multiple_of3A_234] : memref<3200000xi32, #tpu.memory_space<hbm>> -> memref<400xi32, #tpu.memory_space<hbm>>
        %dma_start3A_236 = tpu.memref_slice %arg3[%multiple_of3A_234] : memref<3200000xi32, #tpu.memory_space<hbm>> -> memref<400xi32, #tpu.memory_space<hbm>>
        tpu.enqueue_dma source(%dma_start3A_236 : memref<400xi32, #tpu.memory_space<hbm>>) target(%arg9 : memref<400xi32, #tpu.memory_space<vmem>>) target_semaphore(%arg19 : memref<!tpu.dma_semaphore, #tpu.memory_space<semaphore_mem>>)
        %dma_start3A_237 = tpu.memref_slice %arg4[%multiple_of3A_234] : memref<3200000xi32, #tpu.memory_space<hbm>> -> memref<400xi32, #tpu.memory_space<hbm>>
        %dma_start3A_238 = tpu.memref_slice %arg4[%multiple_of3A_234] : memref<3200000xi32, #tpu.memory_space<hbm>> -> memref<400xi32, #tpu.memory_space<hbm>>
        tpu.enqueue_dma source(%dma_start3A_238 : memref<400xi32, #tpu.memory_space<hbm>>) target(%arg11 : memref<400xi32, #tpu.memory_space<vmem>>) target_semaphore(%arg21 : memref<!tpu.dma_semaphore, #tpu.memory_space<semaphore_mem>>)
        %dma_start3A_239 = tpu.memref_slice %arg5[%multiple_of3A_234] : memref<3200000xf32, #tpu.memory_space<hbm>> -> memref<400xf32, #tpu.memory_space<hbm>>
        %dma_start3A_240 = tpu.memref_slice %arg5[%multiple_of3A_234] : memref<3200000xf32, #tpu.memory_space<hbm>> -> memref<400xf32, #tpu.memory_space<hbm>>
        tpu.enqueue_dma source(%dma_start3A_240 : memref<400xf32, #tpu.memory_space<hbm>>) target(%arg13 : memref<400xf32, #tpu.memory_space<vmem>>) target_semaphore(%arg23 : memref<!tpu.dma_semaphore, #tpu.memory_space<semaphore_mem>>)
      } else {
      }
      %dma_start3A_178 = arith.constant 0 : i32
      %dma_start3A_179 = arith.constant 0 : i32
      %dma_start3A_180 = tpu.memref_slice %arg8[%dma_start3A_178, %dma_start3A_179] : memref<102400x16xf32, #tpu.memory_space<vmem_shared>> -> memref<102400x16xf32, #tpu.memory_space<vmem_shared>>
      tpu.enqueue_indirect_dma source(%arg15 : memref<400x16xf32, #tpu.memory_space<vmem>>) target(%dma_start3A_180 : memref<102400x16xf32, #tpu.memory_space<vmem_shared>>) offsets(%arg17 : memref<400xi32, #tpu.memory_space<vmem>>) semaphore(%arg27 : memref<!tpu.dma_semaphore, #tpu.memory_space<semaphore_mem>>) {add = true}
      %le3A_181 = arith.constant 248 : i32
      %le3A_182 = arith.cmpi sle, %scan3A_139, %le3A_181 : i32
      %convert_element_type3A_183 = arith.extui %le3A_182 : i1 to i32
      %cond3A_184 = arith.constant 0 : i32
      %cond3A_185 = arith.cmpi ne, %convert_element_type3A_183, %cond3A_184 : i32
      scf.if %cond3A_185 {
        %dma_wait3A_225 = arith.constant 0 : i32
        %dma_wait3A_226 = tpu.memref_slice %arg3[%dma_wait3A_225] : memref<3200000xi32, #tpu.memory_space<hbm>> -> memref<400xi32, #tpu.memory_space<hbm>>
        %dma_wait3A_227 = arith.constant 0 : i32
        %dma_wait3A_228 = tpu.memref_slice %arg3[%dma_wait3A_227] : memref<3200000xi32, #tpu.memory_space<hbm>> -> memref<400xi32, #tpu.memory_space<hbm>>
        tpu.wait_dma2 semaphore(%arg19 : memref<!tpu.dma_semaphore, #tpu.memory_space<semaphore_mem>>) src(%dma_wait3A_228 : memref<400xi32, #tpu.memory_space<hbm>>) dst(%arg9 : memref<400xi32, #tpu.memory_space<vmem>>)
      } else {
      }
      %dma_wait3A_186 = arith.constant 0 : i32
      %dma_wait3A_187 = tpu.memref_slice %arg4[%dma_wait3A_186] : memref<3200000xi32, #tpu.memory_space<hbm>> -> memref<400xi32, #tpu.memory_space<hbm>>
      %dma_wait3A_188 = arith.constant 0 : i32
      %dma_wait3A_189 = tpu.memref_slice %arg4[%dma_wait3A_188] : memref<3200000xi32, #tpu.memory_space<hbm>> -> memref<400xi32, #tpu.memory_space<hbm>>
      tpu.wait_dma2 semaphore(%arg22 : memref<!tpu.dma_semaphore, #tpu.memory_space<semaphore_mem>>) src(%dma_wait3A_189 : memref<400xi32, #tpu.memory_space<hbm>>) dst(%arg12 : memref<400xi32, #tpu.memory_space<vmem>>)
      %scan3A_190 = arith.constant 0 : i32
      %scan3A_191 = arith.constant 0 : i32
      %scan3A_192 = arith.constant 25 : i32
      %scan3A_193 = arith.addi %scan3A_191, %scan3A_192 : i32
      %scan3A_194 = arith.constant 1 : i32
      scf.for %scan3A_225 = %scan3A_191 to %scan3A_193 step %scan3A_194  : i32 {
        %mul3A_226 = arith.constant 16 : i32
        %mul3A_227 = arith.muli %scan3A_225, %mul3A_226 : i32
        %get3A = arith.index_cast %mul3A_227 : i32 to index
        %get3A_228 = tpu.vector_load %arg12[%get3A] {strides = array<i32>} : memref<400xi32, #tpu.memory_space<vmem>>, vector<16xi32>,
        %get3A_229 = vector.shape_cast %get3A_228 : vector<16xi32> to vector<16xi32>
        %shift_right_logical3A = arith.constant 2 : i32
        %shift_right_logical3A_230 = vector.broadcast %shift_right_logical3A : i32 to vector<16xi32>
        %shift_right_logical3A_231 = arith.shrui %get3A_229, %shift_right_logical3A_230 : vector<16xi32>
        %and3A = arith.constant 3 : i32
        %and3A_232 = vector.broadcast %and3A : i32 to vector<16xi32>
        %and3A_233 = arith.andi %get3A_229, %and3A_232 : vector<16xi32>
        %mul3A_234 = arith.constant 25600 : i32
        %mul3A_235 = vector.broadcast %mul3A_234 : i32 to vector<16xi32>
        %mul3A_236 = arith.muli %and3A_233, %mul3A_235 : vector<16xi32>
        %sub3A = vector.broadcast %mul3A_0 : i32 to vector<16xi32>
        %sub3A_237 = arith.subi %shift_right_logical3A_231, %sub3A : vector<16xi32>
        %add3A_238 = arith.addi %mul3A_236, %sub3A_237 : vector<16xi32>
        %ge3A_239 = vector.broadcast %mul3A_0 : i32 to vector<16xi32>
        %ge3A_240 = arith.cmpi sge, %shift_right_logical3A_231, %ge3A_239 : vector<16xi32>
        %add3A_241 = arith.constant 25000 : i32
        %add3A_242 = arith.addi %mul3A_0, %add3A_241 : i32
        %lt3A_243 = vector.broadcast %add3A_242 : i32 to vector<16xi32>
        %lt3A_244 = arith.cmpi slt, %shift_right_logical3A_231, %lt3A_243 : vector<16xi32>
        %and3A_245 = arith.andi %ge3A_240, %lt3A_244 : vector<16xi1>
        %and3A_246 = arith.constant 15 : i32
        %and3A_247 = vector.broadcast %and3A_246 : i32 to vector<16xi32>
        %and3A_248 = arith.andi %iota3A, %and3A_247 : vector<16xi32>
        %add3A_249 = arith.constant 25000 : i32
        %add3A_250 = vector.broadcast %add3A_249 : i32 to vector<16xi32>
        %add3A_251 = arith.addi %add3A_250, %and3A_248 : vector<16xi32>
        %select_n3A = arith.select %and3A_245, %add3A_238, %add3A_251 : vector<16xi1>, vector<16xi32>
        %mul3A_252 = arith.constant 16 : i32
        %mul3A_253 = arith.muli %scan3A_225, %mul3A_252 : i32
        %swap3A = arith.index_cast %mul3A_253 : i32 to index
        %swap3A_254 = tpu.vector_load %arg18[%swap3A] {strides = array<i32>} : memref<400xi32, #tpu.memory_space<vmem>>, vector<16xi32>,
        %swap3A_255 = vector.shape_cast %swap3A_254 : vector<16xi32> to vector<16xi32>
        %swap3A_256 = vector.shape_cast %select_n3A : vector<16xi32> to vector<16xi32>
        tpu.vector_store %arg18[%swap3A], %swap3A_256 {strides = array<i32>} : memref<400xi32, #tpu.memory_space<vmem>>, vector<16xi32>,
      }
      %scan3A_195 = arith.constant 25 : i32
      %dma_wait3A_196 = arith.constant 0 : i32
      %dma_wait3A_197 = arith.constant 0 : i32
      %dma_wait3A_198 = tpu.memref_slice %arg8[%dma_wait3A_196, %dma_wait3A_197] : memref<102400x16xf32, #tpu.memory_space<vmem_shared>> -> memref<102400x16xf32, #tpu.memory_space<vmem_shared>>
      tpu.wait_indirect_dma semaphore(%arg27 : memref<!tpu.dma_semaphore, #tpu.memory_space<semaphore_mem>>) src(%arg15 : memref<400x16xf32, #tpu.memory_space<vmem>>) dst(%dma_wait3A_198 : memref<102400x16xf32, #tpu.memory_space<vmem_shared>>)
      %le3A_199 = arith.constant 248 : i32
      %le3A_200 = arith.cmpi sle, %scan3A_139, %le3A_199 : i32
      %convert_element_type3A_201 = arith.extui %le3A_200 : i1 to i32
      %cond3A_202 = arith.constant 0 : i32
      %cond3A_203 = arith.cmpi ne, %convert_element_type3A_201, %cond3A_202 : i32
      scf.if %cond3A_203 {
        %dma_start3A_225 = arith.constant 0 : i32
        %dma_start3A_226 = arith.constant 0 : i32
        %dma_start3A_227 = tpu.memref_slice %arg2[%dma_start3A_225, %dma_start3A_226] : memref<250000x16xf32, #tpu.memory_space<hbm>> -> memref<250000x16xf32, #tpu.memory_space<hbm>>
        tpu.enqueue_indirect_dma source(%dma_start3A_227 : memref<250000x16xf32, #tpu.memory_space<hbm>>) target(%arg15 : memref<400x16xf32, #tpu.memory_space<vmem>>) offsets(%arg9 : memref<400xi32, #tpu.memory_space<vmem>>) semaphore(%arg25 : memref<!tpu.dma_semaphore, #tpu.memory_space<semaphore_mem>>)
      } else {
      }
      %dma_wait3A_204 = arith.constant 0 : i32
      %dma_wait3A_205 = arith.constant 0 : i32
      %dma_wait3A_206 = tpu.memref_slice %arg2[%dma_wait3A_204, %dma_wait3A_205] : memref<250000x16xf32, #tpu.memory_space<hbm>> -> memref<250000x16xf32, #tpu.memory_space<hbm>>
      tpu.wait_indirect_dma semaphore(%arg26 : memref<!tpu.dma_semaphore, #tpu.memory_space<semaphore_mem>>) src(%dma_wait3A_206 : memref<250000x16xf32, #tpu.memory_space<hbm>>) dst(%arg16 : memref<400x16xf32, #tpu.memory_space<vmem>>)
      %dma_wait3A_207 = arith.constant 0 : i32
      %dma_wait3A_208 = tpu.memref_slice %arg5[%dma_wait3A_207] : memref<3200000xf32, #tpu.memory_space<hbm>> -> memref<400xf32, #tpu.memory_space<hbm>>
      %dma_wait3A_209 = arith.constant 0 : i32
      %dma_wait3A_210 = tpu.memref_slice %arg5[%dma_wait3A_209] : memref<3200000xf32, #tpu.memory_space<hbm>> -> memref<400xf32, #tpu.memory_space<hbm>>
      tpu.wait_dma2 semaphore(%arg24 : memref<!tpu.dma_semaphore, #tpu.memory_space<semaphore_mem>>) src(%dma_wait3A_210 : memref<400xf32, #tpu.memory_space<hbm>>) dst(%arg14 : memref<400xf32, #tpu.memory_space<vmem>>)
      %scan3A_211 = arith.constant 0 : i32
      %scan3A_212 = arith.constant 0 : i32
      %scan3A_213 = arith.constant 25 : i32
      %scan3A_214 = arith.addi %scan3A_212, %scan3A_213 : i32
      %scan3A_215 = arith.constant 1 : i32
      scf.for %scan3A_225 = %scan3A_212 to %scan3A_214 step %scan3A_215  : i32 {
        %mul3A_226 = arith.constant 16 : i32
        %mul3A_227 = arith.muli %scan3A_225, %mul3A_226 : i32
        %get3A = arith.index_cast %mul3A_227 : i32 to index
        %get3A_228 = tpu.vector_load %arg14[%get3A] {strides = array<i32>} : memref<400xf32, #tpu.memory_space<vmem>>, vector<16xf32>,
        %get3A_229 = vector.shape_cast %get3A_228 : vector<16xf32> to vector<16xf32>
        %mul3A_230 = arith.constant 16 : i32
        %mul3A_231 = arith.muli %scan3A_225, %mul3A_230 : i32
        %add3A_232 = arith.constant 0 : i32
        %add3A_233 = arith.addi %mul3A_231, %add3A_232 : i32
        %broadcast_in_dim3A = arith.constant 0 : i32
        %broadcast_in_dim3A_234 = vector.broadcast %broadcast_in_dim3A : i32 to vector<16x1xi32>
        %gather3A = vector.shape_cast %broadcast_in_dim3A_234 : vector<16x1xi32> to vector<16xi32>
        %gather3A_235 = tpu.dynamic_gather %get3A_229[%gather3A] in [0] : vector<16xf32>, vector<16xi32> -> vector<16xf32>
        %get3A_236 = arith.index_cast %add3A_233 : i32 to index
        %get3A_237 = arith.constant 0 : index
        %get3A_238 = tpu.vector_load %arg16[%get3A_236, %get3A_237] {strides = array<i32>} : memref<400x16xf32, #tpu.memory_space<vmem>>, vector<1x16xf32>,
        %get3A_239 = vector.shape_cast %get3A_238 : vector<1x16xf32> to vector<16xf32>
        %mul3A_240 = arith.mulf %get3A_239, %gather3A_235 : vector<16xf32>
        %swap3A = arith.index_cast %add3A_233 : i32 to index
        %swap3A_241 = arith.constant 0 : index
        %swap3A_242 = tpu.vector_load %arg16[%swap3A, %swap3A_241] {strides = array<i32>} : memref<400x16xf32, #tpu.memory_space<vmem>>, vector<1x16xf32>,
        %swap3A_243 = vector.shape_cast %swap3A_242 : vector<1x16xf32> to vector<16xf32>
        %swap3A_244 = vector.shape_cast %mul3A_240 : vector<16xf32> to vector<1x16xf32>
        tpu.vector_store %arg16[%swap3A, %swap3A_241], %swap3A_244 {strides = array<i32>} : memref<400x16xf32, #tpu.memory_space<vmem>>, vector<1x16xf32>,
        %mul3A_245 = arith.constant 16 : i32
        %mul3A_246 = arith.muli %scan3A_225, %mul3A_245 : i32
        %add3A_247 = arith.constant 1 : i32
        %add3A_248 = arith.addi %mul3A_246, %add3A_247 : i32
        %broadcast_in_dim3A_249 = arith.constant 1 : i32
        %broadcast_in_dim3A_250 = vector.broadcast %broadcast_in_dim3A_249 : i32 to vector<16x1xi32>
        %gather3A_251 = vector.shape_cast %broadcast_in_dim3A_250 : vector<16x1xi32> to vector<16xi32>
        %gather3A_252 = tpu.dynamic_gather %get3A_229[%gather3A_251] in [0] : vector<16xf32>, vector<16xi32> -> vector<16xf32>
        %get3A_253 = arith.index_cast %add3A_248 : i32 to index
        %get3A_254 = arith.constant 0 : index
        %get3A_255 = tpu.vector_load %arg16[%get3A_253, %get3A_254] {strides = array<i32>} : memref<400x16xf32, #tpu.memory_space<vmem>>, vector<1x16xf32>,
        %get3A_256 = vector.shape_cast %get3A_255 : vector<1x16xf32> to vector<16xf32>
        %mul3A_257 = arith.mulf %get3A_256, %gather3A_252 : vector<16xf32>
        %swap3A_258 = arith.index_cast %add3A_248 : i32 to index
        %swap3A_259 = arith.constant 0 : index
        %swap3A_260 = tpu.vector_load %arg16[%swap3A_258, %swap3A_259] {strides = array<i32>} : memref<400x16xf32, #tpu.memory_space<vmem>>, vector<1x16xf32>,
        %swap3A_261 = vector.shape_cast %swap3A_260 : vector<1x16xf32> to vector<16xf32>
        %swap3A_262 = vector.shape_cast %mul3A_257 : vector<16xf32> to vector<1x16xf32>
        tpu.vector_store %arg16[%swap3A_258, %swap3A_259], %swap3A_262 {strides = array<i32>} : memref<400x16xf32, #tpu.memory_space<vmem>>, vector<1x16xf32>,
        %mul3A_263 = arith.constant 16 : i32
        %mul3A_264 = arith.muli %scan3A_225, %mul3A_263 : i32
        %add3A_265 = arith.constant 2 : i32
        %add3A_266 = arith.addi %mul3A_264, %add3A_265 : i32
        %broadcast_in_dim3A_267 = arith.constant 2 : i32
        %broadcast_in_dim3A_268 = vector.broadcast %broadcast_in_dim3A_267 : i32 to vector<16x1xi32>
        %gather3A_269 = vector.shape_cast %broadcast_in_dim3A_268 : vector<16x1xi32> to vector<16xi32>
        %gather3A_270 = tpu.dynamic_gather %get3A_229[%gather3A_269] in [0] : vector<16xf32>, vector<16xi32> -> vector<16xf32>
        %get3A_271 = arith.index_cast %add3A_266 : i32 to index
        %get3A_272 = arith.constant 0 : index
        %get3A_273 = tpu.vector_load %arg16[%get3A_271, %get3A_272] {strides = array<i32>} : memref<400x16xf32, #tpu.memory_space<vmem>>, vector<1x16xf32>,
        %get3A_274 = vector.shape_cast %get3A_273 : vector<1x16xf32> to vector<16xf32>
        %mul3A_275 = arith.mulf %get3A_274, %gather3A_270 : vector<16xf32>
        %swap3A_276 = arith.index_cast %add3A_266 : i32 to index
        %swap3A_277 = arith.constant 0 : index
        %swap3A_278 = tpu.vector_load %arg16[%swap3A_276, %swap3A_277] {strides = array<i32>} : memref<400x16xf32, #tpu.memory_space<vmem>>, vector<1x16xf32>,
        %swap3A_279 = vector.shape_cast %swap3A_278 : vector<1x16xf32> to vector<16xf32>
        %swap3A_280 = vector.shape_cast %mul3A_275 : vector<16xf32> to vector<1x16xf32>
        tpu.vector_store %arg16[%swap3A_276, %swap3A_277], %swap3A_280 {strides = array<i32>} : memref<400x16xf32, #tpu.memory_space<vmem>>, vector<1x16xf32>,
        %mul3A_281 = arith.constant 16 : i32
        %mul3A_282 = arith.muli %scan3A_225, %mul3A_281 : i32
        %add3A_283 = arith.constant 3 : i32
        %add3A_284 = arith.addi %mul3A_282, %add3A_283 : i32
        %broadcast_in_dim3A_285 = arith.constant 3 : i32
        %broadcast_in_dim3A_286 = vector.broadcast %broadcast_in_dim3A_285 : i32 to vector<16x1xi32>
        %gather3A_287 = vector.shape_cast %broadcast_in_dim3A_286 : vector<16x1xi32> to vector<16xi32>
        %gather3A_288 = tpu.dynamic_gather %get3A_229[%gather3A_287] in [0] : vector<16xf32>, vector<16xi32> -> vector<16xf32>
        %get3A_289 = arith.index_cast %add3A_284 : i32 to index
        %get3A_290 = arith.constant 0 : index
        %get3A_291 = tpu.vector_load %arg16[%get3A_289, %get3A_290] {strides = array<i32>} : memref<400x16xf32, #tpu.memory_space<vmem>>, vector<1x16xf32>,
        %get3A_292 = vector.shape_cast %get3A_291 : vector<1x16xf32> to vector<16xf32>
        %mul3A_293 = arith.mulf %get3A_292, %gather3A_288 : vector<16xf32>
        %swap3A_294 = arith.index_cast %add3A_284 : i32 to index
        %swap3A_295 = arith.constant 0 : index
        %swap3A_296 = tpu.vector_load %arg16[%swap3A_294, %swap3A_295] {strides = array<i32>} : memref<400x16xf32, #tpu.memory_space<vmem>>, vector<1x16xf32>,
        %swap3A_297 = vector.shape_cast %swap3A_296 : vector<1x16xf32> to vector<16xf32>
        %swap3A_298 = vector.shape_cast %mul3A_293 : vector<16xf32> to vector<1x16xf32>
        tpu.vector_store %arg16[%swap3A_294, %swap3A_295], %swap3A_298 {strides = array<i32>} : memref<400x16xf32, #tpu.memory_space<vmem>>, vector<1x16xf32>,
        %mul3A_299 = arith.constant 16 : i32
        %mul3A_300 = arith.muli %scan3A_225, %mul3A_299 : i32
        %add3A_301 = arith.constant 4 : i32
        %add3A_302 = arith.addi %mul3A_300, %add3A_301 : i32
        %broadcast_in_dim3A_303 = arith.constant 4 : i32
        %broadcast_in_dim3A_304 = vector.broadcast %broadcast_in_dim3A_303 : i32 to vector<16x1xi32>
        %gather3A_305 = vector.shape_cast %broadcast_in_dim3A_304 : vector<16x1xi32> to vector<16xi32>
        %gather3A_306 = tpu.dynamic_gather %get3A_229[%gather3A_305] in [0] : vector<16xf32>, vector<16xi32> -> vector<16xf32>
        %get3A_307 = arith.index_cast %add3A_302 : i32 to index
        %get3A_308 = arith.constant 0 : index
        %get3A_309 = tpu.vector_load %arg16[%get3A_307, %get3A_308] {strides = array<i32>} : memref<400x16xf32, #tpu.memory_space<vmem>>, vector<1x16xf32>,
        %get3A_310 = vector.shape_cast %get3A_309 : vector<1x16xf32> to vector<16xf32>
        %mul3A_311 = arith.mulf %get3A_310, %gather3A_306 : vector<16xf32>
        %swap3A_312 = arith.index_cast %add3A_302 : i32 to index
        %swap3A_313 = arith.constant 0 : index
        %swap3A_314 = tpu.vector_load %arg16[%swap3A_312, %swap3A_313] {strides = array<i32>} : memref<400x16xf32, #tpu.memory_space<vmem>>, vector<1x16xf32>,
        %swap3A_315 = vector.shape_cast %swap3A_314 : vector<1x16xf32> to vector<16xf32>
        %swap3A_316 = vector.shape_cast %mul3A_311 : vector<16xf32> to vector<1x16xf32>
        tpu.vector_store %arg16[%swap3A_312, %swap3A_313], %swap3A_316 {strides = array<i32>} : memref<400x16xf32, #tpu.memory_space<vmem>>, vector<1x16xf32>,
        %mul3A_317 = arith.constant 16 : i32
        %mul3A_318 = arith.muli %scan3A_225, %mul3A_317 : i32
        %add3A_319 = arith.constant 5 : i32
        %add3A_320 = arith.addi %mul3A_318, %add3A_319 : i32
        %broadcast_in_dim3A_321 = arith.constant 5 : i32
        %broadcast_in_dim3A_322 = vector.broadcast %broadcast_in_dim3A_321 : i32 to vector<16x1xi32>
        %gather3A_323 = vector.shape_cast %broadcast_in_dim3A_322 : vector<16x1xi32> to vector<16xi32>
        %gather3A_324 = tpu.dynamic_gather %get3A_229[%gather3A_323] in [0] : vector<16xf32>, vector<16xi32> -> vector<16xf32>
        %get3A_325 = arith.index_cast %add3A_320 : i32 to index
        %get3A_326 = arith.constant 0 : index
        %get3A_327 = tpu.vector_load %arg16[%get3A_325, %get3A_326] {strides = array<i32>} : memref<400x16xf32, #tpu.memory_space<vmem>>, vector<1x16xf32>,
        %get3A_328 = vector.shape_cast %get3A_327 : vector<1x16xf32> to vector<16xf32>
        %mul3A_329 = arith.mulf %get3A_328, %gather3A_324 : vector<16xf32>
        %swap3A_330 = arith.index_cast %add3A_320 : i32 to index
        %swap3A_331 = arith.constant 0 : index
        %swap3A_332 = tpu.vector_load %arg16[%swap3A_330, %swap3A_331] {strides = array<i32>} : memref<400x16xf32, #tpu.memory_space<vmem>>, vector<1x16xf32>,
        %swap3A_333 = vector.shape_cast %swap3A_332 : vector<1x16xf32> to vector<16xf32>
        %swap3A_334 = vector.shape_cast %mul3A_329 : vector<16xf32> to vector<1x16xf32>
        tpu.vector_store %arg16[%swap3A_330, %swap3A_331], %swap3A_334 {strides = array<i32>} : memref<400x16xf32, #tpu.memory_space<vmem>>, vector<1x16xf32>,
        %mul3A_335 = arith.constant 16 : i32
        %mul3A_336 = arith.muli %scan3A_225, %mul3A_335 : i32
        %add3A_337 = arith.constant 6 : i32
        %add3A_338 = arith.addi %mul3A_336, %add3A_337 : i32
        %broadcast_in_dim3A_339 = arith.constant 6 : i32
        %broadcast_in_dim3A_340 = vector.broadcast %broadcast_in_dim3A_339 : i32 to vector<16x1xi32>
        %gather3A_341 = vector.shape_cast %broadcast_in_dim3A_340 : vector<16x1xi32> to vector<16xi32>
        %gather3A_342 = tpu.dynamic_gather %get3A_229[%gather3A_341] in [0] : vector<16xf32>, vector<16xi32> -> vector<16xf32>
        %get3A_343 = arith.index_cast %add3A_338 : i32 to index
        %get3A_344 = arith.constant 0 : index
        %get3A_345 = tpu.vector_load %arg16[%get3A_343, %get3A_344] {strides = array<i32>} : memref<400x16xf32, #tpu.memory_space<vmem>>, vector<1x16xf32>,
        %get3A_346 = vector.shape_cast %get3A_345 : vector<1x16xf32> to vector<16xf32>
        %mul3A_347 = arith.mulf %get3A_346, %gather3A_342 : vector<16xf32>
        %swap3A_348 = arith.index_cast %add3A_338 : i32 to index
        %swap3A_349 = arith.constant 0 : index
        %swap3A_350 = tpu.vector_load %arg16[%swap3A_348, %swap3A_349] {strides = array<i32>} : memref<400x16xf32, #tpu.memory_space<vmem>>, vector<1x16xf32>,
        %swap3A_351 = vector.shape_cast %swap3A_350 : vector<1x16xf32> to vector<16xf32>
        %swap3A_352 = vector.shape_cast %mul3A_347 : vector<16xf32> to vector<1x16xf32>
        tpu.vector_store %arg16[%swap3A_348, %swap3A_349], %swap3A_352 {strides = array<i32>} : memref<400x16xf32, #tpu.memory_space<vmem>>, vector<1x16xf32>,
        %mul3A_353 = arith.constant 16 : i32
        %mul3A_354 = arith.muli %scan3A_225, %mul3A_353 : i32
        %add3A_355 = arith.constant 7 : i32
        %add3A_356 = arith.addi %mul3A_354, %add3A_355 : i32
        %broadcast_in_dim3A_357 = arith.constant 7 : i32
        %broadcast_in_dim3A_358 = vector.broadcast %broadcast_in_dim3A_357 : i32 to vector<16x1xi32>
        %gather3A_359 = vector.shape_cast %broadcast_in_dim3A_358 : vector<16x1xi32> to vector<16xi32>
        %gather3A_360 = tpu.dynamic_gather %get3A_229[%gather3A_359] in [0] : vector<16xf32>, vector<16xi32> -> vector<16xf32>
        %get3A_361 = arith.index_cast %add3A_356 : i32 to index
        %get3A_362 = arith.constant 0 : index
        %get3A_363 = tpu.vector_load %arg16[%get3A_361, %get3A_362] {strides = array<i32>} : memref<400x16xf32, #tpu.memory_space<vmem>>, vector<1x16xf32>,
        %get3A_364 = vector.shape_cast %get3A_363 : vector<1x16xf32> to vector<16xf32>
        %mul3A_365 = arith.mulf %get3A_364, %gather3A_360 : vector<16xf32>
        %swap3A_366 = arith.index_cast %add3A_356 : i32 to index
        %swap3A_367 = arith.constant 0 : index
        %swap3A_368 = tpu.vector_load %arg16[%swap3A_366, %swap3A_367] {strides = array<i32>} : memref<400x16xf32, #tpu.memory_space<vmem>>, vector<1x16xf32>,
        %swap3A_369 = vector.shape_cast %swap3A_368 : vector<1x16xf32> to vector<16xf32>
        %swap3A_370 = vector.shape_cast %mul3A_365 : vector<16xf32> to vector<1x16xf32>
        tpu.vector_store %arg16[%swap3A_366, %swap3A_367], %swap3A_370 {strides = array<i32>} : memref<400x16xf32, #tpu.memory_space<vmem>>, vector<1x16xf32>,
        %mul3A_371 = arith.constant 16 : i32
        %mul3A_372 = arith.muli %scan3A_225, %mul3A_371 : i32
        %add3A_373 = arith.constant 8 : i32
        %add3A_374 = arith.addi %mul3A_372, %add3A_373 : i32
        %broadcast_in_dim3A_375 = arith.constant 8 : i32
        %broadcast_in_dim3A_376 = vector.broadcast %broadcast_in_dim3A_375 : i32 to vector<16x1xi32>
        %gather3A_377 = vector.shape_cast %broadcast_in_dim3A_376 : vector<16x1xi32> to vector<16xi32>
        %gather3A_378 = tpu.dynamic_gather %get3A_229[%gather3A_377] in [0] : vector<16xf32>, vector<16xi32> -> vector<16xf32>
        %get3A_379 = arith.index_cast %add3A_374 : i32 to index
        %get3A_380 = arith.constant 0 : index
        %get3A_381 = tpu.vector_load %arg16[%get3A_379, %get3A_380] {strides = array<i32>} : memref<400x16xf32, #tpu.memory_space<vmem>>, vector<1x16xf32>,
        %get3A_382 = vector.shape_cast %get3A_381 : vector<1x16xf32> to vector<16xf32>
        %mul3A_383 = arith.mulf %get3A_382, %gather3A_378 : vector<16xf32>
        %swap3A_384 = arith.index_cast %add3A_374 : i32 to index
        %swap3A_385 = arith.constant 0 : index
        %swap3A_386 = tpu.vector_load %arg16[%swap3A_384, %swap3A_385] {strides = array<i32>} : memref<400x16xf32, #tpu.memory_space<vmem>>, vector<1x16xf32>,
        %swap3A_387 = vector.shape_cast %swap3A_386 : vector<1x16xf32> to vector<16xf32>
        %swap3A_388 = vector.shape_cast %mul3A_383 : vector<16xf32> to vector<1x16xf32>
        tpu.vector_store %arg16[%swap3A_384, %swap3A_385], %swap3A_388 {strides = array<i32>} : memref<400x16xf32, #tpu.memory_space<vmem>>, vector<1x16xf32>,
        %mul3A_389 = arith.constant 16 : i32
        %mul3A_390 = arith.muli %scan3A_225, %mul3A_389 : i32
        %add3A_391 = arith.constant 9 : i32
        %add3A_392 = arith.addi %mul3A_390, %add3A_391 : i32
        %broadcast_in_dim3A_393 = arith.constant 9 : i32
        %broadcast_in_dim3A_394 = vector.broadcast %broadcast_in_dim3A_393 : i32 to vector<16x1xi32>
        %gather3A_395 = vector.shape_cast %broadcast_in_dim3A_394 : vector<16x1xi32> to vector<16xi32>
        %gather3A_396 = tpu.dynamic_gather %get3A_229[%gather3A_395] in [0] : vector<16xf32>, vector<16xi32> -> vector<16xf32>
        %get3A_397 = arith.index_cast %add3A_392 : i32 to index
        %get3A_398 = arith.constant 0 : index
        %get3A_399 = tpu.vector_load %arg16[%get3A_397, %get3A_398] {strides = array<i32>} : memref<400x16xf32, #tpu.memory_space<vmem>>, vector<1x16xf32>,
        %get3A_400 = vector.shape_cast %get3A_399 : vector<1x16xf32> to vector<16xf32>
        %mul3A_401 = arith.mulf %get3A_400, %gather3A_396 : vector<16xf32>
        %swap3A_402 = arith.index_cast %add3A_392 : i32 to index
        %swap3A_403 = arith.constant 0 : index
        %swap3A_404 = tpu.vector_load %arg16[%swap3A_402, %swap3A_403] {strides = array<i32>} : memref<400x16xf32, #tpu.memory_space<vmem>>, vector<1x16xf32>,
        %swap3A_405 = vector.shape_cast %swap3A_404 : vector<1x16xf32> to vector<16xf32>
        %swap3A_406 = vector.shape_cast %mul3A_401 : vector<16xf32> to vector<1x16xf32>
        tpu.vector_store %arg16[%swap3A_402, %swap3A_403], %swap3A_406 {strides = array<i32>} : memref<400x16xf32, #tpu.memory_space<vmem>>, vector<1x16xf32>,
        %mul3A_407 = arith.constant 16 : i32
        %mul3A_408 = arith.muli %scan3A_225, %mul3A_407 : i32
        %add3A_409 = arith.constant 10 : i32
        %add3A_410 = arith.addi %mul3A_408, %add3A_409 : i32
        %broadcast_in_dim3A_411 = arith.constant 10 : i32
        %broadcast_in_dim3A_412 = vector.broadcast %broadcast_in_dim3A_411 : i32 to vector<16x1xi32>
        %gather3A_413 = vector.shape_cast %broadcast_in_dim3A_412 : vector<16x1xi32> to vector<16xi32>
        %gather3A_414 = tpu.dynamic_gather %get3A_229[%gather3A_413] in [0] : vector<16xf32>, vector<16xi32> -> vector<16xf32>
        %get3A_415 = arith.index_cast %add3A_410 : i32 to index
        %get3A_416 = arith.constant 0 : index
        %get3A_417 = tpu.vector_load %arg16[%get3A_415, %get3A_416] {strides = array<i32>} : memref<400x16xf32, #tpu.memory_space<vmem>>, vector<1x16xf32>,
        %get3A_418 = vector.shape_cast %get3A_417 : vector<1x16xf32> to vector<16xf32>
        %mul3A_419 = arith.mulf %get3A_418, %gather3A_414 : vector<16xf32>
        %swap3A_420 = arith.index_cast %add3A_410 : i32 to index
        %swap3A_421 = arith.constant 0 : index
        %swap3A_422 = tpu.vector_load %arg16[%swap3A_420, %swap3A_421] {strides = array<i32>} : memref<400x16xf32, #tpu.memory_space<vmem>>, vector<1x16xf32>,
        %swap3A_423 = vector.shape_cast %swap3A_422 : vector<1x16xf32> to vector<16xf32>
        %swap3A_424 = vector.shape_cast %mul3A_419 : vector<16xf32> to vector<1x16xf32>
        tpu.vector_store %arg16[%swap3A_420, %swap3A_421], %swap3A_424 {strides = array<i32>} : memref<400x16xf32, #tpu.memory_space<vmem>>, vector<1x16xf32>,
        %mul3A_425 = arith.constant 16 : i32
        %mul3A_426 = arith.muli %scan3A_225, %mul3A_425 : i32
        %add3A_427 = arith.constant 11 : i32
        %add3A_428 = arith.addi %mul3A_426, %add3A_427 : i32
        %broadcast_in_dim3A_429 = arith.constant 11 : i32
        %broadcast_in_dim3A_430 = vector.broadcast %broadcast_in_dim3A_429 : i32 to vector<16x1xi32>
        %gather3A_431 = vector.shape_cast %broadcast_in_dim3A_430 : vector<16x1xi32> to vector<16xi32>
        %gather3A_432 = tpu.dynamic_gather %get3A_229[%gather3A_431] in [0] : vector<16xf32>, vector<16xi32> -> vector<16xf32>
        %get3A_433 = arith.index_cast %add3A_428 : i32 to index
        %get3A_434 = arith.constant 0 : index
        %get3A_435 = tpu.vector_load %arg16[%get3A_433, %get3A_434] {strides = array<i32>} : memref<400x16xf32, #tpu.memory_space<vmem>>, vector<1x16xf32>,
        %get3A_436 = vector.shape_cast %get3A_435 : vector<1x16xf32> to vector<16xf32>
        %mul3A_437 = arith.mulf %get3A_436, %gather3A_432 : vector<16xf32>
        %swap3A_438 = arith.index_cast %add3A_428 : i32 to index
        %swap3A_439 = arith.constant 0 : index
        %swap3A_440 = tpu.vector_load %arg16[%swap3A_438, %swap3A_439] {strides = array<i32>} : memref<400x16xf32, #tpu.memory_space<vmem>>, vector<1x16xf32>,
        %swap3A_441 = vector.shape_cast %swap3A_440 : vector<1x16xf32> to vector<16xf32>
        %swap3A_442 = vector.shape_cast %mul3A_437 : vector<16xf32> to vector<1x16xf32>
        tpu.vector_store %arg16[%swap3A_438, %swap3A_439], %swap3A_442 {strides = array<i32>} : memref<400x16xf32, #tpu.memory_space<vmem>>, vector<1x16xf32>,
        %mul3A_443 = arith.constant 16 : i32
        %mul3A_444 = arith.muli %scan3A_225, %mul3A_443 : i32
        %add3A_445 = arith.constant 12 : i32
        %add3A_446 = arith.addi %mul3A_444, %add3A_445 : i32
        %broadcast_in_dim3A_447 = arith.constant 12 : i32
        %broadcast_in_dim3A_448 = vector.broadcast %broadcast_in_dim3A_447 : i32 to vector<16x1xi32>
        %gather3A_449 = vector.shape_cast %broadcast_in_dim3A_448 : vector<16x1xi32> to vector<16xi32>
        %gather3A_450 = tpu.dynamic_gather %get3A_229[%gather3A_449] in [0] : vector<16xf32>, vector<16xi32> -> vector<16xf32>
        %get3A_451 = arith.index_cast %add3A_446 : i32 to index
        %get3A_452 = arith.constant 0 : index
        %get3A_453 = tpu.vector_load %arg16[%get3A_451, %get3A_452] {strides = array<i32>} : memref<400x16xf32, #tpu.memory_space<vmem>>, vector<1x16xf32>,
        %get3A_454 = vector.shape_cast %get3A_453 : vector<1x16xf32> to vector<16xf32>
        %mul3A_455 = arith.mulf %get3A_454, %gather3A_450 : vector<16xf32>
        %swap3A_456 = arith.index_cast %add3A_446 : i32 to index
        %swap3A_457 = arith.constant 0 : index
        %swap3A_458 = tpu.vector_load %arg16[%swap3A_456, %swap3A_457] {strides = array<i32>} : memref<400x16xf32, #tpu.memory_space<vmem>>, vector<1x16xf32>,
        %swap3A_459 = vector.shape_cast %swap3A_458 : vector<1x16xf32> to vector<16xf32>
        %swap3A_460 = vector.shape_cast %mul3A_455 : vector<16xf32> to vector<1x16xf32>
        tpu.vector_store %arg16[%swap3A_456, %swap3A_457], %swap3A_460 {strides = array<i32>} : memref<400x16xf32, #tpu.memory_space<vmem>>, vector<1x16xf32>,
        %mul3A_461 = arith.constant 16 : i32
        %mul3A_462 = arith.muli %scan3A_225, %mul3A_461 : i32
        %add3A_463 = arith.constant 13 : i32
        %add3A_464 = arith.addi %mul3A_462, %add3A_463 : i32
        %broadcast_in_dim3A_465 = arith.constant 13 : i32
        %broadcast_in_dim3A_466 = vector.broadcast %broadcast_in_dim3A_465 : i32 to vector<16x1xi32>
        %gather3A_467 = vector.shape_cast %broadcast_in_dim3A_466 : vector<16x1xi32> to vector<16xi32>
        %gather3A_468 = tpu.dynamic_gather %get3A_229[%gather3A_467] in [0] : vector<16xf32>, vector<16xi32> -> vector<16xf32>
        %get3A_469 = arith.index_cast %add3A_464 : i32 to index
        %get3A_470 = arith.constant 0 : index
        %get3A_471 = tpu.vector_load %arg16[%get3A_469, %get3A_470] {strides = array<i32>} : memref<400x16xf32, #tpu.memory_space<vmem>>, vector<1x16xf32>,
        %get3A_472 = vector.shape_cast %get3A_471 : vector<1x16xf32> to vector<16xf32>
        %mul3A_473 = arith.mulf %get3A_472, %gather3A_468 : vector<16xf32>
        %swap3A_474 = arith.index_cast %add3A_464 : i32 to index
        %swap3A_475 = arith.constant 0 : index
        %swap3A_476 = tpu.vector_load %arg16[%swap3A_474, %swap3A_475] {strides = array<i32>} : memref<400x16xf32, #tpu.memory_space<vmem>>, vector<1x16xf32>,
        %swap3A_477 = vector.shape_cast %swap3A_476 : vector<1x16xf32> to vector<16xf32>
        %swap3A_478 = vector.shape_cast %mul3A_473 : vector<16xf32> to vector<1x16xf32>
        tpu.vector_store %arg16[%swap3A_474, %swap3A_475], %swap3A_478 {strides = array<i32>} : memref<400x16xf32, #tpu.memory_space<vmem>>, vector<1x16xf32>,
        %mul3A_479 = arith.constant 16 : i32
        %mul3A_480 = arith.muli %scan3A_225, %mul3A_479 : i32
        %add3A_481 = arith.constant 14 : i32
        %add3A_482 = arith.addi %mul3A_480, %add3A_481 : i32
        %broadcast_in_dim3A_483 = arith.constant 14 : i32
        %broadcast_in_dim3A_484 = vector.broadcast %broadcast_in_dim3A_483 : i32 to vector<16x1xi32>
        %gather3A_485 = vector.shape_cast %broadcast_in_dim3A_484 : vector<16x1xi32> to vector<16xi32>
        %gather3A_486 = tpu.dynamic_gather %get3A_229[%gather3A_485] in [0] : vector<16xf32>, vector<16xi32> -> vector<16xf32>
        %get3A_487 = arith.index_cast %add3A_482 : i32 to index
        %get3A_488 = arith.constant 0 : index
        %get3A_489 = tpu.vector_load %arg16[%get3A_487, %get3A_488] {strides = array<i32>} : memref<400x16xf32, #tpu.memory_space<vmem>>, vector<1x16xf32>,
        %get3A_490 = vector.shape_cast %get3A_489 : vector<1x16xf32> to vector<16xf32>
        %mul3A_491 = arith.mulf %get3A_490, %gather3A_486 : vector<16xf32>
        %swap3A_492 = arith.index_cast %add3A_482 : i32 to index
        %swap3A_493 = arith.constant 0 : index
        %swap3A_494 = tpu.vector_load %arg16[%swap3A_492, %swap3A_493] {strides = array<i32>} : memref<400x16xf32, #tpu.memory_space<vmem>>, vector<1x16xf32>,
        %swap3A_495 = vector.shape_cast %swap3A_494 : vector<1x16xf32> to vector<16xf32>
        %swap3A_496 = vector.shape_cast %mul3A_491 : vector<16xf32> to vector<1x16xf32>
        tpu.vector_store %arg16[%swap3A_492, %swap3A_493], %swap3A_496 {strides = array<i32>} : memref<400x16xf32, #tpu.memory_space<vmem>>, vector<1x16xf32>,
        %mul3A_497 = arith.constant 16 : i32
        %mul3A_498 = arith.muli %scan3A_225, %mul3A_497 : i32
        %add3A_499 = arith.constant 15 : i32
        %add3A_500 = arith.addi %mul3A_498, %add3A_499 : i32
        %broadcast_in_dim3A_501 = arith.constant 15 : i32
        %broadcast_in_dim3A_502 = vector.broadcast %broadcast_in_dim3A_501 : i32 to vector<16x1xi32>
        %gather3A_503 = vector.shape_cast %broadcast_in_dim3A_502 : vector<16x1xi32> to vector<16xi32>
        %gather3A_504 = tpu.dynamic_gather %get3A_229[%gather3A_503] in [0] : vector<16xf32>, vector<16xi32> -> vector<16xf32>
        %get3A_505 = arith.index_cast %add3A_500 : i32 to index
        %get3A_506 = arith.constant 0 : index
        %get3A_507 = tpu.vector_load %arg16[%get3A_505, %get3A_506] {strides = array<i32>} : memref<400x16xf32, #tpu.memory_space<vmem>>, vector<1x16xf32>,
        %get3A_508 = vector.shape_cast %get3A_507 : vector<1x16xf32> to vector<16xf32>
        %mul3A_509 = arith.mulf %get3A_508, %gather3A_504 : vector<16xf32>
        %swap3A_510 = arith.index_cast %add3A_500 : i32 to index
        %swap3A_511 = arith.constant 0 : index
        %swap3A_512 = tpu.vector_load %arg16[%swap3A_510, %swap3A_511] {strides = array<i32>} : memref<400x16xf32, #tpu.memory_space<vmem>>, vector<1x16xf32>,
        %swap3A_513 = vector.shape_cast %swap3A_512 : vector<1x16xf32> to vector<16xf32>
        %swap3A_514 = vector.shape_cast %mul3A_509 : vector<16xf32> to vector<1x16xf32>
        tpu.vector_store %arg16[%swap3A_510, %swap3A_511], %swap3A_514 {strides = array<i32>} : memref<400x16xf32, #tpu.memory_space<vmem>>, vector<1x16xf32>,
      }
      %scan3A_216 = arith.constant 25 : i32
      %le3A_217 = arith.constant 248 : i32
      %le3A_218 = arith.cmpi sle, %scan3A_139, %le3A_217 : i32
      %convert_element_type3A_219 = arith.extui %le3A_218 : i1 to i32
      %cond3A_220 = arith.constant 0 : i32
      %cond3A_221 = arith.cmpi ne, %convert_element_type3A_219, %cond3A_220 : i32
      scf.if %cond3A_221 {
        %mul3A_225 = arith.constant 2 : i32
        %mul3A_226 = arith.muli %scan3A_139, %mul3A_225 : i32
        %add3A_227 = arith.constant 1 : i32
        %add3A_228 = arith.addi %mul3A_226, %add3A_227 : i32
        %add3A_229 = arith.constant 2 : i32
        %add3A_230 = arith.addi %add3A_228, %add3A_229 : i32
        %mul3A_231 = arith.constant 400 : i32
        %mul3A_232 = arith.muli %add3A_230, %mul3A_231 : i32
        %add3A_233 = arith.addi %mul3A_2, %mul3A_232 : i32
        %multiple_of3A_234 = tpu.assume_multiple %add3A_233, 8 : i32
        %dma_start3A_235 = tpu.memref_slice %arg3[%multiple_of3A_234] : memref<3200000xi32, #tpu.memory_space<hbm>> -> memref<400xi32, #tpu.memory_space<hbm>>
        %dma_start3A_236 = tpu.memref_slice %arg3[%multiple_of3A_234] : memref<3200000xi32, #tpu.memory_space<hbm>> -> memref<400xi32, #tpu.memory_space<hbm>>
        tpu.enqueue_dma source(%dma_start3A_236 : memref<400xi32, #tpu.memory_space<hbm>>) target(%arg10 : memref<400xi32, #tpu.memory_space<vmem>>) target_semaphore(%arg20 : memref<!tpu.dma_semaphore, #tpu.memory_space<semaphore_mem>>)
        %dma_start3A_237 = tpu.memref_slice %arg4[%multiple_of3A_234] : memref<3200000xi32, #tpu.memory_space<hbm>> -> memref<400xi32, #tpu.memory_space<hbm>>
        %dma_start3A_238 = tpu.memref_slice %arg4[%multiple_of3A_234] : memref<3200000xi32, #tpu.memory_space<hbm>> -> memref<400xi32, #tpu.memory_space<hbm>>
        tpu.enqueue_dma source(%dma_start3A_238 : memref<400xi32, #tpu.memory_space<hbm>>) target(%arg12 : memref<400xi32, #tpu.memory_space<vmem>>) target_semaphore(%arg22 : memref<!tpu.dma_semaphore, #tpu.memory_space<semaphore_mem>>)
        %dma_start3A_239 = tpu.memref_slice %arg5[%multiple_of3A_234] : memref<3200000xf32, #tpu.memory_space<hbm>> -> memref<400xf32, #tpu.memory_space<hbm>>
        %dma_start3A_240 = tpu.memref_slice %arg5[%multiple_of3A_234] : memref<3200000xf32, #tpu.memory_space<hbm>> -> memref<400xf32, #tpu.memory_space<hbm>>
        tpu.enqueue_dma source(%dma_start3A_240 : memref<400xf32, #tpu.memory_space<hbm>>) target(%arg14 : memref<400xf32, #tpu.memory_space<vmem>>) target_semaphore(%arg24 : memref<!tpu.dma_semaphore, #tpu.memory_space<semaphore_mem>>)
      } else {
      }
      %dma_start3A_222 = arith.constant 0 : i32
      %dma_start3A_223 = arith.constant 0 : i32
      %dma_start3A_224 = tpu.memref_slice %arg8[%dma_start3A_222, %dma_start3A_223] : memref<102400x16xf32, #tpu.memory_space<vmem_shared>> -> memref<102400x16xf32, #tpu.memory_space<vmem_shared>>
      tpu.enqueue_indirect_dma source(%arg16 : memref<400x16xf32, #tpu.memory_space<vmem>>) target(%dma_start3A_224 : memref<102400x16xf32, #tpu.memory_space<vmem_shared>>) offsets(%arg18 : memref<400xi32, #tpu.memory_space<vmem>>) semaphore(%arg28 : memref<!tpu.dma_semaphore, #tpu.memory_space<semaphore_mem>>) {add = true}
    }
    %scan3A_62 = arith.constant 250 : i32
    %dma_wait3A_63 = arith.constant 0 : i32
    %dma_wait3A_64 = arith.constant 0 : i32
    %dma_wait3A_65 = tpu.memref_slice %arg8[%dma_wait3A_63, %dma_wait3A_64] : memref<102400x16xf32, #tpu.memory_space<vmem_shared>> -> memref<102400x16xf32, #tpu.memory_space<vmem_shared>>
    tpu.wait_indirect_dma semaphore(%arg28 : memref<!tpu.dma_semaphore, #tpu.memory_space<semaphore_mem>>) src(%arg16 : memref<400x16xf32, #tpu.memory_space<vmem>>) dst(%dma_wait3A_65 : memref<102400x16xf32, #tpu.memory_space<vmem_shared>>)
    %barrier3A_66 = arith.constant 0 : index
    tpu.barrier barrier_id(%barrier3A_66)
    %mul3A_67 = arith.constant 1568 : i32
    %mul3A_68 = arith.muli %arg1, %mul3A_67 : i32
    %add3A_69 = arith.constant 0 : i32
    %add3A_70 = arith.addi %add3A_69, %mul3A_68 : i32
    %mul3A_71 = arith.constant 25000 : i32
    %mul3A_72 = arith.muli %arg0, %mul3A_71 : i32
    %mul3A_73 = arith.constant 1568 : i32
    %mul3A_74 = arith.muli %arg1, %mul3A_73 : i32
    %add3A_75 = arith.addi %mul3A_72, %mul3A_74 : i32
    %lt3A = arith.constant 15 : i32
    %lt3A_76 = arith.cmpi slt, %arg1, %lt3A : i32
    %convert_element_type3A = arith.extui %lt3A_76 : i1 to i32
    %cond3A = arith.constant 0 : i32
    %cond3A_77 = arith.cmpi ne, %convert_element_type3A, %cond3A : i32
    scf.if %cond3A_77 {
      %run_scoped3A = arith.constant 0 : i32
      "tpu.region"() ({
        %run_scoped3A_139 = tpu.sem_alloc : memref<!tpu.dma_semaphore, #tpu.memory_space<semaphore_mem>>
        %dma_start3A_140 = arith.constant 0 : i32
        %dma_start3A_141 = tpu.memref_slice %arg7[%run_scoped3A, %add3A_75, %dma_start3A_140] : memref<4x50000x16xf32, #tpu.memory_space<hbm>> -> memref<1x1568x16xf32, #tpu.memory_space<hbm>>
        %dma_start3A_142 = tpu.memref_squeeze %dma_start3A_141 : memref<1x1568x16xf32, #tpu.memory_space<hbm>> -> memref<1568x16xf32, #tpu.memory_space<hbm>>
        %dma_start3A_143 = arith.constant 0 : i32
        %dma_start3A_144 = tpu.memref_slice %arg8[%add3A_70, %dma_start3A_143] : memref<102400x16xf32, #tpu.memory_space<vmem_shared>> -> memref<1568x16xf32, #tpu.memory_space<vmem_shared>>
        tpu.enqueue_dma source(%dma_start3A_144 : memref<1568x16xf32, #tpu.memory_space<vmem_shared>>) target(%dma_start3A_142 : memref<1568x16xf32, #tpu.memory_space<hbm>>) target_semaphore(%run_scoped3A_139 : memref<!tpu.dma_semaphore, #tpu.memory_space<semaphore_mem>>)
        %dma_wait3A_145 = arith.constant 0 : i32
        %dma_wait3A_146 = tpu.memref_slice %arg7[%run_scoped3A, %add3A_75, %dma_wait3A_145] : memref<4x50000x16xf32, #tpu.memory_space<hbm>> -> memref<1x1568x16xf32, #tpu.memory_space<hbm>>
        %dma_wait3A_147 = tpu.memref_squeeze %dma_wait3A_146 : memref<1x1568x16xf32, #tpu.memory_space<hbm>> -> memref<1568x16xf32, #tpu.memory_space<hbm>>
        %dma_wait3A_148 = arith.constant 0 : i32
        %dma_wait3A_149 = tpu.memref_slice %arg8[%add3A_70, %dma_wait3A_148] : memref<102400x16xf32, #tpu.memory_space<vmem_shared>> -> memref<1568x16xf32, #tpu.memory_space<vmem_shared>>
        tpu.wait_dma2 semaphore(%run_scoped3A_139 : memref<!tpu.dma_semaphore, #tpu.memory_space<semaphore_mem>>) src(%dma_wait3A_149 : memref<1568x16xf32, #tpu.memory_space<vmem_shared>>) dst(%dma_wait3A_147 : memref<1568x16xf32, #tpu.memory_space<hbm>>)
        tpu.yield
      }) : () -> ()
    } else {
    }
    %eq3A = arith.constant 15 : i32
    %eq3A_78 = arith.cmpi eq, %arg1, %eq3A : i32
    %convert_element_type3A_79 = arith.extui %eq3A_78 : i1 to i32
    %cond3A_80 = arith.constant 0 : i32
    %cond3A_81 = arith.cmpi ne, %convert_element_type3A_79, %cond3A_80 : i32
    scf.if %cond3A_81 {
      %run_scoped3A = arith.constant 0 : i32
      "tpu.region"() ({
        %run_scoped3A_139 = tpu.sem_alloc : memref<!tpu.dma_semaphore, #tpu.memory_space<semaphore_mem>>
        %dma_start3A_140 = arith.constant 0 : i32
        %dma_start3A_141 = tpu.memref_slice %arg7[%run_scoped3A, %add3A_75, %dma_start3A_140] : memref<4x50000x16xf32, #tpu.memory_space<hbm>> -> memref<1x1480x16xf32, #tpu.memory_space<hbm>>
        %dma_start3A_142 = tpu.memref_squeeze %dma_start3A_141 : memref<1x1480x16xf32, #tpu.memory_space<hbm>> -> memref<1480x16xf32, #tpu.memory_space<hbm>>
        %dma_start3A_143 = arith.constant 0 : i32
        %dma_start3A_144 = tpu.memref_slice %arg8[%add3A_70, %dma_start3A_143] : memref<102400x16xf32, #tpu.memory_space<vmem_shared>> -> memref<1480x16xf32, #tpu.memory_space<vmem_shared>>
        tpu.enqueue_dma source(%dma_start3A_144 : memref<1480x16xf32, #tpu.memory_space<vmem_shared>>) target(%dma_start3A_142 : memref<1480x16xf32, #tpu.memory_space<hbm>>) target_semaphore(%run_scoped3A_139 : memref<!tpu.dma_semaphore, #tpu.memory_space<semaphore_mem>>)
        %dma_wait3A_145 = arith.constant 0 : i32
        %dma_wait3A_146 = tpu.memref_slice %arg7[%run_scoped3A, %add3A_75, %dma_wait3A_145] : memref<4x50000x16xf32, #tpu.memory_space<hbm>> -> memref<1x1480x16xf32, #tpu.memory_space<hbm>>
        %dma_wait3A_147 = tpu.memref_squeeze %dma_wait3A_146 : memref<1x1480x16xf32, #tpu.memory_space<hbm>> -> memref<1480x16xf32, #tpu.memory_space<hbm>>
        %dma_wait3A_148 = arith.constant 0 : i32
        %dma_wait3A_149 = tpu.memref_slice %arg8[%add3A_70, %dma_wait3A_148] : memref<102400x16xf32, #tpu.memory_space<vmem_shared>> -> memref<1480x16xf32, #tpu.memory_space<vmem_shared>>
        tpu.wait_dma2 semaphore(%run_scoped3A_139 : memref<!tpu.dma_semaphore, #tpu.memory_space<semaphore_mem>>) src(%dma_wait3A_149 : memref<1480x16xf32, #tpu.memory_space<vmem_shared>>) dst(%dma_wait3A_147 : memref<1480x16xf32, #tpu.memory_space<hbm>>)
        tpu.yield
      }) : () -> ()
    } else {
    }
    %mul3A_82 = arith.constant 1568 : i32
    %mul3A_83 = arith.muli %arg1, %mul3A_82 : i32
    %add3A_84 = arith.constant 25600 : i32
    %add3A_85 = arith.addi %add3A_84, %mul3A_83 : i32
    %mul3A_86 = arith.constant 25000 : i32
    %mul3A_87 = arith.muli %arg0, %mul3A_86 : i32
    %mul3A_88 = arith.constant 1568 : i32
    %mul3A_89 = arith.muli %arg1, %mul3A_88 : i32
    %add3A_90 = arith.addi %mul3A_87, %mul3A_89 : i32
    %lt3A_91 = arith.constant 15 : i32
    %lt3A_92 = arith.cmpi slt, %arg1, %lt3A_91 : i32
    %convert_element_type3A_93 = arith.extui %lt3A_92 : i1 to i32
    %cond3A_94 = arith.constant 0 : i32
    %cond3A_95 = arith.cmpi ne, %convert_element_type3A_93, %cond3A_94 : i32
    scf.if %cond3A_95 {
      %run_scoped3A = arith.constant 1 : i32
      "tpu.region"() ({
        %run_scoped3A_139 = tpu.sem_alloc : memref<!tpu.dma_semaphore, #tpu.memory_space<semaphore_mem>>
        %dma_start3A_140 = arith.constant 0 : i32
        %dma_start3A_141 = tpu.memref_slice %arg7[%run_scoped3A, %add3A_90, %dma_start3A_140] : memref<4x50000x16xf32, #tpu.memory_space<hbm>> -> memref<1x1568x16xf32, #tpu.memory_space<hbm>>
        %dma_start3A_142 = tpu.memref_squeeze %dma_start3A_141 : memref<1x1568x16xf32, #tpu.memory_space<hbm>> -> memref<1568x16xf32, #tpu.memory_space<hbm>>
        %dma_start3A_143 = arith.constant 0 : i32
        %dma_start3A_144 = tpu.memref_slice %arg8[%add3A_85, %dma_start3A_143] : memref<102400x16xf32, #tpu.memory_space<vmem_shared>> -> memref<1568x16xf32, #tpu.memory_space<vmem_shared>>
        tpu.enqueue_dma source(%dma_start3A_144 : memref<1568x16xf32, #tpu.memory_space<vmem_shared>>) target(%dma_start3A_142 : memref<1568x16xf32, #tpu.memory_space<hbm>>) target_semaphore(%run_scoped3A_139 : memref<!tpu.dma_semaphore, #tpu.memory_space<semaphore_mem>>)
        %dma_wait3A_145 = arith.constant 0 : i32
        %dma_wait3A_146 = tpu.memref_slice %arg7[%run_scoped3A, %add3A_90, %dma_wait3A_145] : memref<4x50000x16xf32, #tpu.memory_space<hbm>> -> memref<1x1568x16xf32, #tpu.memory_space<hbm>>
        %dma_wait3A_147 = tpu.memref_squeeze %dma_wait3A_146 : memref<1x1568x16xf32, #tpu.memory_space<hbm>> -> memref<1568x16xf32, #tpu.memory_space<hbm>>
        %dma_wait3A_148 = arith.constant 0 : i32
        %dma_wait3A_149 = tpu.memref_slice %arg8[%add3A_85, %dma_wait3A_148] : memref<102400x16xf32, #tpu.memory_space<vmem_shared>> -> memref<1568x16xf32, #tpu.memory_space<vmem_shared>>
        tpu.wait_dma2 semaphore(%run_scoped3A_139 : memref<!tpu.dma_semaphore, #tpu.memory_space<semaphore_mem>>) src(%dma_wait3A_149 : memref<1568x16xf32, #tpu.memory_space<vmem_shared>>) dst(%dma_wait3A_147 : memref<1568x16xf32, #tpu.memory_space<hbm>>)
        tpu.yield
      }) : () -> ()
    } else {
    }
    %eq3A_96 = arith.constant 15 : i32
    %eq3A_97 = arith.cmpi eq, %arg1, %eq3A_96 : i32
    %convert_element_type3A_98 = arith.extui %eq3A_97 : i1 to i32
    %cond3A_99 = arith.constant 0 : i32
    %cond3A_100 = arith.cmpi ne, %convert_element_type3A_98, %cond3A_99 : i32
    scf.if %cond3A_100 {
      %run_scoped3A = arith.constant 1 : i32
      "tpu.region"() ({
        %run_scoped3A_139 = tpu.sem_alloc : memref<!tpu.dma_semaphore, #tpu.memory_space<semaphore_mem>>
        %dma_start3A_140 = arith.constant 0 : i32
        %dma_start3A_141 = tpu.memref_slice %arg7[%run_scoped3A, %add3A_90, %dma_start3A_140] : memref<4x50000x16xf32, #tpu.memory_space<hbm>> -> memref<1x1480x16xf32, #tpu.memory_space<hbm>>
        %dma_start3A_142 = tpu.memref_squeeze %dma_start3A_141 : memref<1x1480x16xf32, #tpu.memory_space<hbm>> -> memref<1480x16xf32, #tpu.memory_space<hbm>>
        %dma_start3A_143 = arith.constant 0 : i32
        %dma_start3A_144 = tpu.memref_slice %arg8[%add3A_85, %dma_start3A_143] : memref<102400x16xf32, #tpu.memory_space<vmem_shared>> -> memref<1480x16xf32, #tpu.memory_space<vmem_shared>>
        tpu.enqueue_dma source(%dma_start3A_144 : memref<1480x16xf32, #tpu.memory_space<vmem_shared>>) target(%dma_start3A_142 : memref<1480x16xf32, #tpu.memory_space<hbm>>) target_semaphore(%run_scoped3A_139 : memref<!tpu.dma_semaphore, #tpu.memory_space<semaphore_mem>>)
        %dma_wait3A_145 = arith.constant 0 : i32
        %dma_wait3A_146 = tpu.memref_slice %arg7[%run_scoped3A, %add3A_90, %dma_wait3A_145] : memref<4x50000x16xf32, #tpu.memory_space<hbm>> -> memref<1x1480x16xf32, #tpu.memory_space<hbm>>
        %dma_wait3A_147 = tpu.memref_squeeze %dma_wait3A_146 : memref<1x1480x16xf32, #tpu.memory_space<hbm>> -> memref<1480x16xf32, #tpu.memory_space<hbm>>
        %dma_wait3A_148 = arith.constant 0 : i32
        %dma_wait3A_149 = tpu.memref_slice %arg8[%add3A_85, %dma_wait3A_148] : memref<102400x16xf32, #tpu.memory_space<vmem_shared>> -> memref<1480x16xf32, #tpu.memory_space<vmem_shared>>
        tpu.wait_dma2 semaphore(%run_scoped3A_139 : memref<!tpu.dma_semaphore, #tpu.memory_space<semaphore_mem>>) src(%dma_wait3A_149 : memref<1480x16xf32, #tpu.memory_space<vmem_shared>>) dst(%dma_wait3A_147 : memref<1480x16xf32, #tpu.memory_space<hbm>>)
        tpu.yield
      }) : () -> ()
    } else {
    }
    %mul3A_101 = arith.constant 1568 : i32
    %mul3A_102 = arith.muli %arg1, %mul3A_101 : i32
    %add3A_103 = arith.constant 51200 : i32
    %add3A_104 = arith.addi %add3A_103, %mul3A_102 : i32
    %mul3A_105 = arith.constant 25000 : i32
    %mul3A_106 = arith.muli %arg0, %mul3A_105 : i32
    %mul3A_107 = arith.constant 1568 : i32
    %mul3A_108 = arith.muli %arg1, %mul3A_107 : i32
    %add3A_109 = arith.addi %mul3A_106, %mul3A_108 : i32
    %lt3A_110 = arith.constant 15 : i32
    %lt3A_111 = arith.cmpi slt, %arg1, %lt3A_110 : i32
    %convert_element_type3A_112 = arith.extui %lt3A_111 : i1 to i32
    %cond3A_113 = arith.constant 0 : i32
    %cond3A_114 = arith.cmpi ne, %convert_element_type3A_112, %cond3A_113 : i32
    scf.if %cond3A_114 {
      %run_scoped3A = arith.constant 2 : i32
      "tpu.region"() ({
        %run_scoped3A_139 = tpu.sem_alloc : memref<!tpu.dma_semaphore, #tpu.memory_space<semaphore_mem>>
        %dma_start3A_140 = arith.constant 0 : i32
        %dma_start3A_141 = tpu.memref_slice %arg7[%run_scoped3A, %add3A_109, %dma_start3A_140] : memref<4x50000x16xf32, #tpu.memory_space<hbm>> -> memref<1x1568x16xf32, #tpu.memory_space<hbm>>
        %dma_start3A_142 = tpu.memref_squeeze %dma_start3A_141 : memref<1x1568x16xf32, #tpu.memory_space<hbm>> -> memref<1568x16xf32, #tpu.memory_space<hbm>>
        %dma_start3A_143 = arith.constant 0 : i32
        %dma_start3A_144 = tpu.memref_slice %arg8[%add3A_104, %dma_start3A_143] : memref<102400x16xf32, #tpu.memory_space<vmem_shared>> -> memref<1568x16xf32, #tpu.memory_space<vmem_shared>>
        tpu.enqueue_dma source(%dma_start3A_144 : memref<1568x16xf32, #tpu.memory_space<vmem_shared>>) target(%dma_start3A_142 : memref<1568x16xf32, #tpu.memory_space<hbm>>) target_semaphore(%run_scoped3A_139 : memref<!tpu.dma_semaphore, #tpu.memory_space<semaphore_mem>>)
        %dma_wait3A_145 = arith.constant 0 : i32
        %dma_wait3A_146 = tpu.memref_slice %arg7[%run_scoped3A, %add3A_109, %dma_wait3A_145] : memref<4x50000x16xf32, #tpu.memory_space<hbm>> -> memref<1x1568x16xf32, #tpu.memory_space<hbm>>
        %dma_wait3A_147 = tpu.memref_squeeze %dma_wait3A_146 : memref<1x1568x16xf32, #tpu.memory_space<hbm>> -> memref<1568x16xf32, #tpu.memory_space<hbm>>
        %dma_wait3A_148 = arith.constant 0 : i32
        %dma_wait3A_149 = tpu.memref_slice %arg8[%add3A_104, %dma_wait3A_148] : memref<102400x16xf32, #tpu.memory_space<vmem_shared>> -> memref<1568x16xf32, #tpu.memory_space<vmem_shared>>
        tpu.wait_dma2 semaphore(%run_scoped3A_139 : memref<!tpu.dma_semaphore, #tpu.memory_space<semaphore_mem>>) src(%dma_wait3A_149 : memref<1568x16xf32, #tpu.memory_space<vmem_shared>>) dst(%dma_wait3A_147 : memref<1568x16xf32, #tpu.memory_space<hbm>>)
        tpu.yield
      }) : () -> ()
    } else {
    }
    %eq3A_115 = arith.constant 15 : i32
    %eq3A_116 = arith.cmpi eq, %arg1, %eq3A_115 : i32
    %convert_element_type3A_117 = arith.extui %eq3A_116 : i1 to i32
    %cond3A_118 = arith.constant 0 : i32
    %cond3A_119 = arith.cmpi ne, %convert_element_type3A_117, %cond3A_118 : i32
    scf.if %cond3A_119 {
      %run_scoped3A = arith.constant 2 : i32
      "tpu.region"() ({
        %run_scoped3A_139 = tpu.sem_alloc : memref<!tpu.dma_semaphore, #tpu.memory_space<semaphore_mem>>
        %dma_start3A_140 = arith.constant 0 : i32
        %dma_start3A_141 = tpu.memref_slice %arg7[%run_scoped3A, %add3A_109, %dma_start3A_140] : memref<4x50000x16xf32, #tpu.memory_space<hbm>> -> memref<1x1480x16xf32, #tpu.memory_space<hbm>>
        %dma_start3A_142 = tpu.memref_squeeze %dma_start3A_141 : memref<1x1480x16xf32, #tpu.memory_space<hbm>> -> memref<1480x16xf32, #tpu.memory_space<hbm>>
        %dma_start3A_143 = arith.constant 0 : i32
        %dma_start3A_144 = tpu.memref_slice %arg8[%add3A_104, %dma_start3A_143] : memref<102400x16xf32, #tpu.memory_space<vmem_shared>> -> memref<1480x16xf32, #tpu.memory_space<vmem_shared>>
        tpu.enqueue_dma source(%dma_start3A_144 : memref<1480x16xf32, #tpu.memory_space<vmem_shared>>) target(%dma_start3A_142 : memref<1480x16xf32, #tpu.memory_space<hbm>>) target_semaphore(%run_scoped3A_139 : memref<!tpu.dma_semaphore, #tpu.memory_space<semaphore_mem>>)
        %dma_wait3A_145 = arith.constant 0 : i32
        %dma_wait3A_146 = tpu.memref_slice %arg7[%run_scoped3A, %add3A_109, %dma_wait3A_145] : memref<4x50000x16xf32, #tpu.memory_space<hbm>> -> memref<1x1480x16xf32, #tpu.memory_space<hbm>>
        %dma_wait3A_147 = tpu.memref_squeeze %dma_wait3A_146 : memref<1x1480x16xf32, #tpu.memory_space<hbm>> -> memref<1480x16xf32, #tpu.memory_space<hbm>>
        %dma_wait3A_148 = arith.constant 0 : i32
        %dma_wait3A_149 = tpu.memref_slice %arg8[%add3A_104, %dma_wait3A_148] : memref<102400x16xf32, #tpu.memory_space<vmem_shared>> -> memref<1480x16xf32, #tpu.memory_space<vmem_shared>>
        tpu.wait_dma2 semaphore(%run_scoped3A_139 : memref<!tpu.dma_semaphore, #tpu.memory_space<semaphore_mem>>) src(%dma_wait3A_149 : memref<1480x16xf32, #tpu.memory_space<vmem_shared>>) dst(%dma_wait3A_147 : memref<1480x16xf32, #tpu.memory_space<hbm>>)
        tpu.yield
      }) : () -> ()
    } else {
    }
    %mul3A_120 = arith.constant 1568 : i32
    %mul3A_121 = arith.muli %arg1, %mul3A_120 : i32
    %add3A_122 = arith.constant 76800 : i32
    %add3A_123 = arith.addi %add3A_122, %mul3A_121 : i32
    %mul3A_124 = arith.constant 25000 : i32
    %mul3A_125 = arith.muli %arg0, %mul3A_124 : i32
    %mul3A_126 = arith.constant 1568 : i32
    %mul3A_127 = arith.muli %arg1, %mul3A_126 : i32
    %add3A_128 = arith.addi %mul3A_125, %mul3A_127 : i32
    %lt3A_129 = arith.constant 15 : i32
    %lt3A_130 = arith.cmpi slt, %arg1, %lt3A_129 : i32
    %convert_element_type3A_131 = arith.extui %lt3A_130 : i1 to i32
    %cond3A_132 = arith.constant 0 : i32
    %cond3A_133 = arith.cmpi ne, %convert_element_type3A_131, %cond3A_132 : i32
    scf.if %cond3A_133 {
      %run_scoped3A = arith.constant 3 : i32
      "tpu.region"() ({
        %run_scoped3A_139 = tpu.sem_alloc : memref<!tpu.dma_semaphore, #tpu.memory_space<semaphore_mem>>
        %dma_start3A_140 = arith.constant 0 : i32
        %dma_start3A_141 = tpu.memref_slice %arg7[%run_scoped3A, %add3A_128, %dma_start3A_140] : memref<4x50000x16xf32, #tpu.memory_space<hbm>> -> memref<1x1568x16xf32, #tpu.memory_space<hbm>>
        %dma_start3A_142 = tpu.memref_squeeze %dma_start3A_141 : memref<1x1568x16xf32, #tpu.memory_space<hbm>> -> memref<1568x16xf32, #tpu.memory_space<hbm>>
        %dma_start3A_143 = arith.constant 0 : i32
        %dma_start3A_144 = tpu.memref_slice %arg8[%add3A_123, %dma_start3A_143] : memref<102400x16xf32, #tpu.memory_space<vmem_shared>> -> memref<1568x16xf32, #tpu.memory_space<vmem_shared>>
        tpu.enqueue_dma source(%dma_start3A_144 : memref<1568x16xf32, #tpu.memory_space<vmem_shared>>) target(%dma_start3A_142 : memref<1568x16xf32, #tpu.memory_space<hbm>>) target_semaphore(%run_scoped3A_139 : memref<!tpu.dma_semaphore, #tpu.memory_space<semaphore_mem>>)
        %dma_wait3A_145 = arith.constant 0 : i32
        %dma_wait3A_146 = tpu.memref_slice %arg7[%run_scoped3A, %add3A_128, %dma_wait3A_145] : memref<4x50000x16xf32, #tpu.memory_space<hbm>> -> memref<1x1568x16xf32, #tpu.memory_space<hbm>>
        %dma_wait3A_147 = tpu.memref_squeeze %dma_wait3A_146 : memref<1x1568x16xf32, #tpu.memory_space<hbm>> -> memref<1568x16xf32, #tpu.memory_space<hbm>>
        %dma_wait3A_148 = arith.constant 0 : i32
        %dma_wait3A_149 = tpu.memref_slice %arg8[%add3A_123, %dma_wait3A_148] : memref<102400x16xf32, #tpu.memory_space<vmem_shared>> -> memref<1568x16xf32, #tpu.memory_space<vmem_shared>>
        tpu.wait_dma2 semaphore(%run_scoped3A_139 : memref<!tpu.dma_semaphore, #tpu.memory_space<semaphore_mem>>) src(%dma_wait3A_149 : memref<1568x16xf32, #tpu.memory_space<vmem_shared>>) dst(%dma_wait3A_147 : memref<1568x16xf32, #tpu.memory_space<hbm>>)
        tpu.yield
      }) : () -> ()
    } else {
    }
    %eq3A_134 = arith.constant 15 : i32
    %eq3A_135 = arith.cmpi eq, %arg1, %eq3A_134 : i32
    %convert_element_type3A_136 = arith.extui %eq3A_135 : i1 to i32
    %cond3A_137 = arith.constant 0 : i32
    %cond3A_138 = arith.cmpi ne, %convert_element_type3A_136, %cond3A_137 : i32
    scf.if %cond3A_138 {
      %run_scoped3A = arith.constant 3 : i32
      "tpu.region"() ({
        %run_scoped3A_139 = tpu.sem_alloc : memref<!tpu.dma_semaphore, #tpu.memory_space<semaphore_mem>>
        %dma_start3A_140 = arith.constant 0 : i32
        %dma_start3A_141 = tpu.memref_slice %arg7[%run_scoped3A, %add3A_128, %dma_start3A_140] : memref<4x50000x16xf32, #tpu.memory_space<hbm>> -> memref<1x1480x16xf32, #tpu.memory_space<hbm>>
        %dma_start3A_142 = tpu.memref_squeeze %dma_start3A_141 : memref<1x1480x16xf32, #tpu.memory_space<hbm>> -> memref<1480x16xf32, #tpu.memory_space<hbm>>
        %dma_start3A_143 = arith.constant 0 : i32
        %dma_start3A_144 = tpu.memref_slice %arg8[%add3A_123, %dma_start3A_143] : memref<102400x16xf32, #tpu.memory_space<vmem_shared>> -> memref<1480x16xf32, #tpu.memory_space<vmem_shared>>
        tpu.enqueue_dma source(%dma_start3A_144 : memref<1480x16xf32, #tpu.memory_space<vmem_shared>>) target(%dma_start3A_142 : memref<1480x16xf32, #tpu.memory_space<hbm>>) target_semaphore(%run_scoped3A_139 : memref<!tpu.dma_semaphore, #tpu.memory_space<semaphore_mem>>)
        %dma_wait3A_145 = arith.constant 0 : i32
        %dma_wait3A_146 = tpu.memref_slice %arg7[%run_scoped3A, %add3A_128, %dma_wait3A_145] : memref<4x50000x16xf32, #tpu.memory_space<hbm>> -> memref<1x1480x16xf32, #tpu.memory_space<hbm>>
        %dma_wait3A_147 = tpu.memref_squeeze %dma_wait3A_146 : memref<1x1480x16xf32, #tpu.memory_space<hbm>> -> memref<1480x16xf32, #tpu.memory_space<hbm>>
        %dma_wait3A_148 = arith.constant 0 : i32
        %dma_wait3A_149 = tpu.memref_slice %arg8[%add3A_123, %dma_wait3A_148] : memref<102400x16xf32, #tpu.memory_space<vmem_shared>> -> memref<1480x16xf32, #tpu.memory_space<vmem_shared>>
        tpu.wait_dma2 semaphore(%run_scoped3A_139 : memref<!tpu.dma_semaphore, #tpu.memory_space<semaphore_mem>>) src(%dma_wait3A_149 : memref<1480x16xf32, #tpu.memory_space<vmem_shared>>) dst(%dma_wait3A_147 : memref<1480x16xf32, #tpu.memory_space<hbm>>)
        tpu.yield
      }) : () -> ()
    } else {
    }
    return
  }
}

module attributes {stable_mosaic.version = 14 : i64} {
  func.func @_dense_body(%arg0: i32, %arg1: memref<4x4096x16xf32, #tpu.memory_space<vmem>>, %arg2: memref<4x12x4096xf32, #tpu.memory_space<vmem>>, %arg3: memref<4x12x4096xf32, #tpu.memory_space<vmem>>, %arg4: memref<4x1x4096xf32, #tpu.memory_space<vmem>>, %arg5: memref<4x1x4096xf32, #tpu.memory_space<vmem>>, %arg6: memref<12x4096xf32, #tpu.memory_space<vmem>>, %arg7: memref<12x4096xf32, #tpu.memory_space<vmem>>, %arg8: memref<12x4096xf32, #tpu.memory_space<vmem>>, %arg9: memref<12x4096xf32, #tpu.memory_space<vmem>>, %arg10: memref<12x4096xf32, #tpu.memory_space<vmem>>, %arg11: memref<12x4096xf32, #tpu.memory_space<vmem>>, %arg12: memref<1x4096xf32, #tpu.memory_space<vmem>>, %arg13: memref<1x4096xf32, #tpu.memory_space<vmem>>, %arg14: memref<1x4096xf32, #tpu.memory_space<vmem>>, %arg15: memref<1x4096xf32, #tpu.memory_space<vmem>>, %arg16: memref<1x4096xf32, #tpu.memory_space<vmem>>, %arg17: memref<1x4096xf32, #tpu.memory_space<vmem>>, %arg18: memref<1x4096xf32, #tpu.memory_space<vmem>>, %arg19: memref<1x4096xf32, #tpu.memory_space<vmem>>, %arg20: memref<1x4096xf32, #tpu.memory_space<vmem>>, %arg21: memref<1x4096xf32, #tpu.memory_space<vmem>>, %arg22: memref<1x4096xf32, #tpu.memory_space<vmem>>, %arg23: memref<12x4096xf32, #tpu.memory_space<vmem>>, %arg24: memref<12x4096xf32, #tpu.memory_space<vmem>>, %arg25: memref<12x4096xf32, #tpu.memory_space<vmem>>, %arg26: memref<12x4096xf32, #tpu.memory_space<vmem>>, %arg27: memref<12x4096xf32, #tpu.memory_space<vmem>>, %arg28: memref<4x12x4096xf32, #tpu.memory_space<vmem>>, %arg29: memref<4x12x4096xf32, #tpu.memory_space<vmem>>) attributes {dimension_semantics = [#tpu.dimension_semantics<arbitrary>], iteration_bounds = array<i64: 13>, scalar_prefetch = 0 : i64, scratch_operands = 0 : i64, tpu.core_type = #tpu.core_type<tc>, window_params = [{transform_indices = @transform_0, window_bounds = array<i64: 4, 4096, 16>}, {transform_indices = @transform_1, window_bounds = array<i64: 4, 12, 4096>}, {transform_indices = @transform_2, window_bounds = array<i64: 4, 12, 4096>}, {transform_indices = @transform_3, window_bounds = array<i64: 4, 1, 4096>}, {transform_indices = @transform_4, window_bounds = array<i64: 4, 1, 4096>}, {transform_indices = @transform_5, window_bounds = array<i64: 12, 4096>}, {transform_indices = @transform_6, window_bounds = array<i64: 12, 4096>}, {transform_indices = @transform_7, window_bounds = array<i64: 12, 4096>}, {transform_indices = @transform_8, window_bounds = array<i64: 12, 4096>}, {transform_indices = @transform_9, window_bounds = array<i64: 12, 4096>}, {transform_indices = @transform_10, window_bounds = array<i64: 12, 4096>}, {transform_indices = @transform_11, window_bounds = array<i64: 1, 4096>}, {transform_indices = @transform_12, window_bounds = array<i64: 1, 4096>}, {transform_indices = @transform_13, window_bounds = array<i64: 1, 4096>}, {transform_indices = @transform_14, window_bounds = array<i64: 1, 4096>}, {transform_indices = @transform_15, window_bounds = array<i64: 1, 4096>}, {transform_indices = @transform_16, window_bounds = array<i64: 1, 4096>}, {transform_indices = @transform_17, window_bounds = array<i64: 1, 4096>}, {transform_indices = @transform_18, window_bounds = array<i64: 1, 4096>}, {transform_indices = @transform_19, window_bounds = array<i64: 1, 4096>}, {transform_indices = @transform_20, window_bounds = array<i64: 1, 4096>}, {transform_indices = @transform_21, window_bounds = array<i64: 1, 4096>}, {transform_indices = @transform_22, window_bounds = array<i64: 12, 4096>}, {transform_indices = @transform_23, window_bounds = array<i64: 12, 4096>}, {transform_indices = @transform_24, window_bounds = array<i64: 12, 4096>}, {transform_indices = @transform_25, window_bounds = array<i64: 12, 4096>}, {transform_indices = @transform_26, window_bounds = array<i64: 12, 4096>}, {transform_indices = @transform_27, window_bounds = array<i64: 4, 12, 4096>}, {transform_indices = @transform_28, window_bounds = array<i64: 4, 12, 4096>}]} {
    %get3A = arith.constant 0 : index
    %get3A_0 = arith.constant 0 : index
    %get3A_1 = arith.constant 0 : index
    %get3A_2 = vector.load %arg2[%get3A, %get3A_0, %get3A_1] : memref<4x12x4096xf32, #tpu.memory_space<vmem>>, vector<4x12x4096xf32>
    %get3A_3 = arith.constant 0 : index
    %get3A_4 = arith.constant 0 : index
    %get3A_5 = arith.constant 0 : index
    %get3A_6 = vector.load %arg3[%get3A_3, %get3A_4, %get3A_5] : memref<4x12x4096xf32, #tpu.memory_space<vmem>>, vector<4x12x4096xf32>
    %get3A_7 = arith.constant 0 : index
    %get3A_8 = arith.constant 0 : index
    %get3A_9 = arith.constant 0 : index
    %get3A_10 = vector.load %arg4[%get3A_7, %get3A_8, %get3A_9] : memref<4x1x4096xf32, #tpu.memory_space<vmem>>, vector<4x1x4096xf32>
    %get3A_11 = arith.constant 0 : index
    %get3A_12 = arith.constant 0 : index
    %get3A_13 = arith.constant 0 : index
    %get3A_14 = vector.load %arg5[%get3A_11, %get3A_12, %get3A_13] : memref<4x1x4096xf32, #tpu.memory_space<vmem>>, vector<4x1x4096xf32>
    %get3A_15 = arith.constant 0 : index
    %get3A_16 = arith.constant 0 : index
    %get3A_17 = arith.constant 0 : index
    %get3A_18 = vector.load %arg1[%get3A_15, %get3A_16, %get3A_17] : memref<4x4096x16xf32, #tpu.memory_space<vmem>>, vector<1x4096x16xf32>
    %get3A_19 = vector.shape_cast %get3A_18 : vector<1x4096x16xf32> to vector<4096x16xf32>
    %transpose3A = tpu.transpose %get3A_19, [1, 0] : vector<4096x16xf32> -> vector<16x4096xf32>
    %slice3A = vector.extract_strided_slice %transpose3A {offsets = [0, 0], sizes = [12, 4096], strides = [1, 1]} : vector<16x4096xf32> to vector<12x4096xf32>
    %slice3A_20 = vector.extract_strided_slice %get3A_10 {offsets = [0, 0, 0], sizes = [1, 1, 4096], strides = [1, 1, 1]} : vector<4x1x4096xf32> to vector<1x1x4096xf32>
    %squeeze3A = vector.shape_cast %slice3A_20 : vector<1x1x4096xf32> to vector<1x4096xf32>
    %slice3A_21 = vector.extract_strided_slice %get3A_2 {offsets = [0, 0, 0], sizes = [1, 12, 4096], strides = [1, 1, 1]} : vector<4x12x4096xf32> to vector<1x12x4096xf32>
    %squeeze3A_22 = vector.shape_cast %slice3A_21 : vector<1x12x4096xf32> to vector<12x4096xf32>
    %mul3A = vector.broadcast %squeeze3A : vector<1x4096xf32> to vector<12x4096xf32>
    %mul3A_23 = arith.mulf %mul3A, %squeeze3A_22 : vector<12x4096xf32>
    %slice3A_24 = vector.extract_strided_slice %get3A_14 {offsets = [0, 0, 0], sizes = [1, 1, 4096], strides = [1, 1, 1]} : vector<4x1x4096xf32> to vector<1x1x4096xf32>
    %squeeze3A_25 = vector.shape_cast %slice3A_24 : vector<1x1x4096xf32> to vector<1x4096xf32>
    %mul3A_26 = vector.broadcast %squeeze3A_25 : vector<1x4096xf32> to vector<12x4096xf32>
    %mul3A_27 = arith.mulf %slice3A, %mul3A_26 : vector<12x4096xf32>
    %add3A = arith.addf %mul3A_23, %mul3A_27 : vector<12x4096xf32>
    %swap3A = arith.constant 0 : index
    %swap3A_28 = arith.constant 0 : index
    %swap3A_29 = arith.constant 0 : index
    %swap3A_30 = vector.load %arg28[%swap3A, %swap3A_28, %swap3A_29] : memref<4x12x4096xf32, #tpu.memory_space<vmem>>, vector<1x12x4096xf32>
    %swap3A_31 = vector.shape_cast %swap3A_30 : vector<1x12x4096xf32> to vector<12x4096xf32>
    %swap3A_32 = vector.shape_cast %add3A : vector<12x4096xf32> to vector<1x12x4096xf32>
    tpu.vector_store %arg28[%swap3A, %swap3A_28, %swap3A_29], %swap3A_32 {strides = array<i32>} : memref<4x12x4096xf32, #tpu.memory_space<vmem>>, vector<1x12x4096xf32>,
    %slice3A_33 = vector.extract_strided_slice %get3A_6 {offsets = [0, 0, 0], sizes = [1, 12, 4096], strides = [1, 1, 1]} : vector<4x12x4096xf32> to vector<1x12x4096xf32>
    %squeeze3A_34 = vector.shape_cast %slice3A_33 : vector<1x12x4096xf32> to vector<12x4096xf32>
    %slice3A_35 = vector.extract_strided_slice %get3A_10 {offsets = [0, 0, 0], sizes = [1, 1, 4096], strides = [1, 1, 1]} : vector<4x1x4096xf32> to vector<1x1x4096xf32>
    %squeeze3A_36 = vector.shape_cast %slice3A_35 : vector<1x1x4096xf32> to vector<1x4096xf32>
    %mul3A_37 = vector.broadcast %squeeze3A_36 : vector<1x4096xf32> to vector<12x4096xf32>
    %mul3A_38 = arith.mulf %squeeze3A_34, %mul3A_37 : vector<12x4096xf32>
    %slice3A_39 = vector.extract_strided_slice %get3A_10 {offsets = [0, 0, 0], sizes = [1, 1, 4096], strides = [1, 1, 1]} : vector<4x1x4096xf32> to vector<1x1x4096xf32>
    %squeeze3A_40 = vector.shape_cast %slice3A_39 : vector<1x1x4096xf32> to vector<1x4096xf32>
    %mul3A_41 = arith.constant 1.000000e+00 : f32
    %mul3A_42 = vector.broadcast %mul3A_41 : f32 to vector<1x4096xf32>
    %mul3A_43 = arith.mulf %mul3A_42, %squeeze3A_40 : vector<1x4096xf32>
    %slice3A_44 = vector.extract_strided_slice %get3A_2 {offsets = [0, 0, 0], sizes = [1, 12, 4096], strides = [1, 1, 1]} : vector<4x12x4096xf32> to vector<1x12x4096xf32>
    %squeeze3A_45 = vector.shape_cast %slice3A_44 : vector<1x12x4096xf32> to vector<12x4096xf32>
    %mul3A_46 = vector.broadcast %mul3A_43 : vector<1x4096xf32> to vector<12x4096xf32>
    %mul3A_47 = arith.mulf %mul3A_46, %squeeze3A_45 : vector<12x4096xf32>
    %add3A_48 = arith.addf %mul3A_38, %mul3A_47 : vector<12x4096xf32>
    %swap3A_49 = arith.constant 0 : index
    %swap3A_50 = arith.constant 0 : index
    %swap3A_51 = arith.constant 0 : index
    %swap3A_52 = vector.load %arg29[%swap3A_49, %swap3A_50, %swap3A_51] : memref<4x12x4096xf32, #tpu.memory_space<vmem>>, vector<1x12x4096xf32>
    %swap3A_53 = vector.shape_cast %swap3A_52 : vector<1x12x4096xf32> to vector<12x4096xf32>
    %swap3A_54 = vector.shape_cast %add3A_48 : vector<12x4096xf32> to vector<1x12x4096xf32>
    tpu.vector_store %arg29[%swap3A_49, %swap3A_50, %swap3A_51], %swap3A_54 {strides = array<i32>} : memref<4x12x4096xf32, #tpu.memory_space<vmem>>, vector<1x12x4096xf32>,
    %get3A_55 = arith.constant 1 : index
    %get3A_56 = arith.constant 0 : index
    %get3A_57 = arith.constant 0 : index
    %get3A_58 = vector.load %arg1[%get3A_55, %get3A_56, %get3A_57] : memref<4x4096x16xf32, #tpu.memory_space<vmem>>, vector<1x4096x16xf32>
    %get3A_59 = vector.shape_cast %get3A_58 : vector<1x4096x16xf32> to vector<4096x16xf32>
    %transpose3A_60 = tpu.transpose %get3A_59, [1, 0] : vector<4096x16xf32> -> vector<16x4096xf32>
    %slice3A_61 = vector.extract_strided_slice %transpose3A_60 {offsets = [0, 0], sizes = [12, 4096], strides = [1, 1]} : vector<16x4096xf32> to vector<12x4096xf32>
    %slice3A_62 = vector.extract_strided_slice %get3A_10 {offsets = [1, 0, 0], sizes = [1, 1, 4096], strides = [1, 1, 1]} : vector<4x1x4096xf32> to vector<1x1x4096xf32>
    %squeeze3A_63 = vector.shape_cast %slice3A_62 : vector<1x1x4096xf32> to vector<1x4096xf32>
    %slice3A_64 = vector.extract_strided_slice %get3A_2 {offsets = [1, 0, 0], sizes = [1, 12, 4096], strides = [1, 1, 1]} : vector<4x12x4096xf32> to vector<1x12x4096xf32>
    %squeeze3A_65 = vector.shape_cast %slice3A_64 : vector<1x12x4096xf32> to vector<12x4096xf32>
    %mul3A_66 = vector.broadcast %squeeze3A_63 : vector<1x4096xf32> to vector<12x4096xf32>
    %mul3A_67 = arith.mulf %mul3A_66, %squeeze3A_65 : vector<12x4096xf32>
    %slice3A_68 = vector.extract_strided_slice %get3A_14 {offsets = [1, 0, 0], sizes = [1, 1, 4096], strides = [1, 1, 1]} : vector<4x1x4096xf32> to vector<1x1x4096xf32>
    %squeeze3A_69 = vector.shape_cast %slice3A_68 : vector<1x1x4096xf32> to vector<1x4096xf32>
    %mul3A_70 = vector.broadcast %squeeze3A_69 : vector<1x4096xf32> to vector<12x4096xf32>
    %mul3A_71 = arith.mulf %slice3A_61, %mul3A_70 : vector<12x4096xf32>
    %add3A_72 = arith.addf %mul3A_67, %mul3A_71 : vector<12x4096xf32>
    %swap3A_73 = arith.constant 1 : index
    %swap3A_74 = arith.constant 0 : index
    %swap3A_75 = arith.constant 0 : index
    %swap3A_76 = vector.load %arg28[%swap3A_73, %swap3A_74, %swap3A_75] : memref<4x12x4096xf32, #tpu.memory_space<vmem>>, vector<1x12x4096xf32>
    %swap3A_77 = vector.shape_cast %swap3A_76 : vector<1x12x4096xf32> to vector<12x4096xf32>
    %swap3A_78 = vector.shape_cast %add3A_72 : vector<12x4096xf32> to vector<1x12x4096xf32>
    tpu.vector_store %arg28[%swap3A_73, %swap3A_74, %swap3A_75], %swap3A_78 {strides = array<i32>} : memref<4x12x4096xf32, #tpu.memory_space<vmem>>, vector<1x12x4096xf32>,
    %slice3A_79 = vector.extract_strided_slice %get3A_6 {offsets = [1, 0, 0], sizes = [1, 12, 4096], strides = [1, 1, 1]} : vector<4x12x4096xf32> to vector<1x12x4096xf32>
    %squeeze3A_80 = vector.shape_cast %slice3A_79 : vector<1x12x4096xf32> to vector<12x4096xf32>
    %slice3A_81 = vector.extract_strided_slice %get3A_10 {offsets = [1, 0, 0], sizes = [1, 1, 4096], strides = [1, 1, 1]} : vector<4x1x4096xf32> to vector<1x1x4096xf32>
    %squeeze3A_82 = vector.shape_cast %slice3A_81 : vector<1x1x4096xf32> to vector<1x4096xf32>
    %mul3A_83 = vector.broadcast %squeeze3A_82 : vector<1x4096xf32> to vector<12x4096xf32>
    %mul3A_84 = arith.mulf %squeeze3A_80, %mul3A_83 : vector<12x4096xf32>
    %slice3A_85 = vector.extract_strided_slice %get3A_10 {offsets = [1, 0, 0], sizes = [1, 1, 4096], strides = [1, 1, 1]} : vector<4x1x4096xf32> to vector<1x1x4096xf32>
    %squeeze3A_86 = vector.shape_cast %slice3A_85 : vector<1x1x4096xf32> to vector<1x4096xf32>
    %mul3A_87 = arith.constant 1.000000e+00 : f32
    %mul3A_88 = vector.broadcast %mul3A_87 : f32 to vector<1x4096xf32>
    %mul3A_89 = arith.mulf %mul3A_88, %squeeze3A_86 : vector<1x4096xf32>
    %slice3A_90 = vector.extract_strided_slice %get3A_2 {offsets = [1, 0, 0], sizes = [1, 12, 4096], strides = [1, 1, 1]} : vector<4x12x4096xf32> to vector<1x12x4096xf32>
    %squeeze3A_91 = vector.shape_cast %slice3A_90 : vector<1x12x4096xf32> to vector<12x4096xf32>
    %mul3A_92 = vector.broadcast %mul3A_89 : vector<1x4096xf32> to vector<12x4096xf32>
    %mul3A_93 = arith.mulf %mul3A_92, %squeeze3A_91 : vector<12x4096xf32>
    %add3A_94 = arith.addf %mul3A_84, %mul3A_93 : vector<12x4096xf32>
    %swap3A_95 = arith.constant 1 : index
    %swap3A_96 = arith.constant 0 : index
    %swap3A_97 = arith.constant 0 : index
    %swap3A_98 = vector.load %arg29[%swap3A_95, %swap3A_96, %swap3A_97] : memref<4x12x4096xf32, #tpu.memory_space<vmem>>, vector<1x12x4096xf32>
    %swap3A_99 = vector.shape_cast %swap3A_98 : vector<1x12x4096xf32> to vector<12x4096xf32>
    %swap3A_100 = vector.shape_cast %add3A_94 : vector<12x4096xf32> to vector<1x12x4096xf32>
    tpu.vector_store %arg29[%swap3A_95, %swap3A_96, %swap3A_97], %swap3A_100 {strides = array<i32>} : memref<4x12x4096xf32, #tpu.memory_space<vmem>>, vector<1x12x4096xf32>,
    %get3A_101 = arith.constant 2 : index
    %get3A_102 = arith.constant 0 : index
    %get3A_103 = arith.constant 0 : index
    %get3A_104 = vector.load %arg1[%get3A_101, %get3A_102, %get3A_103] : memref<4x4096x16xf32, #tpu.memory_space<vmem>>, vector<1x4096x16xf32>
    %get3A_105 = vector.shape_cast %get3A_104 : vector<1x4096x16xf32> to vector<4096x16xf32>
    %transpose3A_106 = tpu.transpose %get3A_105, [1, 0] : vector<4096x16xf32> -> vector<16x4096xf32>
    %slice3A_107 = vector.extract_strided_slice %transpose3A_106 {offsets = [0, 0], sizes = [12, 4096], strides = [1, 1]} : vector<16x4096xf32> to vector<12x4096xf32>
    %slice3A_108 = vector.extract_strided_slice %get3A_10 {offsets = [2, 0, 0], sizes = [1, 1, 4096], strides = [1, 1, 1]} : vector<4x1x4096xf32> to vector<1x1x4096xf32>
    %squeeze3A_109 = vector.shape_cast %slice3A_108 : vector<1x1x4096xf32> to vector<1x4096xf32>
    %slice3A_110 = vector.extract_strided_slice %get3A_2 {offsets = [2, 0, 0], sizes = [1, 12, 4096], strides = [1, 1, 1]} : vector<4x12x4096xf32> to vector<1x12x4096xf32>
    %squeeze3A_111 = vector.shape_cast %slice3A_110 : vector<1x12x4096xf32> to vector<12x4096xf32>
    %mul3A_112 = vector.broadcast %squeeze3A_109 : vector<1x4096xf32> to vector<12x4096xf32>
    %mul3A_113 = arith.mulf %mul3A_112, %squeeze3A_111 : vector<12x4096xf32>
    %slice3A_114 = vector.extract_strided_slice %get3A_14 {offsets = [2, 0, 0], sizes = [1, 1, 4096], strides = [1, 1, 1]} : vector<4x1x4096xf32> to vector<1x1x4096xf32>
    %squeeze3A_115 = vector.shape_cast %slice3A_114 : vector<1x1x4096xf32> to vector<1x4096xf32>
    %mul3A_116 = vector.broadcast %squeeze3A_115 : vector<1x4096xf32> to vector<12x4096xf32>
    %mul3A_117 = arith.mulf %slice3A_107, %mul3A_116 : vector<12x4096xf32>
    %add3A_118 = arith.addf %mul3A_113, %mul3A_117 : vector<12x4096xf32>
    %swap3A_119 = arith.constant 2 : index
    %swap3A_120 = arith.constant 0 : index
    %swap3A_121 = arith.constant 0 : index
    %swap3A_122 = vector.load %arg28[%swap3A_119, %swap3A_120, %swap3A_121] : memref<4x12x4096xf32, #tpu.memory_space<vmem>>, vector<1x12x4096xf32>
    %swap3A_123 = vector.shape_cast %swap3A_122 : vector<1x12x4096xf32> to vector<12x4096xf32>
    %swap3A_124 = vector.shape_cast %add3A_118 : vector<12x4096xf32> to vector<1x12x4096xf32>
    tpu.vector_store %arg28[%swap3A_119, %swap3A_120, %swap3A_121], %swap3A_124 {strides = array<i32>} : memref<4x12x4096xf32, #tpu.memory_space<vmem>>, vector<1x12x4096xf32>,
    %slice3A_125 = vector.extract_strided_slice %get3A_6 {offsets = [2, 0, 0], sizes = [1, 12, 4096], strides = [1, 1, 1]} : vector<4x12x4096xf32> to vector<1x12x4096xf32>
    %squeeze3A_126 = vector.shape_cast %slice3A_125 : vector<1x12x4096xf32> to vector<12x4096xf32>
    %slice3A_127 = vector.extract_strided_slice %get3A_10 {offsets = [2, 0, 0], sizes = [1, 1, 4096], strides = [1, 1, 1]} : vector<4x1x4096xf32> to vector<1x1x4096xf32>
    %squeeze3A_128 = vector.shape_cast %slice3A_127 : vector<1x1x4096xf32> to vector<1x4096xf32>
    %mul3A_129 = vector.broadcast %squeeze3A_128 : vector<1x4096xf32> to vector<12x4096xf32>
    %mul3A_130 = arith.mulf %squeeze3A_126, %mul3A_129 : vector<12x4096xf32>
    %slice3A_131 = vector.extract_strided_slice %get3A_10 {offsets = [2, 0, 0], sizes = [1, 1, 4096], strides = [1, 1, 1]} : vector<4x1x4096xf32> to vector<1x1x4096xf32>
    %squeeze3A_132 = vector.shape_cast %slice3A_131 : vector<1x1x4096xf32> to vector<1x4096xf32>
    %mul3A_133 = arith.constant 1.000000e+00 : f32
    %mul3A_134 = vector.broadcast %mul3A_133 : f32 to vector<1x4096xf32>
    %mul3A_135 = arith.mulf %mul3A_134, %squeeze3A_132 : vector<1x4096xf32>
    %slice3A_136 = vector.extract_strided_slice %get3A_2 {offsets = [2, 0, 0], sizes = [1, 12, 4096], strides = [1, 1, 1]} : vector<4x12x4096xf32> to vector<1x12x4096xf32>
    %squeeze3A_137 = vector.shape_cast %slice3A_136 : vector<1x12x4096xf32> to vector<12x4096xf32>
    %mul3A_138 = vector.broadcast %mul3A_135 : vector<1x4096xf32> to vector<12x4096xf32>
    %mul3A_139 = arith.mulf %mul3A_138, %squeeze3A_137 : vector<12x4096xf32>
    %add3A_140 = arith.addf %mul3A_130, %mul3A_139 : vector<12x4096xf32>
    %swap3A_141 = arith.constant 2 : index
    %swap3A_142 = arith.constant 0 : index
    %swap3A_143 = arith.constant 0 : index
    %swap3A_144 = vector.load %arg29[%swap3A_141, %swap3A_142, %swap3A_143] : memref<4x12x4096xf32, #tpu.memory_space<vmem>>, vector<1x12x4096xf32>
    %swap3A_145 = vector.shape_cast %swap3A_144 : vector<1x12x4096xf32> to vector<12x4096xf32>
    %swap3A_146 = vector.shape_cast %add3A_140 : vector<12x4096xf32> to vector<1x12x4096xf32>
    tpu.vector_store %arg29[%swap3A_141, %swap3A_142, %swap3A_143], %swap3A_146 {strides = array<i32>} : memref<4x12x4096xf32, #tpu.memory_space<vmem>>, vector<1x12x4096xf32>,
    %get3A_147 = arith.constant 3 : index
    %get3A_148 = arith.constant 0 : index
    %get3A_149 = arith.constant 0 : index
    %get3A_150 = vector.load %arg1[%get3A_147, %get3A_148, %get3A_149] : memref<4x4096x16xf32, #tpu.memory_space<vmem>>, vector<1x4096x16xf32>
    %get3A_151 = vector.shape_cast %get3A_150 : vector<1x4096x16xf32> to vector<4096x16xf32>
    %transpose3A_152 = tpu.transpose %get3A_151, [1, 0] : vector<4096x16xf32> -> vector<16x4096xf32>
    %slice3A_153 = vector.extract_strided_slice %transpose3A_152 {offsets = [0, 0], sizes = [12, 4096], strides = [1, 1]} : vector<16x4096xf32> to vector<12x4096xf32>
    %slice3A_154 = vector.extract_strided_slice %get3A_10 {offsets = [3, 0, 0], sizes = [1, 1, 4096], strides = [1, 1, 1]} : vector<4x1x4096xf32> to vector<1x1x4096xf32>
    %squeeze3A_155 = vector.shape_cast %slice3A_154 : vector<1x1x4096xf32> to vector<1x4096xf32>
    %slice3A_156 = vector.extract_strided_slice %get3A_2 {offsets = [3, 0, 0], sizes = [1, 12, 4096], strides = [1, 1, 1]} : vector<4x12x4096xf32> to vector<1x12x4096xf32>
    %squeeze3A_157 = vector.shape_cast %slice3A_156 : vector<1x12x4096xf32> to vector<12x4096xf32>
    %mul3A_158 = vector.broadcast %squeeze3A_155 : vector<1x4096xf32> to vector<12x4096xf32>
    %mul3A_159 = arith.mulf %mul3A_158, %squeeze3A_157 : vector<12x4096xf32>
    %slice3A_160 = vector.extract_strided_slice %get3A_14 {offsets = [3, 0, 0], sizes = [1, 1, 4096], strides = [1, 1, 1]} : vector<4x1x4096xf32> to vector<1x1x4096xf32>
    %squeeze3A_161 = vector.shape_cast %slice3A_160 : vector<1x1x4096xf32> to vector<1x4096xf32>
    %mul3A_162 = vector.broadcast %squeeze3A_161 : vector<1x4096xf32> to vector<12x4096xf32>
    %mul3A_163 = arith.mulf %slice3A_153, %mul3A_162 : vector<12x4096xf32>
    %add3A_164 = arith.addf %mul3A_159, %mul3A_163 : vector<12x4096xf32>
    %swap3A_165 = arith.constant 3 : index
    %swap3A_166 = arith.constant 0 : index
    %swap3A_167 = arith.constant 0 : index
    %swap3A_168 = vector.load %arg28[%swap3A_165, %swap3A_166, %swap3A_167] : memref<4x12x4096xf32, #tpu.memory_space<vmem>>, vector<1x12x4096xf32>
    %swap3A_169 = vector.shape_cast %swap3A_168 : vector<1x12x4096xf32> to vector<12x4096xf32>
    %swap3A_170 = vector.shape_cast %add3A_164 : vector<12x4096xf32> to vector<1x12x4096xf32>
    tpu.vector_store %arg28[%swap3A_165, %swap3A_166, %swap3A_167], %swap3A_170 {strides = array<i32>} : memref<4x12x4096xf32, #tpu.memory_space<vmem>>, vector<1x12x4096xf32>,
    %slice3A_171 = vector.extract_strided_slice %get3A_6 {offsets = [3, 0, 0], sizes = [1, 12, 4096], strides = [1, 1, 1]} : vector<4x12x4096xf32> to vector<1x12x4096xf32>
    %squeeze3A_172 = vector.shape_cast %slice3A_171 : vector<1x12x4096xf32> to vector<12x4096xf32>
    %slice3A_173 = vector.extract_strided_slice %get3A_10 {offsets = [3, 0, 0], sizes = [1, 1, 4096], strides = [1, 1, 1]} : vector<4x1x4096xf32> to vector<1x1x4096xf32>
    %squeeze3A_174 = vector.shape_cast %slice3A_173 : vector<1x1x4096xf32> to vector<1x4096xf32>
    %mul3A_175 = vector.broadcast %squeeze3A_174 : vector<1x4096xf32> to vector<12x4096xf32>
    %mul3A_176 = arith.mulf %squeeze3A_172, %mul3A_175 : vector<12x4096xf32>
    %slice3A_177 = vector.extract_strided_slice %get3A_10 {offsets = [3, 0, 0], sizes = [1, 1, 4096], strides = [1, 1, 1]} : vector<4x1x4096xf32> to vector<1x1x4096xf32>
    %squeeze3A_178 = vector.shape_cast %slice3A_177 : vector<1x1x4096xf32> to vector<1x4096xf32>
    %mul3A_179 = arith.constant 1.000000e+00 : f32
    %mul3A_180 = vector.broadcast %mul3A_179 : f32 to vector<1x4096xf32>
    %mul3A_181 = arith.mulf %mul3A_180, %squeeze3A_178 : vector<1x4096xf32>
    %slice3A_182 = vector.extract_strided_slice %get3A_2 {offsets = [3, 0, 0], sizes = [1, 12, 4096], strides = [1, 1, 1]} : vector<4x12x4096xf32> to vector<1x12x4096xf32>
    %squeeze3A_183 = vector.shape_cast %slice3A_182 : vector<1x12x4096xf32> to vector<12x4096xf32>
    %mul3A_184 = vector.broadcast %mul3A_181 : vector<1x4096xf32> to vector<12x4096xf32>
    %mul3A_185 = arith.mulf %mul3A_184, %squeeze3A_183 : vector<12x4096xf32>
    %add3A_186 = arith.addf %mul3A_176, %mul3A_185 : vector<12x4096xf32>
    %swap3A_187 = arith.constant 3 : index
    %swap3A_188 = arith.constant 0 : index
    %swap3A_189 = arith.constant 0 : index
    %swap3A_190 = vector.load %arg29[%swap3A_187, %swap3A_188, %swap3A_189] : memref<4x12x4096xf32, #tpu.memory_space<vmem>>, vector<1x12x4096xf32>
    %swap3A_191 = vector.shape_cast %swap3A_190 : vector<1x12x4096xf32> to vector<12x4096xf32>
    %swap3A_192 = vector.shape_cast %add3A_186 : vector<12x4096xf32> to vector<1x12x4096xf32>
    tpu.vector_store %arg29[%swap3A_187, %swap3A_188, %swap3A_189], %swap3A_192 {strides = array<i32>} : memref<4x12x4096xf32, #tpu.memory_space<vmem>>, vector<1x12x4096xf32>,
    %get3A_193 = arith.constant 0 : index
    %get3A_194 = arith.constant 0 : index
    %get3A_195 = vector.load %arg11[%get3A_193, %get3A_194] : memref<12x4096xf32, #tpu.memory_space<vmem>>, vector<12x4096xf32>
    %get3A_196 = arith.constant 0 : index
    %get3A_197 = arith.constant 0 : index
    %get3A_198 = vector.load %arg7[%get3A_196, %get3A_197] : memref<12x4096xf32, #tpu.memory_space<vmem>>, vector<12x4096xf32>
    %get3A_199 = arith.constant 0 : index
    %get3A_200 = arith.constant 0 : index
    %get3A_201 = vector.load %arg18[%get3A_199, %get3A_200] : memref<1x4096xf32, #tpu.memory_space<vmem>>, vector<1x4096xf32>
    %mul3A_202 = vector.broadcast %get3A_201 : vector<1x4096xf32> to vector<12x4096xf32>
    %mul3A_203 = arith.mulf %get3A_195, %mul3A_202 : vector<12x4096xf32>
    %add3A_204 = arith.addf %get3A_198, %mul3A_203 : vector<12x4096xf32>
    %sub3A = arith.constant 1.000000e+00 : f32
    %sub3A_205 = vector.broadcast %sub3A : f32 to vector<12x4096xf32>
    %sub3A_206 = arith.subf %add3A_204, %sub3A_205 : vector<12x4096xf32>
    %max3A = arith.constant 0.000000e+00 : f32
    %max3A_207 = vector.broadcast %max3A : f32 to vector<12x4096xf32>
    %max3A_208 = arith.maximumf %sub3A_206, %max3A_207 : vector<12x4096xf32>
    %swap3A_209 = arith.constant 0 : index
    %swap3A_210 = arith.constant 0 : index
    %swap3A_211 = vector.load %arg25[%swap3A_209, %swap3A_210] : memref<12x4096xf32, #tpu.memory_space<vmem>>, vector<12x4096xf32>
    tpu.vector_store %arg25[%swap3A_209, %swap3A_210], %max3A_208 {strides = array<i32>} : memref<12x4096xf32, #tpu.memory_space<vmem>>, vector<12x4096xf32>,
    %get3A_212 = arith.constant 0 : index
    %get3A_213 = arith.constant 0 : index
    %get3A_214 = vector.load %arg21[%get3A_212, %get3A_213] : memref<1x4096xf32, #tpu.memory_space<vmem>>, vector<1x4096xf32>
    %mul3A_215 = arith.constant -1.000000e+00 : f32
    %mul3A_216 = vector.broadcast %mul3A_215 : f32 to vector<1x4096xf32>
    %mul3A_217 = arith.mulf %mul3A_216, %get3A_214 : vector<1x4096xf32>
    %exp3A = math.exp %mul3A_217 : vector<1x4096xf32>
    %get3A_218 = arith.constant 0 : index
    %get3A_219 = arith.constant 0 : index
    %get3A_220 = vector.load %arg8[%get3A_218, %get3A_219] : memref<12x4096xf32, #tpu.memory_space<vmem>>, vector<12x4096xf32>
    %mul3A_221 = vector.broadcast %exp3A : vector<1x4096xf32> to vector<12x4096xf32>
    %mul3A_222 = arith.mulf %mul3A_221, %get3A_220 : vector<12x4096xf32>
    %get3A_223 = arith.constant 0 : index
    %get3A_224 = arith.constant 0 : index
    %get3A_225 = vector.load %arg19[%get3A_223, %get3A_224] : memref<1x4096xf32, #tpu.memory_space<vmem>>, vector<1x4096xf32>
    %mul3A_226 = vector.broadcast %get3A_225 : vector<1x4096xf32> to vector<12x4096xf32>
    %mul3A_227 = arith.mulf %get3A_195, %mul3A_226 : vector<12x4096xf32>
    %add3A_228 = arith.addf %mul3A_222, %mul3A_227 : vector<12x4096xf32>
    %swap3A_229 = arith.constant 0 : index
    %swap3A_230 = arith.constant 0 : index
    %swap3A_231 = vector.load %arg26[%swap3A_229, %swap3A_230] : memref<12x4096xf32, #tpu.memory_space<vmem>>, vector<12x4096xf32>
    tpu.vector_store %arg26[%swap3A_229, %swap3A_230], %add3A_228 {strides = array<i32>} : memref<12x4096xf32, #tpu.memory_space<vmem>>, vector<12x4096xf32>,
    %get3A_232 = arith.constant 0 : index
    %get3A_233 = arith.constant 0 : index
    %get3A_234 = vector.load %arg22[%get3A_232, %get3A_233] : memref<1x4096xf32, #tpu.memory_space<vmem>>, vector<1x4096xf32>
    %mul3A_235 = arith.constant -1.000000e+00 : f32
    %mul3A_236 = vector.broadcast %mul3A_235 : f32 to vector<1x4096xf32>
    %mul3A_237 = arith.mulf %mul3A_236, %get3A_234 : vector<1x4096xf32>
    %exp3A_238 = math.exp %mul3A_237 : vector<1x4096xf32>
    %get3A_239 = arith.constant 0 : index
    %get3A_240 = arith.constant 0 : index
    %get3A_241 = vector.load %arg9[%get3A_239, %get3A_240] : memref<12x4096xf32, #tpu.memory_space<vmem>>, vector<12x4096xf32>
    %mul3A_242 = vector.broadcast %exp3A_238 : vector<1x4096xf32> to vector<12x4096xf32>
    %mul3A_243 = arith.mulf %mul3A_242, %get3A_241 : vector<12x4096xf32>
    %get3A_244 = arith.constant 0 : index
    %get3A_245 = arith.constant 0 : index
    %get3A_246 = vector.load %arg20[%get3A_244, %get3A_245] : memref<1x4096xf32, #tpu.memory_space<vmem>>, vector<1x4096xf32>
    %mul3A_247 = vector.broadcast %get3A_246 : vector<1x4096xf32> to vector<12x4096xf32>
    %mul3A_248 = arith.mulf %get3A_195, %mul3A_247 : vector<12x4096xf32>
    %add3A_249 = arith.addf %mul3A_243, %mul3A_248 : vector<12x4096xf32>
    %swap3A_250 = arith.constant 0 : index
    %swap3A_251 = arith.constant 0 : index
    %swap3A_252 = vector.load %arg27[%swap3A_250, %swap3A_251] : memref<12x4096xf32, #tpu.memory_space<vmem>>, vector<12x4096xf32>
    tpu.vector_store %arg27[%swap3A_250, %swap3A_251], %add3A_249 {strides = array<i32>} : memref<12x4096xf32, #tpu.memory_space<vmem>>, vector<12x4096xf32>,
    %slice3A_253 = vector.extract_strided_slice %get3A_6 {offsets = [0, 0, 0], sizes = [1, 12, 4096], strides = [1, 1, 1]} : vector<4x12x4096xf32> to vector<1x12x4096xf32>
    %squeeze3A_254 = vector.shape_cast %slice3A_253 : vector<1x12x4096xf32> to vector<12x4096xf32>
    %slice3A_255 = vector.extract_strided_slice %get3A_6 {offsets = [1, 0, 0], sizes = [1, 12, 4096], strides = [1, 1, 1]} : vector<4x12x4096xf32> to vector<1x12x4096xf32>
    %squeeze3A_256 = vector.shape_cast %slice3A_255 : vector<1x12x4096xf32> to vector<12x4096xf32>
    %add3A_257 = arith.addf %squeeze3A_254, %squeeze3A_256 : vector<12x4096xf32>
    %slice3A_258 = vector.extract_strided_slice %get3A_6 {offsets = [2, 0, 0], sizes = [1, 12, 4096], strides = [1, 1, 1]} : vector<4x12x4096xf32> to vector<1x12x4096xf32>
    %squeeze3A_259 = vector.shape_cast %slice3A_258 : vector<1x12x4096xf32> to vector<12x4096xf32>
    %add3A_260 = arith.addf %add3A_257, %squeeze3A_259 : vector<12x4096xf32>
    %slice3A_261 = vector.extract_strided_slice %get3A_6 {offsets = [3, 0, 0], sizes = [1, 12, 4096], strides = [1, 1, 1]} : vector<4x12x4096xf32> to vector<1x12x4096xf32>
    %squeeze3A_262 = vector.shape_cast %slice3A_261 : vector<1x12x4096xf32> to vector<12x4096xf32>
    %add3A_263 = arith.addf %add3A_260, %squeeze3A_262 : vector<12x4096xf32>
    %get3A_264 = arith.constant 0 : index
    %get3A_265 = arith.constant 0 : index
    %get3A_266 = vector.load %arg10[%get3A_264, %get3A_265] : memref<12x4096xf32, #tpu.memory_space<vmem>>, vector<12x4096xf32>
    %add3A_267 = arith.addf %add3A_263, %get3A_266 : vector<12x4096xf32>
    %get3A_268 = arith.constant 0 : index
    %get3A_269 = arith.constant 0 : index
    %get3A_270 = vector.load %arg8[%get3A_268, %get3A_269] : memref<12x4096xf32, #tpu.memory_space<vmem>>, vector<12x4096xf32>
    %add3A_271 = arith.addf %add3A_267, %get3A_270 : vector<12x4096xf32>
    %get3A_272 = arith.constant 0 : index
    %get3A_273 = arith.constant 0 : index
    %get3A_274 = vector.load %arg9[%get3A_272, %get3A_273] : memref<12x4096xf32, #tpu.memory_space<vmem>>, vector<12x4096xf32>
    %add3A_275 = arith.addf %add3A_271, %get3A_274 : vector<12x4096xf32>
    %get3A_276 = arith.constant 0 : index
    %get3A_277 = arith.constant 0 : index
    %get3A_278 = vector.load %arg17[%get3A_276, %get3A_277] : memref<1x4096xf32, #tpu.memory_space<vmem>>, vector<1x4096xf32>
    %get3A_279 = arith.constant 0 : index
    %get3A_280 = arith.constant 0 : index
    %get3A_281 = vector.load %arg13[%get3A_279, %get3A_280] : memref<1x4096xf32, #tpu.memory_space<vmem>>, vector<1x4096xf32>
    %mul3A_282 = arith.mulf %get3A_278, %get3A_281 : vector<1x4096xf32>
    %add3A_283 = vector.broadcast %mul3A_282 : vector<1x4096xf32> to vector<12x4096xf32>
    %add3A_284 = arith.addf %add3A_275, %add3A_283 : vector<12x4096xf32>
    %get3A_285 = arith.constant 0 : index
    %get3A_286 = arith.constant 0 : index
    %get3A_287 = vector.load %arg15[%get3A_285, %get3A_286] : memref<1x4096xf32, #tpu.memory_space<vmem>>, vector<1x4096xf32>
    %get3A_288 = arith.constant 0 : index
    %get3A_289 = arith.constant 0 : index
    %get3A_290 = vector.load %arg6[%get3A_288, %get3A_289] : memref<12x4096xf32, #tpu.memory_space<vmem>>, vector<12x4096xf32>
    %mul3A_291 = vector.broadcast %get3A_287 : vector<1x4096xf32> to vector<12x4096xf32>
    %mul3A_292 = arith.mulf %mul3A_291, %get3A_290 : vector<12x4096xf32>
    %get3A_293 = arith.constant 0 : index
    %get3A_294 = arith.constant 0 : index
    %get3A_295 = vector.load %arg16[%get3A_293, %get3A_294] : memref<1x4096xf32, #tpu.memory_space<vmem>>, vector<1x4096xf32>
    %mul3A_296 = vector.broadcast %get3A_295 : vector<1x4096xf32> to vector<12x4096xf32>
    %mul3A_297 = arith.mulf %mul3A_296, %add3A_284 : vector<12x4096xf32>
    %add3A_298 = arith.addf %mul3A_292, %mul3A_297 : vector<12x4096xf32>
    %get3A_299 = arith.constant 0 : index
    %get3A_300 = arith.constant 0 : index
    %get3A_301 = vector.load %arg12[%get3A_299, %get3A_300] : memref<1x4096xf32, #tpu.memory_space<vmem>>, vector<1x4096xf32>
    %sub3A_302 = vector.broadcast %get3A_301 : vector<1x4096xf32> to vector<12x4096xf32>
    %sub3A_303 = arith.subf %add3A_298, %sub3A_302 : vector<12x4096xf32>
    %get3A_304 = arith.constant 0 : index
    %get3A_305 = arith.constant 0 : index
    %get3A_306 = vector.load %arg12[%get3A_304, %get3A_305] : memref<1x4096xf32, #tpu.memory_space<vmem>>, vector<1x4096xf32>
    %get3A_307 = arith.constant 0 : index
    %get3A_308 = arith.constant 0 : index
    %get3A_309 = vector.load %arg13[%get3A_307, %get3A_308] : memref<1x4096xf32, #tpu.memory_space<vmem>>, vector<1x4096xf32>
    %sub3A_310 = arith.subf %get3A_306, %get3A_309 : vector<1x4096xf32>
    %div3A = vector.broadcast %sub3A_310 : vector<1x4096xf32> to vector<12x4096xf32>
    %div3A_311 = arith.divf %sub3A_303, %div3A : vector<12x4096xf32>
    %gt3A = arith.constant 0.000000e+00 : f32
    %gt3A_312 = vector.broadcast %gt3A : f32 to vector<12x4096xf32>
    %gt3A_313 = arith.cmpf ogt, %div3A_311, %gt3A_312 : vector<12x4096xf32>
    %convert_element_type3A = arith.extui %gt3A_313 : vector<12x4096xi1> to vector<12x4096xi32>
    %convert_element_type3A_314 = arith.sitofp %convert_element_type3A : vector<12x4096xi32> to vector<12x4096xf32>
    %gt3A_315 = arith.constant 0.000000e+00 : f32
    %gt3A_316 = vector.broadcast %gt3A_315 : f32 to vector<12x4096xf32>
    %gt3A_317 = arith.cmpf ogt, %max3A_208, %gt3A_316 : vector<12x4096xf32>
    %jit3A = arith.constant 0.000000e+00 : f32
    %broadcast_in_dim3A = vector.broadcast %jit3A : f32 to vector<12x4096xf32>
    %select_n3A = arith.select %gt3A_317, %broadcast_in_dim3A, %convert_element_type3A_314 : vector<12x4096xi1>, vector<12x4096xf32>
    %swap3A_318 = arith.constant 0 : index
    %swap3A_319 = arith.constant 0 : index
    %swap3A_320 = vector.load %arg23[%swap3A_318, %swap3A_319] : memref<12x4096xf32, #tpu.memory_space<vmem>>, vector<12x4096xf32>
    tpu.vector_store %arg23[%swap3A_318, %swap3A_319], %select_n3A {strides = array<i32>} : memref<12x4096xf32, #tpu.memory_space<vmem>>, vector<12x4096xf32>,
    %get3A_321 = arith.constant 0 : index
    %get3A_322 = arith.constant 0 : index
    %get3A_323 = vector.load %arg12[%get3A_321, %get3A_322] : memref<1x4096xf32, #tpu.memory_space<vmem>>, vector<1x4096xf32>
    %get3A_324 = arith.constant 0 : index
    %get3A_325 = arith.constant 0 : index
    %get3A_326 = vector.load %arg14[%get3A_324, %get3A_325] : memref<1x4096xf32, #tpu.memory_space<vmem>>, vector<1x4096xf32>
    %sub3A_327 = arith.subf %get3A_323, %get3A_326 : vector<1x4096xf32>
    %mul3A_328 = vector.broadcast %sub3A_327 : vector<1x4096xf32> to vector<12x4096xf32>
    %mul3A_329 = arith.mulf %select_n3A, %mul3A_328 : vector<12x4096xf32>
    %sub3A_330 = arith.subf %add3A_298, %mul3A_329 : vector<12x4096xf32>
    %swap3A_331 = arith.constant 0 : index
    %swap3A_332 = arith.constant 0 : index
    %swap3A_333 = vector.load %arg24[%swap3A_331, %swap3A_332] : memref<12x4096xf32, #tpu.memory_space<vmem>>, vector<12x4096xf32>
    tpu.vector_store %arg24[%swap3A_331, %swap3A_332], %sub3A_330 {strides = array<i32>} : memref<12x4096xf32, #tpu.memory_space<vmem>>, vector<12x4096xf32>,
    return
  }
  func.func @transform_0(%arg0: i32) -> (i32, i32, i32) {
    %c0_i32 = arith.constant 0 : i32
    %c0_i32_0 = arith.constant 0 : i32
    %c0_i32_1 = arith.constant 0 : i32
    return %c0_i32, %arg0, %c0_i32_0 : i32, i32, i32
  }
  func.func @transform_1(%arg0: i32) -> (i32, i32, i32) {
    %c0_i32 = arith.constant 0 : i32
    %c0_i32_0 = arith.constant 0 : i32
    %c0_i32_1 = arith.constant 0 : i32
    return %c0_i32, %c0_i32_0, %arg0 : i32, i32, i32
  }
  func.func @transform_2(%arg0: i32) -> (i32, i32, i32) {
    %c0_i32 = arith.constant 0 : i32
    %c0_i32_0 = arith.constant 0 : i32
    %c0_i32_1 = arith.constant 0 : i32
    return %c0_i32, %c0_i32_0, %arg0 : i32, i32, i32
  }
  func.func @transform_3(%arg0: i32) -> (i32, i32, i32) {
    %c0_i32 = arith.constant 0 : i32
    %c0_i32_0 = arith.constant 0 : i32
    %c0_i32_1 = arith.constant 0 : i32
    return %c0_i32, %c0_i32_0, %arg0 : i32, i32, i32
  }
  func.func @transform_4(%arg0: i32) -> (i32, i32, i32) {
    %c0_i32 = arith.constant 0 : i32
    %c0_i32_0 = arith.constant 0 : i32
    %c0_i32_1 = arith.constant 0 : i32
    return %c0_i32, %c0_i32_0, %arg0 : i32, i32, i32
  }
  func.func @transform_5(%arg0: i32) -> (i32, i32) {
    %c0_i32 = arith.constant 0 : i32
    %c0_i32_0 = arith.constant 0 : i32
    return %c0_i32, %arg0 : i32, i32
  }
  func.func @transform_6(%arg0: i32) -> (i32, i32) {
    %c0_i32 = arith.constant 0 : i32
    %c0_i32_0 = arith.constant 0 : i32
    return %c0_i32, %arg0 : i32, i32
  }
  func.func @transform_7(%arg0: i32) -> (i32, i32) {
    %c0_i32 = arith.constant 0 : i32
    %c0_i32_0 = arith.constant 0 : i32
    return %c0_i32, %arg0 : i32, i32
  }
  func.func @transform_8(%arg0: i32) -> (i32, i32) {
    %c0_i32 = arith.constant 0 : i32
    %c0_i32_0 = arith.constant 0 : i32
    return %c0_i32, %arg0 : i32, i32
  }
  func.func @transform_9(%arg0: i32) -> (i32, i32) {
    %c0_i32 = arith.constant 0 : i32
    %c0_i32_0 = arith.constant 0 : i32
    return %c0_i32, %arg0 : i32, i32
  }
  func.func @transform_10(%arg0: i32) -> (i32, i32) {
    %c0_i32 = arith.constant 0 : i32
    %c0_i32_0 = arith.constant 0 : i32
    return %c0_i32, %arg0 : i32, i32
  }
  func.func @transform_11(%arg0: i32) -> (i32, i32) {
    %c0_i32 = arith.constant 0 : i32
    %c0_i32_0 = arith.constant 0 : i32
    return %c0_i32, %arg0 : i32, i32
  }
  func.func @transform_12(%arg0: i32) -> (i32, i32) {
    %c0_i32 = arith.constant 0 : i32
    %c0_i32_0 = arith.constant 0 : i32
    return %c0_i32, %arg0 : i32, i32
  }
  func.func @transform_13(%arg0: i32) -> (i32, i32) {
    %c0_i32 = arith.constant 0 : i32
    %c0_i32_0 = arith.constant 0 : i32
    return %c0_i32, %arg0 : i32, i32
  }
  func.func @transform_14(%arg0: i32) -> (i32, i32) {
    %c0_i32 = arith.constant 0 : i32
    %c0_i32_0 = arith.constant 0 : i32
    return %c0_i32, %arg0 : i32, i32
  }
  func.func @transform_15(%arg0: i32) -> (i32, i32) {
    %c0_i32 = arith.constant 0 : i32
    %c0_i32_0 = arith.constant 0 : i32
    return %c0_i32, %arg0 : i32, i32
  }
  func.func @transform_16(%arg0: i32) -> (i32, i32) {
    %c0_i32 = arith.constant 0 : i32
    %c0_i32_0 = arith.constant 0 : i32
    return %c0_i32, %arg0 : i32, i32
  }
  func.func @transform_17(%arg0: i32) -> (i32, i32) {
    %c0_i32 = arith.constant 0 : i32
    %c0_i32_0 = arith.constant 0 : i32
    return %c0_i32, %arg0 : i32, i32
  }
  func.func @transform_18(%arg0: i32) -> (i32, i32) {
    %c0_i32 = arith.constant 0 : i32
    %c0_i32_0 = arith.constant 0 : i32
    return %c0_i32, %arg0 : i32, i32
  }
  func.func @transform_19(%arg0: i32) -> (i32, i32) {
    %c0_i32 = arith.constant 0 : i32
    %c0_i32_0 = arith.constant 0 : i32
    return %c0_i32, %arg0 : i32, i32
  }
  func.func @transform_20(%arg0: i32) -> (i32, i32) {
    %c0_i32 = arith.constant 0 : i32
    %c0_i32_0 = arith.constant 0 : i32
    return %c0_i32, %arg0 : i32, i32
  }
  func.func @transform_21(%arg0: i32) -> (i32, i32) {
    %c0_i32 = arith.constant 0 : i32
    %c0_i32_0 = arith.constant 0 : i32
    return %c0_i32, %arg0 : i32, i32
  }
  func.func @transform_22(%arg0: i32) -> (i32, i32) {
    %c0_i32 = arith.constant 0 : i32
    %c0_i32_0 = arith.constant 0 : i32
    return %c0_i32, %arg0 : i32, i32
  }
  func.func @transform_23(%arg0: i32) -> (i32, i32) {
    %c0_i32 = arith.constant 0 : i32
    %c0_i32_0 = arith.constant 0 : i32
    return %c0_i32, %arg0 : i32, i32
  }
  func.func @transform_24(%arg0: i32) -> (i32, i32) {
    %c0_i32 = arith.constant 0 : i32
    %c0_i32_0 = arith.constant 0 : i32
    return %c0_i32, %arg0 : i32, i32
  }
  func.func @transform_25(%arg0: i32) -> (i32, i32) {
    %c0_i32 = arith.constant 0 : i32
    %c0_i32_0 = arith.constant 0 : i32
    return %c0_i32, %arg0 : i32, i32
  }
  func.func @transform_26(%arg0: i32) -> (i32, i32) {
    %c0_i32 = arith.constant 0 : i32
    %c0_i32_0 = arith.constant 0 : i32
    return %c0_i32, %arg0 : i32, i32
  }
  func.func @transform_27(%arg0: i32) -> (i32, i32, i32) {
    %c0_i32 = arith.constant 0 : i32
    %c0_i32_0 = arith.constant 0 : i32
    %c0_i32_1 = arith.constant 0 : i32
    return %c0_i32, %c0_i32_0, %arg0 : i32, i32, i32
  }
  func.func @transform_28(%arg0: i32) -> (i32, i32, i32) {
    %c0_i32 = arith.constant 0 : i32
    %c0_i32_0 = arith.constant 0 : i32
    %c0_i32_1 = arith.constant 0 : i32
    return %c0_i32, %c0_i32_0, %arg0 : i32, i32, i32
  }
}

</mosaic_0001>

<sc_bundles>
// kernel: kernel.5.cloned.1.call-start
scs
__scs_entry_jumppad:
0x0: {  	(pc) =	sbr.rel $0x88, $3  }
0x1: {  	(tag) =	ssettag $0x0;
	lr =	simm.s32 $0x1  }
0x2: {  	[smem:$0x3F8C] =	sst lr;
	_ =	strace $0xD0000000  }
0x3: {  	_ = 	snop  }
0x4: {  	_ = 	snop  }
0x5: {  	_ = 	snop  }
0x6: {  	_ = 	snop  }
0x7: {  	_ = 	snop  }
__scs_overlays_trampoline_lowered:
0x8: {  	[smem:$0x3F9B] =	sst s0  }
0x9: {  	[smem:$0x3F9C] =	sst s1  }
0xa: {  	[smem:$0x3F9D] =	sst s2  }
0xb: {  	[smem:$0x3F9E] =	sst s3  }
0xc: {  	[smem:$0x3F9F] =	sst s4  }
0xd: {  	[smem:$0x3FA0] =	sst s5  }
0xe: {  	[smem:$0x3FA1] =	sst s6  }
0xf: {  	[smem:$0x3FA2] =	sst s7  }
0x10: {  	[smem:$0x3FA3] =	sst s8  }
0x11: {  	[smem:$0x3FA4] =	sst s9;
	s0 =	simm.s32 @!p0 $0x0  }
0x12: {  	s1 =	sld [smem:$0x3F8A];
	s0 =	simm.s32 @p0 $0x1  }
0x13: {  	[smem:$0x3FA5] =	sst s0;
	s0 =	simm.s32 @!p1 $0x0  }
0x14: {  	s2 =	sld [smem:$0x3F89];
	s0 =	simm.s32 @p1 $0x1  }
0x15: {  	[smem:$0x3FA6] =	sst s0;
	s0 =	simm.s32 @!p2 $0x0  }
0x16: {  	s3 =	sld [smem:$0x3FDB];
	s0 =	simm.s32 @p2 $0x1  }
0x17: {  	s4 =	simm.s32 $0x1BF5;
	[smem:$0x3FA8] =	sst s0  }
0x18: {  	s0 =	sld [smem:$0x3F8B];
	_ =	swait.ge [sflag:s4], $0x0  }
0x19: {  	s7 =	sld [smem:$0x3F8C]  }
0x1a: {  	s8 =	sadd.s32 $0xFFFFE003, lr  }
0x1b: {  	s9 =	sadd.s32 $0xFFFFFEF7, lr;
	s5 =	simm.s32 $0xFFFFFFFF;
	p2 =	slt.u32 s8, $0xFFFFF086  }
0x1c: {  	p1 =	slt.u32 s9, $0xF7A;
	s5 =	simm.s32 @!p2 $0x0  }
0x1d: {  	s5 =	simm.s32 @p1 $0x1;
	p0 =	seq.s32 s7, s2  }
0x1e: {  	s7 =	smul.u32 @!p0 $0xF7A, s2;
	p2 =	seq.s32 @!p0 s5, $0x0  }
0x1f: {  	s9 =	smul.u32 $0xF7A, s1;
	s8 =	simm.s32 @!p0 $0x1BF5;
	p2 =	por !p2, p0  }
0x20: {  	[sflag:s8] =	ssyncset.s32 @!p0 $0xFFFFF086;
	s6 =	sadd.s32 @!p0 s3, s7;
	s7 =	simm.s32 @!p0 $0x108  }
0x21: {  	s3 =	sadd.s32 s3, s9;
	s6 =	sadd.s32 @!p0 $0x88, s6;
	s7 =	simm.s32 @p2 $0x1082  }
0x22: {  	[simem:s7], [sflag:s8] =	dma.local @!p0 [hbm:s6], $0xF7A  }
0x23: {  	s9 =	sor.u32 $0xD0000000, s2;
	s6 =	simm.s32 $0x108;
	_ =	swait.ge @!p0 [sflag:s8], $0x0  }
0x24: {  	s3 =	sadd.s32 $0x88, s3;
	s6 =	simm.s32 @!p1 $0x1082;
	[sflag:s4] =	ssyncset.s32 $0xFFFFF086  }
0x25: {  	[simem:s6], [sflag:s4] =	dma.local [hbm:s3], $0xF7A  }
0x26: {  	[smem:$0x3F8C] =	sst s1;
	(tag) =	ssettag s2;
	_ =	strace s9  }
0x27: {  	s1 =	sld [smem:$0x3F9C]  }
0x28: {  	s2 =	sld [smem:$0x3F9D]  }
0x29: {  	s4 =	sld [smem:$0x3F9F]  }
0x2a: {  	p0 =	seq.s32 s5, $0x0;
	s5 =	sld [smem:$0x3FA0]  }
0x2b: {  	s6 =	sld [smem:$0x3FA1]  }
0x2c: {  	s7 =	sld [smem:$0x3FA2]  }
0x2d: {  	s3 =	simm.s32 $0x108;
	s8 =	sld [smem:$0x3FA3]  }
0x2e: {  	s3 =	simm.s32 @!p0 $0x1082;
	s9 =	sld [smem:$0x3FA4]  }
0x2f: {  	lr =	sadd.s32 s0, s3;
	s0 =	sld [smem:$0x3F9B]  }
0x30: {  	s3 =	sld [smem:$0x3F9E]  }
0x31: {  	[smem:$0x3FA7] =	sst s10  }
0x32: {  	s10 =	sld [smem:$0x3FA5];
	_ =	sdelay $0x3  }
0x33: {  	p0 =	seq.s32 s10, $0x1;
	s10 =	sld [smem:$0x3FA7];
	_ =	sdelay $0x3  }
0x34: {  	[smem:$0x3FA7] =	sst s10  }
0x35: {  	s10 =	sld [smem:$0x3FA6];
	_ =	sdelay $0x3  }
0x36: {  	p1 =	seq.s32 s10, $0x1;
	s10 =	sld [smem:$0x3FA7];
	_ =	sdelay $0x3  }
0x37: {  	[smem:$0x3FA7] =	sst s10  }
0x38: {  	s10 =	sld [smem:$0x3FA8]  }
0x39: {  	_ = 	snop;
	(pc) =	sbr.ind lr, $3  }
0x3a: {  	_ = 	snop  }
0x3b: {  	_ = 	snop  }
0x3c: {  	p2 =	seq.s32 s10, $0x1;
	s10 =	sld [smem:$0x3FA7]  }
0x3d: {  	_ =	shalt  }
0x3e: {  	_ =	shalt  }
0x3f: {  	_ =	shalt  }
0x40: {  	_ =	shalt  }
0x41: {  	_ =	shalt  }
0x42: {  	_ =	shalt  }
0x43: {  	_ =	shalt  }
0x44: {  	_ =	shalt  }
0x45: {  	_ =	shalt  }
0x46: {  	_ =	shalt  }
0x47: {  	_ =	shalt  }
0x48: {  	_ =	shalt  }
0x49: {  	_ =	shalt  }
0x4a: {  	_ =	shalt  }
0x4b: {  	_ =	shalt  }
0x4c: {  	_ =	shalt  }
0x4d: {  	_ =	shalt  }
0x4e: {  	_ =	shalt  }
0x4f: {  	_ =	shalt  }
0x50: {  	_ =	shalt  }
0x51: {  	_ =	shalt  }
0x52: {  	_ =	shalt  }
0x53: {  	_ =	shalt  }
0x54: {  	_ =	shalt  }
0x55: {  	_ =	shalt  }
0x56: {  	_ =	shalt  }
0x57: {  	_ =	shalt  }
0x58: {  	_ =	shalt  }
0x59: {  	_ =	shalt  }
0x5a: {  	_ =	shalt  }
0x5b: {  	_ =	shalt  }
0x5c: {  	_ =	shalt  }
0x5d: {  	_ =	shalt  }
0x5e: {  	_ =	shalt  }
0x5f: {  	_ =	shalt  }
0x60: {  	_ =	shalt  }
0x61: {  	_ =	shalt  }
0x62: {  	_ =	shalt  }
0x63: {  	_ =	shalt  }
0x64: {  	_ =	shalt  }
0x65: {  	_ =	shalt  }
0x66: {  	_ =	shalt  }
0x67: {  	_ =	shalt  }
0x68: {  	_ =	shalt  }
0x69: {  	_ =	shalt  }
0x6a: {  	_ =	shalt  }
0x6b: {  	_ =	shalt  }
0x6c: {  	_ =	shalt  }
0x6d: {  	_ =	shalt  }
0x6e: {  	_ =	shalt  }
0x6f: {  	_ =	shalt  }
0x70: {  	_ =	shalt  }
0x71: {  	_ =	shalt  }
0x72: {  	_ =	shalt  }
0x73: {  	_ =	shalt  }
0x74: {  	_ =	shalt  }
0x75: {  	_ =	shalt  }
0x76: {  	_ =	shalt  }
0x77: {  	_ =	shalt  }
0x78: {  	_ =	shalt  }
0x79: {  	_ =	shalt  }
0x7a: {  	_ =	shalt  }
0x7b: {  	_ =	shalt  }
0x7c: {  	_ =	shalt  }
0x7d: {  	_ =	shalt  }
0x7e: {  	_ =	shalt  }
0x7f: {  	_ =	shalt  }
0x80: {  	_ =	shalt  }
0x81: {  	_ =	shalt  }
0x82: {  	_ =	shalt  }
0x83: {  	_ =	shalt  }
0x84: {  	_ =	shalt  }
0x85: {  	_ =	shalt  }
0x86: {  	_ =	shalt  }
0x87: {  	_ =	shalt  }
.Lfunc_end0:
.L_simem_size_0:
called_computation_lowered:
.L_overlay_start_0:
0x88: {  	s2 =	sld [smem:$0x3FD9]  }
0x89: {  	s3 =	sld [smem:$0x3FFE];
	_ =	sdelay $0x1  }
0x8a: {  	s1 =	srdreg.scid  }
0x8b: {  	s0 =	sand.u32 $0x1, s1  }
0x8c: {  	s14 =	sshll.u32 s0, $0xA;
	s2 =	sadd.s32 s3, s2  }
0x8d: {  	s2 =	sadd.s32 s2, s14  }
0x8e: {  	[smem:$0x3FB3] =	sst s2  }
0x8f: {  	_ = 	snop  }
0x90: {  	s2 =	sld [smem:$0x3FD0];
	_ =	sdelay $0x2  }
0x91: {  	s15 =	simm.s32 $0xA;
	s4 =	simm.s32 $0x10  }
0x92: {  	[smem:s4], [sflag:s15] =	dma.local [hbm:s2], $0x1  }
0x93: {  	_ =	swait.eq [sflag:s15], $0x1  }
0x94: {  	[sflag:s15] =	ssyncset.done $0x0  }
0x95: {  	s16 =	sld [smem:$0x14];
	[sflag:s15] =	ssyncadd.s32 $0xFFFFFFFF  }
0x96: {  	s17 =	sld [smem:$0x17];
	(tm) =	ssettm $0x1  }
0x97: {  	s18 =	sld [smem:$0x3FFB];
	_ =	sdelay $0x3  }
0x98: {  	_ =	strace s18  }
0x99: {  	s4 =	sld [smem:$0x3FFC];
	_ =	sdelay $0x3  }
0x9a: {  	_ =	strace s4  }
0x9b: {  	s4 =	sld [smem:$0x3FFD];
	_ =	sdelay $0x3  }
0x9c: {  	_ =	strace s4  }
0x9d: {  	_ =	strace $0x8FFFFFFF  }
0x9e: {  	s19 =	sld [smem:$0x3FDB];
	_ =	sdelay $0x1  }
0x9f: {  	s5 =	simm.s32 $_scs_section_size  }
0xa0: {  	s6 =	simm.s32 $_size__tile_overlayer_lowered;
	s7 =	simm.s32 $_tile_overlayer_lowered  }
0xa1: {  	s22 =	simm.s32 $0x1BFF;
	s21 =	sshll.u32 s7, $0x1;
	s4 =	sadd.s32 s5, s19  }
0xa2: {  	s8 =	simm.s32 $0x0;
	s20 =	sshll.u32 s6, $0x1;
	s6 =	sadd.s32 s21, s4  }
0xa3: {  	[timem:s8], [sflag:s22] =	dma.local [hbm:s6], s20  }
0xa4: {  	_ =	swait.ge [sflag:s22], s20  }
0xa5: {  	s5 =	ssub.s32 $0x0, s20;
	[sflag:s22] =	ssyncset.done $0x0  }
0xa6: {  	[sflag:s22] =	ssyncadd.s32 s5;
	_ =	sdelay $0x1  }
0xa7: {  	s23 =	simm.s32 $0x1B8B  }
0xa8: {  	_ =	swait.ge [sflag:s23], $0x1  }
0xa9: {  	[sflag:s23] =	ssyncset.done $0x0  }
0xaa: {  	s25 =	simm.s32 $0x1B8E;
	s24 =	sld [smem:$0x3FFE];
	[sflag:s23] =	ssyncadd.s32 $0xFFFFFFFF  }
0xab: {  	s26 =	simm.s32 $execute0_lowered;
	[smem:$0x3FD2] =	sst s25  }
0xac: {  	s6 =	sshll.u32 s26, $0x1;
	_ =	strace $0x80000046;
	[dreg:$0x1] =	wrdreg $0xFFFFFFFF  }
0xad: {  	s28 =	simm.s32 $_size_execute0_lowered;
	s4 =	sadd.s32 s4, s6;
	[dreg:$0x0] =	wrdreg $0x0  }
0xae: {  	s6 =	sshll.u32 s28, $0x1;
	[dreg:$0x2] =	wrdreg s4  }
0xaf: {  	[dreg:$0x3] =	wrdreg s6  }
0xb0: {  	[dreg:$0x4] =	wrdreg $0xC0  }
0xb1: {  	_ =	task [dreg:s8], $0x5FFFF  }
0xb2: {  	[dreg:$0x1] =	wrdreg $0xFFFFFFFF  }
0xb3: {  	[dreg:$0x0] =	wrdreg $0x60  }
0xb4: {  	[dreg:$0x2] =	wrdreg s24  }
0xb5: {  	[dreg:$0x3] =	wrdreg s16  }
0xb6: {  	[dreg:$0x4] =	wrdreg s17  }
0xb7: {  	[dreg:$0x5] =	wrdreg $0x9  }
0xb8: {  	_ =	task.clear_ibuf [dreg:s8], $0x6FFFF;
	_ =	strace $0x90000046  }
0xb9: {  	s29 =	simm.s32 $0x9;
	_ =	strace $0x80000048  }
0xba: {  	_ =	swait.ge [sflag:s29], $0x1  }
0xbb: {  	[sflag:s29] =	ssyncadd.s32 $0xFFFFFFFF  }
0xbc: {  	_ =	strace $0x90000048  }
0xbd: {  	_ =	sfence  }
0xbe: {  	s30 =	sld [smem:$0x0];
	_ =	sdelay $0x2  }
0xbf: {  	s31 =	sshll.u32 s1, $0xD;
	s1 =	sshrl.u32 s1, $0x2  }
0xc0: {  	s3 =	sand.u32 $0x4000, s31;
	s1 =	sadd.s32 s1, s30  }
0xc1: {  	s0 =	sor.u32 s3, s0;
	s1 =	sshll.u32 s1, $0x11  }
0xc2: {  	s0 =	sor.u32 s1, s0  }
0xc3: {  	s0 =	sadd.s32 $0x8F2B, s0  }
0xc4: {  	[sflag:s0] =	ssyncadd.remote.s32 $0x1  }
0xc5: {  	_ =	sfence.sel $0xFFFF  }
0xc6: {  	[dreg:$0x0] =	wrdreg $0xFFFFFFFF;
	(pc) =	sbr.abs _section_cstart, $3  }
0xc7: {  	[dreg:$0x1] =	wrdreg $0xFFFFFFFF  }
0xc8: {  	_ =	task.clear_ibuf [dreg:s8], $0x2FFFF;
	_ =	strace $0x9FFFFFFF  }
0xc9: {  	(tm) =	ssettm $0x7FFFFFFF  }
tec
execute0_lowered:
.L_overlay_start_1:
0x0: {  	(tag) =	ssettag $0x1  }
0x1: {  	s5 =	rddreg [dreg:$0x0]  }
0x2: {  	s1 =	rddreg [dreg:$0x1]  }
0x3: {  	s2 =	rddreg [dreg:$0x2]  }
0x4: {  	s0 =	rddreg [dreg:$0x3];
	s3 =	simm.s32 $0x0;
	s4 =	srdreg.scid  }
0x5: {  	s10 =	simm.s32 $0x7D0;
	s11 =	simm.s32 $0xFA0;
	s12 =	simm.s32 $0x1770  }
0x6: {  	s13 =	simm.s32 $0x1F40;
	s14 =	simm.s32 $0x2710;
	s15 =	simm.s32 $0x2EE0  }
0x7: {  	s16 =	simm.s32 $0x36B0;
	s17 =	simm.s32 $0x3E80;
	s18 =	simm.s32 $0x4650  }
0x8: {  	s19 =	simm.s32 $0x4E20;
	s20 =	simm.s32 $0x55F0;
	s21 =	simm.s32 $0x1  }
0x9: {  	s22 =	simm.s32 $0x7D00;
	s23 =	simm.s32 $0x2;
	s24 =	simm.s32 $0x0  }
.Ltmp0:
0xa: {  	[smem:$0x7FF] =	sst s3;
	s6 =	sand.u32 $0x1, s4;
	(pc) =	sbr.rel .LBB2_1-.Ltmp0, $4  }
0xb: {  	s4 =	stileid.u32;
	s5 =	sadd.s32 $0x9000, s5;
	s7 =	ssub.s32 $0x2, s6  }
0xc: {  	s6 =	sshll.u32 s6, $0x6;
	s9 =	sshll.u32 s4, $0x2;
	s8 =	sshrl.u32 s7, $0x1  }
0xd: {  	v0 =	vlaneseq.u32;
	_ =	strace $0x80000047;
	s6 =	sor.u32 s9, s6;
	s7 =	ssub.s32 s7, s8  }
0xe: {  	v0 =	vmul.u32 $0x7D0, v0;
	s9 =	simm.s32 $0x3;
	s8 =	simm.s32 $0x5DC0;
	s7 =	smax.u32 s7, $0x1  }
.LBB2_7:
0xf: {  	s24 =	sadd.s32 $0x1, s24  }
0x10: {  	p0 =	sne.s32 s24, s7  }
.Ltmp1:
0x11: {  	_ = 	snop;
	(pc) =	sbr.rel @!p0 .LBB2_8-.Ltmp1, $1  }
0x12: {  	_ =	sdelay $0x3  }
.LBB2_1:
.Ltmp2:
0x13: {  	(pc) =	sbr.rel .LBB2_2-.Ltmp2, $4  }
0x14: {  	[tilespmem:s8], [sflag:$0x3] =	stream.linear.gather [hbm4b:s1+s3], $0x1F40, $0x38;
	[tilespmem:$0xFA00] =	vst v63  }
0x15: {  	_ =	swait.ge [sflag:s9], $0x1F40  }
0x16: {  	[sflag:s9] =	ssyncset.done $0x0  }
0x17: {  	s25 =	simm.s32 $0x0;
	[sflag:s9] =	ssyncadd.s32 $0xFFFFE0C0  }
.LBB2_6:
0x18: {  	s25 =	sadd.s32 $0x1, s25  }
0x19: {  	p0 =	sne.s32 s25, $0x4  }
.Ltmp3:
0x1a: {  	_ = 	snop;
	(pc) =	sbr.rel @!p0 .LBB2_7-.Ltmp3, $1  }
0x1b: {  	_ =	sdelay $0x3  }
.LBB2_2:
0x1c: {  	s26 =	sadd.s32 s6, s25  }
0x1d: {  	p0 =	sgt.u32 s26, $0x7C  }
.Ltmp4:
0x1e: {  	_ = 	snop;
	(pc) =	sbr.rel @p0 .LBB2_6-.Ltmp4, $1  }
0x1f: {  	_ =	sdelay $0x3  }
0x20: {  	s28 =	smul.u32 $0x7D0, s26;
	_ =	sdelay $0x1  }
0x21: {  	s28 =	sshrl.u32 s28, $0x3  }
0x22: {  	s29 =	simm.s32 $0x0;
	s28 =	sadd.s32 s5, s28  }
0x23: {  	[tilespmem:s29], [sflag:$0x1] =	stream.linear.gather [hbm4b:s28+s29], $0x7D0, $0x38;
	[tilespmem:$0xFA00] =	vst v63  }
0x24: {  	s30 =	sadd.s32 $0x7A12, s28  }
0x25: {  	[tilespmem:s10], [sflag:$0x1] =	stream.linear.gather [hbm4b:s30+s29], $0x7D0, $0x38;
	[tilespmem:$0xFA00] =	vst v63  }
0x26: {  	s31 =	sadd.s32 $0xF424, s28  }
0x27: {  	[tilespmem:s11], [sflag:$0x1] =	stream.linear.gather [hbm4b:s31+s29], $0x7D0, $0x38;
	[tilespmem:$0xFA00] =	vst v63  }
0x28: {  	s31 =	sadd.s32 $0x16E36, s28  }
0x29: {  	[tilespmem:s12], [sflag:$0x1] =	stream.linear.gather [hbm4b:s31+s29], $0x7D0, $0x38;
	[tilespmem:$0xFA00] =	vst v63  }
0x2a: {  	s31 =	sadd.s32 $0x1E848, s28  }
0x2b: {  	[tilespmem:s13], [sflag:$0x1] =	stream.linear.gather [hbm4b:s31+s29], $0x7D0, $0x38;
	[tilespmem:$0xFA00] =	vst v63  }
0x2c: {  	s31 =	sadd.s32 $0x2625A, s28  }
0x2d: {  	[tilespmem:s14], [sflag:$0x1] =	stream.linear.gather [hbm4b:s31+s29], $0x7D0, $0x38;
	[tilespmem:$0xFA00] =	vst v63  }
0x2e: {  	s31 =	sadd.s32 $0x2DC6C, s28  }
0x2f: {  	[tilespmem:s15], [sflag:$0x1] =	stream.linear.gather [hbm4b:s31+s29], $0x7D0, $0x38;
	[tilespmem:$0xFA00] =	vst v63  }
0x30: {  	s31 =	sadd.s32 $0x3567E, s28  }
0x31: {  	[tilespmem:s16], [sflag:$0x1] =	stream.linear.gather [hbm4b:s31+s29], $0x7D0, $0x38;
	[tilespmem:$0xFA00] =	vst v63  }
0x32: {  	s31 =	sadd.s32 $0x3D090, s28  }
0x33: {  	[tilespmem:s17], [sflag:$0x1] =	stream.linear.gather [hbm4b:s31+s29], $0x7D0, $0x38;
	[tilespmem:$0xFA00] =	vst v63  }
0x34: {  	s31 =	sadd.s32 $0x44AA2, s28  }
0x35: {  	[tilespmem:s18], [sflag:$0x1] =	stream.linear.gather [hbm4b:s31+s29], $0x7D0, $0x38;
	[tilespmem:$0xFA00] =	vst v63  }
0x36: {  	s31 =	sadd.s32 $0x4C4B4, s28  }
0x37: {  	[tilespmem:s19], [sflag:$0x1] =	stream.linear.gather [hbm4b:s31+s29], $0x7D0, $0x38;
	[tilespmem:$0xFA00] =	vst v63  }
0x38: {  	s28 =	sadd.s32 $0x53EC6, s28  }
0x39: {  	[tilespmem:s20], [sflag:$0x1] =	stream.linear.gather [hbm4b:s28+s29], $0x7D0, $0x38;
	[tilespmem:$0xFA00] =	vst v63  }
0x3a: {  	_ =	swait.ge [sflag:s21], $0x7D0  }
0x3b: {  	[sflag:s21] =	ssyncset.done $0x0  }
0x3c: {  	[sflag:s21] =	ssyncadd.s32 $0xFFFFF830  }
0x3d: {  	_ =	swait.ge [sflag:s21], $0x7D0  }
0x3e: {  	[sflag:s21] =	ssyncset.done $0x0  }
0x3f: {  	[sflag:s21] =	ssyncadd.s32 $0xFFFFF830  }
0x40: {  	_ =	swait.ge [sflag:s21], $0x7D0  }
0x41: {  	[sflag:s21] =	ssyncset.done $0x0  }
0x42: {  	[sflag:s21] =	ssyncadd.s32 $0xFFFFF830  }
0x43: {  	_ =	swait.ge [sflag:s21], $0x7D0  }
0x44: {  	[sflag:s21] =	ssyncset.done $0x0  }
0x45: {  	[sflag:s21] =	ssyncadd.s32 $0xFFFFF830  }
0x46: {  	_ =	swait.ge [sflag:s21], $0x7D0  }
0x47: {  	[sflag:s21] =	ssyncset.done $0x0  }
0x48: {  	[sflag:s21] =	ssyncadd.s32 $0xFFFFF830  }
0x49: {  	_ =	swait.ge [sflag:s21], $0x7D0  }
0x4a: {  	[sflag:s21] =	ssyncset.done $0x0  }
0x4b: {  	[sflag:s21] =	ssyncadd.s32 $0xFFFFF830  }
0x4c: {  	_ =	swait.ge [sflag:s21], $0x7D0  }
0x4d: {  	[sflag:s21] =	ssyncset.done $0x0  }
0x4e: {  	[sflag:s21] =	ssyncadd.s32 $0xFFFFF830  }
0x4f: {  	_ =	swait.ge [sflag:s21], $0x7D0  }
0x50: {  	[sflag:s21] =	ssyncset.done $0x0  }
0x51: {  	[sflag:s21] =	ssyncadd.s32 $0xFFFFF830  }
0x52: {  	_ =	swait.ge [sflag:s21], $0x7D0  }
0x53: {  	[sflag:s21] =	ssyncset.done $0x0  }
0x54: {  	[sflag:s21] =	ssyncadd.s32 $0xFFFFF830  }
0x55: {  	_ =	swait.ge [sflag:s21], $0x7D0  }
0x56: {  	[sflag:s21] =	ssyncset.done $0x0  }
0x57: {  	v1 =	vmov s29;
	[sflag:s21] =	ssyncadd.s32 $0xFFFFF830  }
0x58: {  	v1 =	vand.u32 $0x7FF, v1;
	_ =	swait.ge [sflag:s21], $0x7D0  }
0x59: {  	v1 =	vadd.s32 v0, v1;
	[sflag:s21] =	ssyncset.done $0x0  }
0x5a: {  	[sflag:s21] =	ssyncadd.s32 $0xFFFFF830  }
0x5b: {  	_ =	swait.ge [sflag:s21], $0x7D0  }
0x5c: {  	s28 =	simm.s32 $0x1;
	[sflag:s21] =	ssyncset.done $0x0  }
0x5d: {  	v2 =	vmov s28;
	[sflag:s21] =	ssyncadd.s32 $0xFFFFF830  }
0x5e: {  	v2 =	vand.u32 $0x7FF, v2;
	v1 =	vld.idx.msk [tilespmem:v1+s3+$0x0], $0xffff  }
0x5f: {  	v3 =	vadd.s32 v0, v2;
	_ =	sdelay $0x2  }
0x60: {  	s28 =	simm.s32 $0x7D00  }
0x61: {  	s29 =	simm.s32 $0x2;
	[tilespmem:s28+$0x0] =	vst v1  }
0x62: {  	v2 =	vmov s29;
	s29 =	simm.s32 $0x3;
	v1 =	vld.idx.msk [tilespmem:v3+s3+$0x0], $0xffff  }
.LBB2_4:
0x63: {  	p0 =	sne.s32 s29, $0x7CF;
	v2 =	vand.u32 $0x7FF, v2  }
0x64: {  	v3 =	vadd.s32 v0, v2  }
.Ltmp5:
0x65: {  	(pc) =	sbr.rel @p0 .LBB2_4-.Ltmp5, $4  }
0x66: {  	_ = 	snop  }
0x67: {  	s28 =	sadd.s32 $0x10, s28  }
0x68: {  	[tilespmem:s28+$0x0] =	vst v1  }
0x69: {  	v2 =	vmov s29;
	s29 =	sadd.s32 $0x1, s29;
	v1 =	vld.idx.msk [tilespmem:v3+s3+$0x0], $0xffff  }
0x6a: {  	v2 =	vand.u32 $0x7FF, v2  }
0x6b: {  	v2 =	vadd.s32 v0, v2;
	_ =	sdelay $0x2  }
0x6c: {  	s28 =	sadd.s32 $0x10, s28  }
0x6d: {  	[tilespmem:s28+$0x0] =	vst v1  }
0x6e: {  	v1 =	vld.idx.msk [tilespmem:v2+s3+$0x0], $0xffff;
	_ =	sdelay $0x2  }
0x6f: {  	s26 =	smul.u32 $0xFA0, s26  }
0x70: {  	s28 =	sadd.s32 $0x10, s28  }
.Ltmp6:
0x71: {  	s26 =	sadd.s32 s2, s26;
	[tilespmem:s28+$0x0] =	vst v1;
	(pc) =	sbr.rel .LBB2_6-.Ltmp6, $4  }
0x72: {  	[hbm4b:s26+s3] =	stream.linear.scatter [tilespmem:s22], [sflag:$0x2], $0x7D00, $0x38;
	[tilespmem:$0xFA00] =	vst v63  }
0x73: {  	_ =	swait.ge [sflag:s23], $0x7D00  }
0x74: {  	[sflag:s23] =	ssyncset.done $0x0  }
0x75: {  	[sflag:s23] =	ssyncadd.s32 $0xFFFF8300  }
.LBB2_8:
0x76: {  	_ =	sfence.sel $0x180000  }
0x77: {  	[bflag:$0x0] =	sbarrier.arrive $0xFFFF  }
0x78: {  	p0 =	sne.s32 s4, $0x0;
	_ =	strace $0x90000047  }
0x79: {  	s0 =	sadd.s32 @!p0 $0x100000, s0;
	[bflag:$0x2] =	sbarrier.arrive $0xFFFF  }
0x7a: {  	[sflag:s0] =	ssyncadd.tile.s32 @!p0 $0x1;
	_ =	shalt  }
.Lfunc_end2:
_tile_overlayer_lowered:
.L_overlay_start_2:
0x7b: {  	(tag) =	ssettag $0x2  }
0x7c: {  	s0 =	rddreg [dreg:$0x0];
	s2 =	stileid.u32  }
0x7d: {  	s1 =	rddreg [dreg:$0x1];
	p0 =	sne.s32 s2, $0x0  }
0x7e: {  	s3 =	rddreg [dreg:$0x2];
	[bflag:$0x3] =	sbarrier.arrive $0xFFFF;
	s2 =	simm.s32 @!p0 $0x1C03  }
0x7f: {  	[timem:s3], [sflag:s2] =	dma.local @!p0 [hbm:s0], s1  }
0x80: {  	s0 =	simm.s32 @!p0 $0x3  }
0x81: {  	_ =	swait.ge @!p0 [sflag:s0], s1  }
0x82: {  	s1 =	ssub.s32 @!p0 $0x0, s1;
	[sflag:s0] =	ssyncset.done @!p0 $0x0  }
0x83: {  	[sflag:s0] =	ssyncadd.s32 @!p0 s1  }
0x84: {  	[bflag:$0x3] =	sbarrier.arrive $0xFFFF  }
0x85: {  	_ =	shalt  }

// kernel: kernel.8.cloned.1.call-start
scs
__scs_entry_jumppad:
0x0: {  	(pc) =	sbr.rel $0x88, $3  }
0x1: {  	(tag) =	ssettag $0x0;
	lr =	simm.s32 $0x1  }
0x2: {  	[smem:$0x3F8C] =	sst lr;
	_ =	strace $0xD0000000  }
0x3: {  	_ = 	snop  }
0x4: {  	_ = 	snop  }
0x5: {  	_ = 	snop  }
0x6: {  	_ = 	snop  }
0x7: {  	_ = 	snop  }
__scs_overlays_trampoline_lowered:
0x8: {  	[smem:$0x3F9B] =	sst s0  }
0x9: {  	[smem:$0x3F9C] =	sst s1  }
0xa: {  	[smem:$0x3F9D] =	sst s2  }
0xb: {  	[smem:$0x3F9E] =	sst s3  }
0xc: {  	[smem:$0x3F9F] =	sst s4  }
0xd: {  	[smem:$0x3FA0] =	sst s5  }
0xe: {  	[smem:$0x3FA1] =	sst s6  }
0xf: {  	[smem:$0x3FA2] =	sst s7  }
0x10: {  	[smem:$0x3FA3] =	sst s8  }
0x11: {  	[smem:$0x3FA4] =	sst s9;
	s0 =	simm.s32 @!p0 $0x0  }
0x12: {  	s1 =	sld [smem:$0x3F8A];
	s0 =	simm.s32 @p0 $0x1  }
0x13: {  	[smem:$0x3FA5] =	sst s0;
	s0 =	simm.s32 @!p1 $0x0  }
0x14: {  	s2 =	sld [smem:$0x3F89];
	s0 =	simm.s32 @p1 $0x1  }
0x15: {  	[smem:$0x3FA6] =	sst s0;
	s0 =	simm.s32 @!p2 $0x0  }
0x16: {  	s3 =	sld [smem:$0x3FDB];
	s0 =	simm.s32 @p2 $0x1  }
0x17: {  	s4 =	simm.s32 $0x1BF5;
	[smem:$0x3FA8] =	sst s0  }
0x18: {  	s0 =	sld [smem:$0x3F8B];
	_ =	swait.ge [sflag:s4], $0x0  }
0x19: {  	s7 =	sld [smem:$0x3F8C]  }
0x1a: {  	s8 =	sadd.s32 $0xFFFFE003, lr  }
0x1b: {  	s9 =	sadd.s32 $0xFFFFFEF7, lr;
	s5 =	simm.s32 $0xFFFFFFFF;
	p2 =	slt.u32 s8, $0xFFFFF086  }
0x1c: {  	p1 =	slt.u32 s9, $0xF7A;
	s5 =	simm.s32 @!p2 $0x0  }
0x1d: {  	s5 =	simm.s32 @p1 $0x1;
	p0 =	seq.s32 s7, s2  }
0x1e: {  	s7 =	smul.u32 @!p0 $0xF7A, s2;
	p2 =	seq.s32 @!p0 s5, $0x0  }
0x1f: {  	s9 =	smul.u32 $0xF7A, s1;
	s8 =	simm.s32 @!p0 $0x1BF5;
	p2 =	por !p2, p0  }
0x20: {  	[sflag:s8] =	ssyncset.s32 @!p0 $0xFFFFF086;
	s6 =	sadd.s32 @!p0 s3, s7;
	s7 =	simm.s32 @!p0 $0x108  }
0x21: {  	s3 =	sadd.s32 s3, s9;
	s6 =	sadd.s32 @!p0 $0x88, s6;
	s7 =	simm.s32 @p2 $0x1082  }
0x22: {  	[simem:s7], [sflag:s8] =	dma.local @!p0 [hbm:s6], $0xF7A  }
0x23: {  	s9 =	sor.u32 $0xD0000000, s2;
	s6 =	simm.s32 $0x108;
	_ =	swait.ge @!p0 [sflag:s8], $0x0  }
0x24: {  	s3 =	sadd.s32 $0x88, s3;
	s6 =	simm.s32 @!p1 $0x1082;
	[sflag:s4] =	ssyncset.s32 $0xFFFFF086  }
0x25: {  	[simem:s6], [sflag:s4] =	dma.local [hbm:s3], $0xF7A  }
0x26: {  	[smem:$0x3F8C] =	sst s1;
	(tag) =	ssettag s2;
	_ =	strace s9  }
0x27: {  	s1 =	sld [smem:$0x3F9C]  }
0x28: {  	s2 =	sld [smem:$0x3F9D]  }
0x29: {  	s4 =	sld [smem:$0x3F9F]  }
0x2a: {  	p0 =	seq.s32 s5, $0x0;
	s5 =	sld [smem:$0x3FA0]  }
0x2b: {  	s6 =	sld [smem:$0x3FA1]  }
0x2c: {  	s7 =	sld [smem:$0x3FA2]  }
0x2d: {  	s3 =	simm.s32 $0x108;
	s8 =	sld [smem:$0x3FA3]  }
0x2e: {  	s3 =	simm.s32 @!p0 $0x1082;
	s9 =	sld [smem:$0x3FA4]  }
0x2f: {  	lr =	sadd.s32 s0, s3;
	s0 =	sld [smem:$0x3F9B]  }
0x30: {  	s3 =	sld [smem:$0x3F9E]  }
0x31: {  	[smem:$0x3FA7] =	sst s10  }
0x32: {  	s10 =	sld [smem:$0x3FA5];
	_ =	sdelay $0x3  }
0x33: {  	p0 =	seq.s32 s10, $0x1;
	s10 =	sld [smem:$0x3FA7];
	_ =	sdelay $0x3  }
0x34: {  	[smem:$0x3FA7] =	sst s10  }
0x35: {  	s10 =	sld [smem:$0x3FA6];
	_ =	sdelay $0x3  }
0x36: {  	p1 =	seq.s32 s10, $0x1;
	s10 =	sld [smem:$0x3FA7];
	_ =	sdelay $0x3  }
0x37: {  	[smem:$0x3FA7] =	sst s10  }
0x38: {  	s10 =	sld [smem:$0x3FA8]  }
0x39: {  	_ = 	snop;
	(pc) =	sbr.ind lr, $3  }
0x3a: {  	_ = 	snop  }
0x3b: {  	_ = 	snop  }
0x3c: {  	p2 =	seq.s32 s10, $0x1;
	s10 =	sld [smem:$0x3FA7]  }
0x3d: {  	_ =	shalt  }
0x3e: {  	_ =	shalt  }
0x3f: {  	_ =	shalt  }
0x40: {  	_ =	shalt  }
0x41: {  	_ =	shalt  }
0x42: {  	_ =	shalt  }
0x43: {  	_ =	shalt  }
0x44: {  	_ =	shalt  }
0x45: {  	_ =	shalt  }
0x46: {  	_ =	shalt  }
0x47: {  	_ =	shalt  }
0x48: {  	_ =	shalt  }
0x49: {  	_ =	shalt  }
0x4a: {  	_ =	shalt  }
0x4b: {  	_ =	shalt  }
0x4c: {  	_ =	shalt  }
0x4d: {  	_ =	shalt  }
0x4e: {  	_ =	shalt  }
0x4f: {  	_ =	shalt  }
0x50: {  	_ =	shalt  }
0x51: {  	_ =	shalt  }
0x52: {  	_ =	shalt  }
0x53: {  	_ =	shalt  }
0x54: {  	_ =	shalt  }
0x55: {  	_ =	shalt  }
0x56: {  	_ =	shalt  }
0x57: {  	_ =	shalt  }
0x58: {  	_ =	shalt  }
0x59: {  	_ =	shalt  }
0x5a: {  	_ =	shalt  }
0x5b: {  	_ =	shalt  }
0x5c: {  	_ =	shalt  }
0x5d: {  	_ =	shalt  }
0x5e: {  	_ =	shalt  }
0x5f: {  	_ =	shalt  }
0x60: {  	_ =	shalt  }
0x61: {  	_ =	shalt  }
0x62: {  	_ =	shalt  }
0x63: {  	_ =	shalt  }
0x64: {  	_ =	shalt  }
0x65: {  	_ =	shalt  }
0x66: {  	_ =	shalt  }
0x67: {  	_ =	shalt  }
0x68: {  	_ =	shalt  }
0x69: {  	_ =	shalt  }
0x6a: {  	_ =	shalt  }
0x6b: {  	_ =	shalt  }
0x6c: {  	_ =	shalt  }
0x6d: {  	_ =	shalt  }
0x6e: {  	_ =	shalt  }
0x6f: {  	_ =	shalt  }
0x70: {  	_ =	shalt  }
0x71: {  	_ =	shalt  }
0x72: {  	_ =	shalt  }
0x73: {  	_ =	shalt  }
0x74: {  	_ =	shalt  }
0x75: {  	_ =	shalt  }
0x76: {  	_ =	shalt  }
0x77: {  	_ =	shalt  }
0x78: {  	_ =	shalt  }
0x79: {  	_ =	shalt  }
0x7a: {  	_ =	shalt  }
0x7b: {  	_ =	shalt  }
0x7c: {  	_ =	shalt  }
0x7d: {  	_ =	shalt  }
0x7e: {  	_ =	shalt  }
0x7f: {  	_ =	shalt  }
0x80: {  	_ =	shalt  }
0x81: {  	_ =	shalt  }
0x82: {  	_ =	shalt  }
0x83: {  	_ =	shalt  }
0x84: {  	_ =	shalt  }
0x85: {  	_ =	shalt  }
0x86: {  	_ =	shalt  }
0x87: {  	_ =	shalt  }
.Lfunc_end0:
.L_simem_size_0:
called_computation.1_lowered:
.L_overlay_start_0:
0x88: {  	s2 =	sld [smem:$0x3FD9]  }
0x89: {  	s3 =	sld [smem:$0x3FFE];
	_ =	sdelay $0x1  }
0x8a: {  	s1 =	srdreg.scid  }
0x8b: {  	s0 =	sand.u32 $0x1, s1  }
0x8c: {  	s14 =	sshll.u32 s0, $0xA;
	s2 =	sadd.s32 s3, s2  }
0x8d: {  	s2 =	sadd.s32 s2, s14  }
0x8e: {  	[smem:$0x3FB3] =	sst s2  }
0x8f: {  	_ = 	snop  }
0x90: {  	s2 =	sld [smem:$0x3FD0];
	_ =	sdelay $0x2  }
0x91: {  	s4 =	simm.s32 $0xA;
	s5 =	simm.s32 $0x10;
	s15 =	sld [smem:$0x3FC0]  }
0x92: {  	[smem:s5], [sflag:s4] =	dma.local [hbm:s2], $0x1  }
0x93: {  	_ =	swait.eq [sflag:s4], $0x1  }
0x94: {  	s16 =	sld [smem:$0x14]  }
0x95: {  	s17 =	sld [smem:$0x15];
	[sflag:s4] =	ssyncset.done $0x0  }
0x96: {  	s6 =	sld [smem:$0x16];
	[sflag:s4] =	ssyncadd.s32 $0xFFFFFFFF  }
0x97: {  	s18 =	sld [smem:$0x17];
	(tm) =	ssettm $0x1  }
0x98: {  	s7 =	sld [smem:$0x3FFB];
	_ =	sdelay $0x3  }
0x99: {  	_ =	strace s7  }
0x9a: {  	s7 =	sld [smem:$0x3FFC];
	_ =	sdelay $0x3  }
0x9b: {  	_ =	strace s7  }
0x9c: {  	s7 =	sld [smem:$0x3FFD];
	_ =	sdelay $0x3  }
0x9d: {  	_ =	strace s7  }
0x9e: {  	_ =	strace $0x8FFFFFFF  }
0x9f: {  	s19 =	sld [smem:$0x3FDB];
	_ =	sdelay $0x1  }
0xa0: {  	s8 =	simm.s32 $_scs_section_size  }
0xa1: {  	s9 =	simm.s32 $_size__tile_overlayer_lowered;
	s10 =	simm.s32 $_tile_overlayer_lowered  }
0xa2: {  	s22 =	simm.s32 $0x1BFF;
	s21 =	sshll.u32 s10, $0x1;
	s7 =	sadd.s32 s8, s19  }
0xa3: {  	s11 =	simm.s32 $0x0;
	s20 =	sshll.u32 s9, $0x1;
	s9 =	sadd.s32 s21, s7  }
0xa4: {  	[timem:s11], [sflag:s22] =	dma.local [hbm:s9], s20  }
0xa5: {  	_ =	swait.ge [sflag:s22], s20  }
0xa6: {  	s8 =	ssub.s32 $0x0, s20;
	[sflag:s22] =	ssyncset.done $0x0  }
0xa7: {  	[sflag:s22] =	ssyncadd.s32 s8;
	_ =	sdelay $0x1  }
0xa8: {  	s23 =	simm.s32 $0x1B8B  }
0xa9: {  	_ =	swait.ge [sflag:s23], $0x1  }
0xaa: {  	[sflag:s23] =	ssyncset.done $0x0  }
0xab: {  	s25 =	simm.s32 $0x1B8E;
	s24 =	sld [smem:$0x3FFE];
	[sflag:s23] =	ssyncadd.s32 $0xFFFFFFFF  }
0xac: {  	s26 =	simm.s32 $execute0_lowered;
	[smem:$0x3FD2] =	sst s25  }
0xad: {  	s9 =	sshll.u32 s26, $0x1;
	_ =	strace $0x80000049;
	[dreg:$0x1] =	wrdreg $0xFFFFFFFF  }
0xae: {  	s28 =	simm.s32 $_size_execute0_lowered;
	s7 =	sadd.s32 s7, s9;
	[dreg:$0x0] =	wrdreg $0x0  }
0xaf: {  	s9 =	sshll.u32 s28, $0x1;
	[dreg:$0x2] =	wrdreg s7  }
0xb0: {  	[dreg:$0x3] =	wrdreg s9  }
0xb1: {  	[dreg:$0x4] =	wrdreg $0xC0  }
0xb2: {  	_ =	task [dreg:s11], $0x5FFFF  }
0xb3: {  	[dreg:$0x1] =	wrdreg $0xFFFFFFFF  }
0xb4: {  	[dreg:$0x0] =	wrdreg $0x60  }
0xb5: {  	[dreg:$0x2] =	wrdreg s18  }
0xb6: {  	[dreg:$0x3] =	wrdreg s17  }
0xb7: {  	[dreg:$0x4] =	wrdreg s6  }
0xb8: {  	[dreg:$0x5] =	wrdreg s15  }
0xb9: {  	[dreg:$0x6] =	wrdreg s16  }
0xba: {  	[dreg:$0x7] =	wrdreg s24  }
0xbb: {  	[dreg:$0x8] =	wrdreg $0x0  }
0xbc: {  	[dreg:$0x9] =	wrdreg $0x9  }
0xbd: {  	_ =	task.clear_ibuf [dreg:s11], $0xAFFFF;
	_ =	strace $0x90000049  }
0xbe: {  	s29 =	simm.s32 $0x9;
	_ =	strace $0x8000004B  }
0xbf: {  	_ =	swait.ge [sflag:s29], $0x1  }
0xc0: {  	[sflag:s29] =	ssyncadd.s32 $0xFFFFFFFF  }
0xc1: {  	_ =	strace $0x9000004B  }
0xc2: {  	_ =	sfence  }
0xc3: {  	s30 =	sld [smem:$0x0];
	_ =	sdelay $0x2  }
0xc4: {  	s31 =	sshll.u32 s1, $0xD;
	s1 =	sshrl.u32 s1, $0x2  }
0xc5: {  	s3 =	sand.u32 $0x4000, s31;
	s1 =	sadd.s32 s1, s30  }
0xc6: {  	s0 =	sor.u32 s3, s0;
	s1 =	sshll.u32 s1, $0x11  }
0xc7: {  	s0 =	sor.u32 s1, s0  }
0xc8: {  	s0 =	sadd.s32 $0x8F2B, s0  }
0xc9: {  	[sflag:s0] =	ssyncadd.remote.s32 $0x1  }
0xca: {  	_ =	sfence.sel $0xFFFF  }
0xcb: {  	[dreg:$0x0] =	wrdreg $0xFFFFFFFF;
	(pc) =	sbr.abs _section_cstart, $3  }
0xcc: {  	[dreg:$0x1] =	wrdreg $0xFFFFFFFF  }
0xcd: {  	_ =	task.clear_ibuf [dreg:s11], $0x2FFFF;
	_ =	strace $0x9FFFFFFF  }
0xce: {  	(tm) =	ssettm $0x7FFFFFFF  }
0xcf: {  	_ =	shalt  }
tec
execute0_lowered:
.L_overlay_start_1:
0x0: {  	(tag) =	ssettag $0x1  }
0x1: {  	s0 =	rddreg [dreg:$0x0]  }
0x2: {  	s1 =	rddreg [dreg:$0x1]  }
0x3: {  	s2 =	rddreg [dreg:$0x2]  }
0x4: {  	s3 =	rddreg [dreg:$0x3];
	s4 =	srdreg.scid  }
0x5: {  	s5 =	rddreg [dreg:$0x5];
	s13 =	stileid.u32  }
0x6: {  	s7 =	rddreg [dreg:$0x6];
	s10 =	smul.u32 $0x30D40, s13  }
0x7: {  	s8 =	simm.s32 $0x0;
	s30 =	simm.s32 $0x19960;
	s6 =	sand.u32 $0x1, s4  }
0x8: {  	[smem:$0x7FF] =	sst s8;
	s11 =	smul.u32 $0x64000, s13;
	s12 =	sshrl.u32 s10, $0x3  }
0x9: {  	s4 =	smul.u32 $0x61A8, s6;
	_ =	strace $0x8000004A;
	s17 =	sadd.s32 s1, s12  }
0xa: {  	s11 =	sshrl.u32 s11, $0x2;
	s18 =	sadd.s32 s2, s12;
	[dreg:$0x9] =	wrdreg s17  }
0xb: {  	s19 =	sadd.s32 $0x32, s12;
	s12 =	sadd.s32 s3, s12;
	[dreg:$0xa] =	wrdreg s18  }
0xc: {  	s6 =	ssub.s32 $0x2, s6;
	s14 =	sadd.s32 s11, s7;
	[dreg:$0xb] =	wrdreg s12  }
0xd: {  	s16 =	sshrl.u32 s6, $0x1;
	s21 =	sadd.s32 s1, s19;
	[dreg:$0x8] =	wrdreg s14  }
0xe: {  	s6 =	ssub.s32 s6, s16;
	s22 =	sadd.s32 s2, s19;
	[dreg:$0xc] =	wrdreg s21  }
0xf: {  	s16 =	sadd.s32 $0x320, s10;
	s6 =	smax.u32 s6, $0x1;
	[dreg:$0xd] =	wrdreg s22  }
0x10: {  	s17 =	sadd.s32 $0x4B0, s10;
	s10 =	sadd.s32 $0x4B00, s14;
	[dreg:$0x13] =	wrdreg s6  }
0x11: {  	s9 =	smul.u32 $0x620, s13;
	s11 =	sadd.s32 $0x6400, s14;
	[dreg:$0x1e] =	wrdreg s10  }
0x12: {  	s20 =	smul.u32 $0x18800, s13;
	s12 =	sadd.s32 $0x7D00, s14;
	[dreg:$0x1f] =	wrdreg s11  }
0x13: {  	p0 =	seq.s32 s13, $0xF;
	s13 =	sadd.s32 $0x9600, s14;
	[smem:$0x7F3] =	sst s12  }
0x14: {  	s23 =	sshrl.u32 s20, $0x2;
	s15 =	sadd.s32 $0xAF00, s14;
	[smem:$0x7F4] =	sst s13  }
0x15: {  	s9 =	sadd.s32 s9, s4;
	s18 =	sadd.s32 $0xC800, s14;
	[smem:$0x7F5] =	sst s15  }
0x16: {  	s9 =	sshll.u32 s9, $0x1;
	s20 =	sadd.s32 $0xFA00, s14;
	[smem:$0x7F6] =	sst s18  }
0x17: {  	s5 =	sadd.s32 s9, s5;
	s9 =	sadd.s32 s3, s19;
	[smem:$0x7F8] =	sst s20  }
0x18: {  	s31 =	simm.s32 $0xB;
	s19 =	sadd.s32 $0xE100, s14;
	[dreg:$0xe] =	wrdreg s9  }
0x19: {  	s28 =	simm.s32 $0x6;
	s21 =	sadd.s32 $0x11300, s14;
	[smem:$0x7F7] =	sst s19  }
0x1a: {  	s29 =	simm.s32 $0x1CCF0;
	s22 =	sadd.s32 $0x12C00, s14;
	[smem:$0x7F9] =	sst s21  }
0x1b: {  	s6 =	sadd.s32 $0x123E00, s7;
	s24 =	sadd.s32 $0x9000, s5;
	[smem:$0x7FA] =	sst s22  }
0x1c: {  	s10 =	simm.s32 $0x197D0;
	s25 =	sadd.s32 $0x216A0, s5;
	[dreg:$0xf] =	wrdreg s24  }
0x1d: {  	s12 =	simm.s32 $0x190;
	s26 =	sadd.s32 $0x39D40, s5;
	[dreg:$0x11] =	wrdreg s25  }
0x1e: {  	s13 =	simm.s32 $0x2;
	s5 =	sadd.s32 $0x523E0, s5;
	[dreg:$0x12] =	wrdreg s26  }
0x1f: {  	s15 =	simm.s32 $0x1B260;
	s9 =	sadd.s32 s23, s7;
	[dreg:$0x17] =	wrdreg s5  }
0x20: {  	s23 =	sadd.s32 $0x14500, s14;
	s5 =	sadd.s32 $0x5BE00, s7;
	[dreg:$0x10] =	wrdreg s9  }
0x21: {  	[smem:$0x7FB] =	sst s23;
	s24 =	sadd.s32 $0x15E00, s14;
	s5 =	sshrl.u32 @p0 s5, $0x3  }
0x22: {  	s25 =	sadd.s32 $0x17700, s14;
	[dreg:$0x14] =	wrdreg s5;
	s5 =	sadd.s32 $0xBFE00, s7  }
0x23: {  	s26 =	sadd.s32 $0x61A8, s4;
	[smem:$0x7FC] =	sst s24;
	s5 =	sshrl.u32 @p0 s5, $0x3  }
0x24: {  	v0 =	vmov s4;
	s4 =	simm.s32 $0x194B0;
	[dreg:$0x15] =	wrdreg s5;
	s5 =	sshrl.u32 @p0 s6, $0x3  }
0x25: {  	s23 =	simm.s32 $0x7;
	[dreg:$0x16] =	wrdreg s5;
	s5 =	sadd.s32 $0x187E00, s7  }
0x26: {  	[smem:$0x7FD] =	sst s25;
	s24 =	simm.s32 $0x4;
	s5 =	sshrl.u32 @p0 s5, $0x3  }
0x27: {  	v2 =	vlaneseq.u32;
	s25 =	simm.s32 $0x9;
	[dreg:$0x18] =	wrdreg s5;
	s5 =	sadd.s32 $0x64000, s9  }
0x28: {  	v3 =	vimm.s32 $0x0;
	v4 =	vimm.s32 $0x1;
	v1 =	vmov s26;
	s26 =	simm.s32 $0x8;
	s6 =	sadd.s32 $0xC8000, s9;
	s5 =	sshrl.u32 @!p0 s5, $0x3  }
.Ltmp0:
0x29: {  	v5 =	vimm.s32 $0x2;
	v6 =	vimm.s32 $0x3;
	v7 =	vimm.s32 $0x4;
	[dreg:$0x19] =	wrdreg s5;
	s5 =	sshrl.u32 @!p0 s6, $0x3;
	(pc) =	sbr.rel .LBB2_1-.Ltmp0, $4  }
0x2a: {  	v8 =	vimm.s32 $0x5;
	v9 =	vimm.s32 $0x6;
	v10 =	vimm.s32 $0x7;
	s6 =	sadd.s32 $0x1900, s14;
	[dreg:$0x1a] =	wrdreg s5;
	s5 =	sadd.s32 $0x12C000, s9  }
0x2b: {  	v11 =	vimm.s32 $0x8;
	v12 =	vimm.s32 $0x9;
	v13 =	vimm.s32 $0xA;
	[dreg:$0x1c] =	wrdreg s6;
	s9 =	sadd.s32 $0x3200, s14;
	s14 =	simm.s32 $0x3  }
0x2c: {  	v14 =	vimm.s32 $0xB;
	v15 =	vimm.s32 $0xC;
	v16 =	vimm.s32 $0xD;
	s6 =	simm.s32 $0x5;
	s5 =	sshrl.u32 @!p0 s5, $0x3;
	[dreg:$0x1d] =	wrdreg s9  }
0x2d: {  	v17 =	vimm.s32 $0xE;
	v18 =	vimm.s32 $0xF;
	v2 =	vadd.s32 $0x61A8, v2;
	s9 =	simm.s32 $0x0;
	[dreg:$0x1b] =	wrdreg s5;
	s5 =	simm.s32 $0x19190  }
.LBB2_12:
0x2e: {  	[spmem:s7] =	stream.indirect.scatter.add.f32 [tilespmem:s15], [sflag:$0xA], $0x10, s29, s12, $0xb8;
	[tilespmem:$0x1CE80] =	vst v63  }
0x2f: {  	s9 =	simm.s32 $0xA  }
0x30: {  	_ =	swait.ge [sflag:s9], $0x1900  }
0x31: {  	[sflag:s9] =	ssyncset.done $0x0  }
0x32: {  	[sflag:s9] =	ssyncadd.s32 $0xFFFFE700  }
0x33: {  	[bflag:$0x0] =	sbarrier.arrive $0xFFFF  }
0x34: {  	s19 =	rddreg [dreg:$0xf]  }
0x35: {  	s11 =	simm.s32 @p0 $0x1FCB;
	s18 =	rddreg [dreg:$0x14]  }
0x36: {  	[hbm:s19], [sflag:s11] =	dma.local @p0 [spmem:s18], $0xB90  }
0x37: {  	s18 =	simm.s32 @p0 $0xB  }
0x38: {  	_ =	swait.ge @p0 [sflag:s18], $0xB90  }
0x39: {  	[sflag:s18] =	ssyncset.done @p0 $0x0;
	s20 =	rddreg [dreg:$0x11]  }
0x3a: {  	s21 =	rddreg [dreg:$0x15];
	[sflag:s18] =	ssyncadd.s32 @p0 $0xFFFFF470  }
0x3b: {  	[hbm:s20], [sflag:s11] =	dma.local @p0 [spmem:s21], $0xB90  }
0x3c: {  	_ =	swait.ge @p0 [sflag:s18], $0xB90  }
0x3d: {  	[sflag:s18] =	ssyncset.done @p0 $0x0;
	s21 =	rddreg [dreg:$0x12]  }
0x3e: {  	s22 =	rddreg [dreg:$0x16];
	[sflag:s18] =	ssyncadd.s32 @p0 $0xFFFFF470  }
0x3f: {  	[hbm:s21], [sflag:s11] =	dma.local @p0 [spmem:s22], $0xB90  }
0x40: {  	_ =	swait.ge @p0 [sflag:s18], $0xB90  }
0x41: {  	[sflag:s18] =	ssyncset.done @p0 $0x0;
	s22 =	rddreg [dreg:$0x17]  }
0x42: {  	s9 =	rddreg [dreg:$0x18];
	[sflag:s18] =	ssyncadd.s32 @p0 $0xFFFFF470  }
0x43: {  	[hbm:s22], [sflag:s11] =	dma.local @p0 [spmem:s9], $0xB90  }
0x44: {  	_ =	swait.ge @p0 [sflag:s18], $0xB90  }
0x45: {  	s11 =	stileid.u32;
	[sflag:s18] =	ssyncset.done @p0 $0x0  }
0x46: {  	s11 =	sshll.u32 @!p0 s11, $0x6;
	[sflag:s18] =	ssyncadd.s32 @p0 $0xFFFFF470;
	s18 =	rddreg [dreg:$0x10]  }
0x47: {  	s11 =	sor.u32 @!p0 $0x1C0B, s11;
	s18 =	sshrl.u32 @!p0 s18, $0x3  }
0x48: {  	[hbm:s19], [sflag:s11] =	dma.local @!p0 [spmem:s18], $0xC40  }
0x49: {  	s18 =	simm.s32 @!p0 $0xB  }
0x4a: {  	_ =	swait.ge @!p0 [sflag:s18], $0xC40  }
0x4b: {  	[sflag:s18] =	ssyncset.done @!p0 $0x0  }
0x4c: {  	s9 =	rddreg [dreg:$0x19];
	[sflag:s18] =	ssyncadd.s32 @!p0 $0xFFFFF3C0  }
0x4d: {  	[hbm:s20], [sflag:s11] =	dma.local @!p0 [spmem:s9], $0xC40  }
0x4e: {  	_ =	swait.ge @!p0 [sflag:s18], $0xC40  }
0x4f: {  	[sflag:s18] =	ssyncset.done @!p0 $0x0  }
0x50: {  	s9 =	rddreg [dreg:$0x1a];
	[sflag:s18] =	ssyncadd.s32 @!p0 $0xFFFFF3C0  }
0x51: {  	[hbm:s21], [sflag:s11] =	dma.local @!p0 [spmem:s9], $0xC40  }
0x52: {  	_ =	swait.ge @!p0 [sflag:s18], $0xC40  }
0x53: {  	[sflag:s18] =	ssyncset.done @!p0 $0x0  }
0x54: {  	s9 =	rddreg [dreg:$0x1b];
	[sflag:s18] =	ssyncadd.s32 @!p0 $0xFFFFF3C0  }
0x55: {  	[hbm:s22], [sflag:s11] =	dma.local @!p0 [spmem:s9], $0xC40  }
0x56: {  	_ =	swait.ge @!p0 [sflag:s18], $0xC40  }
0x57: {  	s21 =	sld [smem:$0x7F2];
	_ =	sdelay $0x2  }
0x58: {  	s22 =	rddreg [dreg:$0x13];
	s9 =	sadd.s32 $0x1, s21  }
0x59: {  	p1 =	sne.s32 s9, s22  }
.Ltmp1:
0x5a: {  	_ = 	snop;
	(pc) =	sbr.rel @!p1 .LBB2_13-.Ltmp1, $3  }
0x5b: {  	_ =	sdelay $0x1  }
0x5c: {  	[sflag:s18] =	ssyncset.done @!p0 $0x0  }
0x5d: {  	[sflag:s18] =	ssyncadd.s32 @!p0 $0xFFFFF3C0  }
.LBB2_1:
0x5e: {  	[smem:$0x7F2] =	sst s9  }
0x5f: {  	s11 =	rddreg [dreg:$0x4]  }
0x60: {  	[tilespmem:s30], [sflag:$0xB] =	stream.linear.gather [hbm4b:s11+s8], $0x1900, $0x38;
	[tilespmem:$0x1CE80] =	vst v63  }
0x61: {  	_ =	swait.ge [sflag:s31], $0x1900  }
0x62: {  	[sflag:s31] =	ssyncset.done $0x0  }
0x63: {  	s21 =	rddreg [dreg:$0x8];
	[sflag:s31] =	ssyncadd.s32 $0xFFFFE700  }
0x64: {  	[spmem:s21] =	stream.linear.scatter [tilespmem:s30], [sflag:$0xB], $0x1900, $0x38;
	[tilespmem:$0x1CE80] =	vst v63  }
0x65: {  	_ =	swait.ge [sflag:s31], $0x1900  }
0x66: {  	[sflag:s31] =	ssyncset.done $0x0  }
0x67: {  	s22 =	rddreg [dreg:$0x1c];
	[sflag:s31] =	ssyncadd.s32 $0xFFFFE700  }
0x68: {  	[spmem:s22] =	stream.linear.scatter [tilespmem:s30], [sflag:$0xB], $0x1900, $0x38;
	[tilespmem:$0x1CE80] =	vst v63  }
0x69: {  	_ =	swait.ge [sflag:s31], $0x1900  }
0x6a: {  	[sflag:s31] =	ssyncset.done $0x0  }
0x6b: {  	s11 =	rddreg [dreg:$0x1d];
	[sflag:s31] =	ssyncadd.s32 $0xFFFFE700  }
0x6c: {  	[spmem:s11] =	stream.linear.scatter [tilespmem:s30], [sflag:$0xB], $0x1900, $0x38;
	[tilespmem:$0x1CE80] =	vst v63  }
0x6d: {  	_ =	swait.ge [sflag:s31], $0x1900  }
0x6e: {  	[sflag:s31] =	ssyncset.done $0x0  }
0x6f: {  	s18 =	rddreg [dreg:$0x1e];
	[sflag:s31] =	ssyncadd.s32 $0xFFFFE700  }
0x70: {  	[spmem:s18] =	stream.linear.scatter [tilespmem:s30], [sflag:$0xB], $0x1900, $0x38;
	[tilespmem:$0x1CE80] =	vst v63  }
0x71: {  	_ =	swait.ge [sflag:s31], $0x1900  }
0x72: {  	[sflag:s31] =	ssyncset.done $0x0  }
0x73: {  	s19 =	rddreg [dreg:$0x1f];
	[sflag:s31] =	ssyncadd.s32 $0xFFFFE700  }
0x74: {  	[spmem:s19] =	stream.linear.scatter [tilespmem:s30], [sflag:$0xB], $0x1900, $0x38;
	[tilespmem:$0x1CE80] =	vst v63  }
0x75: {  	_ =	swait.ge [sflag:s31], $0x1900  }
0x76: {  	s20 =	sld [smem:$0x7F3]  }
0x77: {  	[sflag:s31] =	ssyncset.done $0x0  }
0x78: {  	[sflag:s31] =	ssyncadd.s32 $0xFFFFE700  }
0x79: {  	[spmem:s20] =	stream.linear.scatter [tilespmem:s30], [sflag:$0xB], $0x1900, $0x38;
	[tilespmem:$0x1CE80] =	vst v63  }
0x7a: {  	_ =	swait.ge [sflag:s31], $0x1900  }
0x7b: {  	s21 =	sld [smem:$0x7F4]  }
0x7c: {  	[sflag:s31] =	ssyncset.done $0x0  }
0x7d: {  	[sflag:s31] =	ssyncadd.s32 $0xFFFFE700  }
0x7e: {  	[spmem:s21] =	stream.linear.scatter [tilespmem:s30], [sflag:$0xB], $0x1900, $0x38;
	[tilespmem:$0x1CE80] =	vst v63  }
0x7f: {  	_ =	swait.ge [sflag:s31], $0x1900  }
0x80: {  	s22 =	sld [smem:$0x7F5]  }
0x81: {  	[sflag:s31] =	ssyncset.done $0x0  }
0x82: {  	[sflag:s31] =	ssyncadd.s32 $0xFFFFE700  }
0x83: {  	[spmem:s22] =	stream.linear.scatter [tilespmem:s30], [sflag:$0xB], $0x1900, $0x38;
	[tilespmem:$0x1CE80] =	vst v63  }
0x84: {  	_ =	swait.ge [sflag:s31], $0x1900  }
0x85: {  	s11 =	sld [smem:$0x7F6]  }
0x86: {  	[sflag:s31] =	ssyncset.done $0x0  }
0x87: {  	[sflag:s31] =	ssyncadd.s32 $0xFFFFE700  }
0x88: {  	[spmem:s11] =	stream.linear.scatter [tilespmem:s30], [sflag:$0xB], $0x1900, $0x38;
	[tilespmem:$0x1CE80] =	vst v63  }
0x89: {  	_ =	swait.ge [sflag:s31], $0x1900  }
0x8a: {  	s18 =	sld [smem:$0x7F7]  }
0x8b: {  	[sflag:s31] =	ssyncset.done $0x0  }
0x8c: {  	[sflag:s31] =	ssyncadd.s32 $0xFFFFE700  }
0x8d: {  	[spmem:s18] =	stream.linear.scatter [tilespmem:s30], [sflag:$0xB], $0x1900, $0x38;
	[tilespmem:$0x1CE80] =	vst v63  }
0x8e: {  	_ =	swait.ge [sflag:s31], $0x1900  }
0x8f: {  	s19 =	sld [smem:$0x7F8]  }
0x90: {  	[sflag:s31] =	ssyncset.done $0x0  }
0x91: {  	[sflag:s31] =	ssyncadd.s32 $0xFFFFE700  }
0x92: {  	[spmem:s19] =	stream.linear.scatter [tilespmem:s30], [sflag:$0xB], $0x1900, $0x38;
	[tilespmem:$0x1CE80] =	vst v63  }
0x93: {  	_ =	swait.ge [sflag:s31], $0x1900  }
0x94: {  	s20 =	sld [smem:$0x7F9]  }
0x95: {  	[sflag:s31] =	ssyncset.done $0x0  }
0x96: {  	[sflag:s31] =	ssyncadd.s32 $0xFFFFE700  }
0x97: {  	[spmem:s20] =	stream.linear.scatter [tilespmem:s30], [sflag:$0xB], $0x1900, $0x38;
	[tilespmem:$0x1CE80] =	vst v63  }
0x98: {  	_ =	swait.ge [sflag:s31], $0x1900  }
0x99: {  	s21 =	sld [smem:$0x7FA]  }
0x9a: {  	[sflag:s31] =	ssyncset.done $0x0  }
0x9b: {  	[sflag:s31] =	ssyncadd.s32 $0xFFFFE700  }
0x9c: {  	[spmem:s21] =	stream.linear.scatter [tilespmem:s30], [sflag:$0xB], $0x1900, $0x38;
	[tilespmem:$0x1CE80] =	vst v63  }
0x9d: {  	_ =	swait.ge [sflag:s31], $0x1900  }
0x9e: {  	s22 =	sld [smem:$0x7FB]  }
0x9f: {  	[sflag:s31] =	ssyncset.done $0x0  }
0xa0: {  	[sflag:s31] =	ssyncadd.s32 $0xFFFFE700  }
0xa1: {  	[spmem:s22] =	stream.linear.scatter [tilespmem:s30], [sflag:$0xB], $0x1900, $0x38;
	[tilespmem:$0x1CE80] =	vst v63  }
0xa2: {  	_ =	swait.ge [sflag:s31], $0x1900  }
0xa3: {  	s11 =	sld [smem:$0x7FC]  }
0xa4: {  	[sflag:s31] =	ssyncset.done $0x0  }
0xa5: {  	[sflag:s31] =	ssyncadd.s32 $0xFFFFE700  }
0xa6: {  	[spmem:s11] =	stream.linear.scatter [tilespmem:s30], [sflag:$0xB], $0x1900, $0x38;
	[tilespmem:$0x1CE80] =	vst v63  }
0xa7: {  	_ =	swait.ge [sflag:s31], $0x1900  }
0xa8: {  	s18 =	sld [smem:$0x7FD]  }
0xa9: {  	[sflag:s31] =	ssyncset.done $0x0  }
0xaa: {  	[sflag:s31] =	ssyncadd.s32 $0xFFFFE700  }
0xab: {  	[spmem:s18] =	stream.linear.scatter [tilespmem:s30], [sflag:$0xB], $0x1900, $0x38;
	[tilespmem:$0x1CE80] =	vst v63  }
0xac: {  	_ =	swait.ge [sflag:s31], $0x1900  }
0xad: {  	[sflag:s31] =	ssyncset.done $0x0  }
0xae: {  	[sflag:s31] =	ssyncadd.s32 $0xFFFFE700  }
0xaf: {  	[bflag:$0x0] =	sbarrier.arrive $0xFFFF  }
0xb0: {  	s9 =	simm.s32 $0x19000;
	s19 =	rddreg [dreg:$0x9]  }
0xb1: {  	[tilespmem:s9], [sflag:$0x1] =	stream.linear.gather [hbm4b:s19+s8], $0x190, $0x38;
	[tilespmem:$0x1CE80] =	vst v63  }
0xb2: {  	s18 =	simm.s32 $0x19320;
	s20 =	rddreg [dreg:$0xa]  }
0xb3: {  	[tilespmem:s18], [sflag:$0x3] =	stream.linear.gather [hbm4b:s20+s8], $0x190, $0x38;
	[tilespmem:$0x1CE80] =	vst v63  }
0xb4: {  	s22 =	simm.s32 $0x19640;
	s21 =	rddreg [dreg:$0xb]  }
0xb5: {  	[tilespmem:s22], [sflag:$0x5] =	stream.linear.gather [hbm4b:s21+s8], $0x190, $0x38;
	[tilespmem:$0x1CE80] =	vst v63  }
0xb6: {  	s19 =	rddreg [dreg:$0xc]  }
0xb7: {  	[tilespmem:s5], [sflag:$0x2] =	stream.linear.gather [hbm4b:s19+s8], $0x190, $0x38;
	[tilespmem:$0x1CE80] =	vst v63  }
0xb8: {  	s20 =	rddreg [dreg:$0xd]  }
0xb9: {  	[tilespmem:s4], [sflag:$0x4] =	stream.linear.gather [hbm4b:s20+s8], $0x190, $0x38;
	[tilespmem:$0x1CE80] =	vst v63  }
0xba: {  	s21 =	rddreg [dreg:$0xe];
	s22 =	simm.s32 $0x1  }
0xbb: {  	[tilespmem:s10], [sflag:$0x6] =	stream.linear.gather [hbm4b:s21+s8], $0x190, $0x38;
	[tilespmem:$0x1CE80] =	vst v63  }
0xbc: {  	_ =	swait.ge [sflag:s22], $0x190  }
0xbd: {  	[sflag:s22] =	ssyncset.done $0x0  }
0xbe: {  	s11 =	simm.s32 $0x0;
	[sflag:s22] =	ssyncadd.s32 $0xFFFFFE70  }
0xbf: {  	[tilespmem:s30], [sflag:$0x7] =	stream.indirect.gather [hbm4b:s0+s12], $0x10, s9, s12, $0xb8;
	[tilespmem:$0x1CE80] =	vst v63  }
.LBB2_2:
0xc0: {  	_ =	swait.ge [sflag:s13], $0x190  }
0xc1: {  	[sflag:s13] =	ssyncset.done $0x0  }
0xc2: {  	[sflag:s13] =	ssyncadd.s32 $0xFFFFFE70  }
0xc3: {  	_ =	swait.ge [sflag:s14], $0x190  }
0xc4: {  	[sflag:s14] =	ssyncset.done $0x0  }
0xc5: {  	s18 =	simm.s32 $0x0;
	[sflag:s14] =	ssyncadd.s32 $0xFFFFFE70  }
0xc6: {  	v19 =	vld [tilespmem:s18+$0x19320];
	_ =	sdelay $0x3  }
0xc7: {  	s19 =	simm.s32 $0x40  }
.LBB2_3:
0xc8: {  	s20 =	sshra.s32 s19, $0x2;
	p1 =	sne.s32 s19, $0x600;
	s19 =	sadd.s32 $0x40, s19;
	v20 =	vand.u32 $0x3, v19  }
.Ltmp2:
0xc9: {  	v21 =	vshrl.u32 v19, $0x2;
	v19 =	vld [tilespmem:s20+$0x19320];
	v20 =	vmul.u32 $0x6400, v20;
	(pc) =	sbr.rel @p1 .LBB2_3-.Ltmp2, $4  }
0xca: {  	v22 =	vsub.s32 v21, v0;
	vm0 =	vge.u32 v21, v0;
	vm1 =	vlt.u32 v21, v1  }
0xcb: {  	vm0 =	vmand vm0, vm1;
	v20 =	vadd.s32 v20, v22  }
0xcc: {  	v20 =	vsel vm0, v20, v2  }
0xcd: {  	[tilespmem:s18+$0x1CB60] =	vst v20;
	s18 =	smov.u32 s20  }
0xce: {  	v20 =	vand.u32 $0x3, v19  }
0xcf: {  	v19 =	vshrl.u32 v19, $0x2;
	v20 =	vmul.u32 $0x6400, v20  }
0xd0: {  	v21 =	vsub.s32 v19, v0;
	vm0 =	vge.u32 v19, v0;
	vm1 =	vlt.u32 v19, v1  }
0xd1: {  	vm0 =	vmand vm0, vm1;
	v19 =	vadd.s32 v20, v21  }
0xd2: {  	p1 =	seq.s32 s11, $0x0;
	v19 =	vsel vm0, v19, v2  }
0xd3: {  	[tilespmem:s18+$0x1CB60] =	vst v19;
	s18 =	simm.s32 @!p1 $0xA  }
0xd4: {  	_ =	swait.ge @!p1 [sflag:s18], $0x1900  }
0xd5: {  	[sflag:s18] =	ssyncset.done @!p1 $0x0  }
0xd6: {  	[sflag:s18] =	ssyncadd.s32 @!p1 $0xFFFFE700  }
0xd7: {  	[tilespmem:s15], [sflag:$0x8] =	stream.indirect.gather [hbm4b:s0+s12], $0x10, s5, s12, $0xb8;
	[tilespmem:$0x1CE80] =	vst v63  }
0xd8: {  	_ =	swait.ge [sflag:s23], $0x1900  }
0xd9: {  	[sflag:s23] =	ssyncset.done $0x0  }
0xda: {  	[sflag:s23] =	ssyncadd.s32 $0xFFFFE700  }
0xdb: {  	_ =	swait.ge [sflag:s6], $0x190  }
0xdc: {  	[sflag:s6] =	ssyncset.done $0x0  }
0xdd: {  	s19 =	simm.s32 $0x199E0;
	[sflag:s6] =	ssyncadd.s32 $0xFFFFFE70  }
0xde: {  	s21 =	simm.s32 $0x0;
	s20 =	simm.s32 $0x40;
	s18 =	simm.s32 $0x199E0;
	v19 =	vld [tilespmem:s19+$0xFFFFFFB0]  }
.LBB2_5:
0xdf: {  	p1 =	sne.s32 s20, $0x600;
	v20 =	vld [tilespmem:s21+$0x19640]  }
0xe0: {  	v21 =	vld [tilespmem:s19+$0xFFFFFF90]  }
0xe1: {  	v22 =	vld [tilespmem:s19+$0xFFFFFF80]  }
0xe2: {  	v23 =	vld [tilespmem:s19+$0xFFFFFFA0]  }
0xe3: {  	v24 =	vld [tilespmem:s19+$0xFFFFFFF0]  }
0xe4: {  	v25 =	vperm.xlane v20, v3;
	v26 =	vperm.xlane v20, v4;
	v27 =	vld [tilespmem:s19+$0xFFFFFFD0]  }
0xe5: {  	v28 =	vperm.xlane v20, v5;
	v29 =	vperm.xlane v20, v6;
	v30 =	vld [tilespmem:s19+$0xFFFFFFC0]  }
0xe6: {  	v22 =	vmul.f32 v22, v25;
	v21 =	vmul.f32 v21, v26;
	v25 =	vld [tilespmem:s19+$0xFFFFFFE0]  }
0xe7: {  	v19 =	vmul.f32 v19, v29;
	v23 =	vmul.f32 v23, v28;
	v26 =	vld [tilespmem:s19+$0x30]  }
0xe8: {  	v28 =	vperm.xlane v20, v8;
	[tilespmem:s19+$0xFFFFFF80] =	vst v22;
	v22 =	vperm.xlane v20, v7;
	v29 =	vld [tilespmem:s19+$0x10]  }
0xe9: {  	v31 =	vperm.xlane v20, v10;
	[tilespmem:s19+$0xFFFFFF90] =	vst v21;
	v21 =	vperm.xlane v20, v9;
	v32 =	vld [tilespmem:s19+$0x0]  }
0xea: {  	[tilespmem:s19+$0xFFFFFFA0] =	vst v23;
	v22 =	vmul.f32 v30, v22;
	v23 =	vmul.f32 v27, v28;
	v27 =	vld [tilespmem:s19+$0x20]  }
0xeb: {  	[tilespmem:s19+$0xFFFFFFB0] =	vst v19;
	v19 =	vmul.f32 v25, v21;
	v21 =	vmul.f32 v24, v31;
	v24 =	vld [tilespmem:s19+$0x70]  }
0xec: {  	v25 =	vperm.xlane v20, v12;
	[tilespmem:s19+$0xFFFFFFC0] =	vst v22;
	v22 =	vperm.xlane v20, v11;
	v28 =	vld [tilespmem:s19+$0x50]  }
0xed: {  	v30 =	vperm.xlane v20, v14;
	[tilespmem:s19+$0xFFFFFFD0] =	vst v23;
	v23 =	vperm.xlane v20, v13;
	v31 =	vld [tilespmem:s19+$0x40]  }
0xee: {  	[tilespmem:s19+$0xFFFFFFE0] =	vst v19;
	v19 =	vmul.f32 v32, v22;
	v22 =	vmul.f32 v29, v25;
	v25 =	vld [tilespmem:s19+$0x60]  }
0xef: {  	[tilespmem:s19+$0xFFFFFFF0] =	vst v21;
	v21 =	vmul.f32 v27, v23;
	v23 =	vmul.f32 v26, v30  }
0xf0: {  	v26 =	vperm.xlane v20, v16;
	[tilespmem:s19+$0x0] =	vst v19;
	v19 =	vperm.xlane v20, v15  }
0xf1: {  	[tilespmem:s19+$0x10] =	vst v22;
	v22 =	vperm.xlane v20, v17;
	v20 =	vperm.xlane v20, v18  }
0xf2: {  	[tilespmem:s19+$0x20] =	vst v21;
	v19 =	vmul.f32 v31, v19;
	v21 =	vmul.f32 v28, v26  }
.Ltmp3:
0xf3: {  	[tilespmem:s19+$0x30] =	vst v23;
	v22 =	vmul.f32 v25, v22;
	v20 =	vmul.f32 v24, v20;
	(pc) =	sbr.rel @p1 .LBB2_5-.Ltmp3, $4  }
0xf4: {  	[tilespmem:s19+$0x40] =	vst v19  }
0xf5: {  	[tilespmem:s19+$0x50] =	vst v21  }
0xf6: {  	s19 =	sadd.s32 $0x100, s19;
	[tilespmem:s18+$0x60] =	vst v22  }
0xf7: {  	s21 =	sshra.s32 s20, $0x2;
	s20 =	sadd.s32 $0x40, s20;
	v19 =	vld [tilespmem:s19+$0xFFFFFFB0];
	[tilespmem:s18+$0x70] =	vst v20;
	s18 =	smov.u32 s19  }
0xf8: {  	v20 =	vld [tilespmem:s21+$0x19640];
	_ =	sdelay $0x1  }
0xf9: {  	v21 =	vld [tilespmem:s19+$0xFFFFFF80]  }
0xfa: {  	v22 =	vld [tilespmem:s19+$0xFFFFFF90]  }
0xfb: {  	v23 =	vld [tilespmem:s19+$0xFFFFFFA0]  }
0xfc: {  	v24 =	vperm.xlane v20, v3  }
0xfd: {  	v27 =	vld [tilespmem:s19+$0xFFFFFFD0];
	v25 =	vperm.xlane v20, v4;
	v28 =	vperm.xlane v20, v5  }
0xfe: {  	v45 =	vld [tilespmem:s19+$0xFFFFFFE0];
	v44 =	vperm.xlane v20, v6;
	v21 =	vmul.f32 v21, v24  }
0xff: {  	v49 =	vld [tilespmem:s19+$0x10];
	v46 =	vperm.xlane v20, v7;
	v22 =	vmul.f32 v22, v25  }
0x100: {  	v26 =	vld [tilespmem:s19+$0xFFFFFFC0];
	v47 =	vperm.xlane v20, v8;
	v23 =	vmul.f32 v23, v28;
	[tilespmem:s19+$0xFFFFFF80] =	vst v21  }
0x101: {  	v29 =	vld [tilespmem:s19+$0xFFFFFFF0];
	v30 =	vperm.xlane v20, v9;
	v19 =	vmul.f32 v19, v44;
	[tilespmem:s19+$0xFFFFFF90] =	vst v22  }
0x102: {  	v51 =	vld [tilespmem:s19+$0x20];
	v53 =	vperm.xlane v20, v12;
	v24 =	vmul.f32 v27, v47;
	[tilespmem:s19+$0xFFFFFFA0] =	vst v23  }
0x103: {  	v48 =	vld [tilespmem:s19+$0x0];
	v50 =	vperm.xlane v20, v10;
	v25 =	vmul.f32 v45, v30;
	[tilespmem:s19+$0xFFFFFFB0] =	vst v19  }
0x104: {  	v55 =	vld [tilespmem:s19+$0x50];
	v52 =	vperm.xlane v20, v11;
	v58 =	vmul.f32 v49, v53;
	[tilespmem:s19+$0xFFFFFFD0] =	vst v24  }
0x105: {  	v54 =	vld [tilespmem:s19+$0x40];
	v56 =	vperm.xlane v20, v13;
	v21 =	vmul.f32 v26, v46;
	[tilespmem:s19+$0xFFFFFFE0] =	vst v25  }
0x106: {  	v57 =	vperm.xlane v20, v14;
	v19 =	vld [tilespmem:s19+$0x30];
	v23 =	vmul.f32 v29, v50;
	[tilespmem:s19+$0x10] =	vst v58  }
0x107: {  	v60 =	vld [tilespmem:s19+$0x70];
	v62 =	vperm.xlane v20, v16;
	v26 =	vmul.f32 v51, v56;
	[tilespmem:s19+$0xFFFFFFC0] =	vst v21  }
0x108: {  	v59 =	vld [tilespmem:s19+$0x60];
	v61 =	vperm.xlane v20, v15;
	v21 =	vmul.f32 v48, v52;
	[tilespmem:s19+$0xFFFFFFF0] =	vst v23  }
0x109: {  	v63 =	vperm.xlane v20, v17;
	v22 =	vmul.f32 v55, v62;
	[tilespmem:s19+$0x20] =	vst v26  }
0x10a: {  	v20 =	vperm.xlane v20, v18;
	[tilespmem:s19+$0x0] =	vst v21;
	v21 =	vmul.f32 v54, v61  }
0x10b: {  	[tilespmem:s19+$0x50] =	vst v22;
	v19 =	vmul.f32 v19, v57  }
0x10c: {  	v20 =	vmul.f32 v60, v20;
	[tilespmem:s19+$0x40] =	vst v21  }
0x10d: {  	p1 =	seq.s32 s11, $0xF9;
	[tilespmem:s19+$0x30] =	vst v19;
	v19 =	vmul.f32 v59, v63  }
0x10e: {  	s20 =	simm.s32 @p1 $0x19960;
	[tilespmem:s18+$0x70] =	vst v20  }
0x10f: {  	s21 =	smul.u32 @!p1 $0x320, s11;
	s19 =	simm.s32 @p1 $0x190;
	[tilespmem:s18+$0x60] =	vst v19;
	s18 =	simm.s32 @p1 $0x1CB60  }
0x110: {  	[spmem:s7] =	stream.indirect.scatter.add.f32 @p1 [tilespmem:s20], [sflag:$0x9], $0x10, s18, s19, $0xb8;
	[tilespmem:$0x1CE80] =	vst v63  }
0x111: {  	s18 =	sadd.s32 @!p1 s21, s16  }
0x112: {  	s18 =	sshrl.u32 @!p1 s18, $0x3  }
0x113: {  	s20 =	simm.s32 @!p1 $0x0;
	s21 =	simm.s32 @!p1 $0x19000;
	s19 =	sadd.s32 @!p1 s1, s18  }
0x114: {  	[tilespmem:s21], [sflag:$0x1] =	stream.linear.gather @!p1 [hbm4b:s19+s20], $0x190, $0x38;
	[tilespmem:$0x1CE80] =	vst v63  }
0x115: {  	s19 =	sadd.s32 @!p1 s2, s18;
	s21 =	simm.s32 @!p1 $0x19320  }
0x116: {  	[tilespmem:s21], [sflag:$0x3] =	stream.linear.gather @!p1 [hbm4b:s19+s20], $0x190, $0x38;
	[tilespmem:$0x1CE80] =	vst v63  }
0x117: {  	s18 =	sadd.s32 @!p1 s3, s18;
	s19 =	simm.s32 @!p1 $0x19640  }
0x118: {  	[tilespmem:s19], [sflag:$0x5] =	stream.linear.gather @!p1 [hbm4b:s18+s20], $0x190, $0x38;
	[tilespmem:$0x1CE80] =	vst v63  }
0x119: {  	s18 =	simm.s32 @!p1 $0x190;
	s19 =	simm.s32 @!p1 $0x1CB60;
	s20 =	simm.s32 @!p1 $0x19960  }
0x11a: {  	[spmem:s7] =	stream.indirect.scatter.add.f32 @!p1 [tilespmem:s20], [sflag:$0x9], $0x10, s19, s18, $0xb8;
	[tilespmem:$0x1CE80] =	vst v63  }
0x11b: {  	s18 =	simm.s32 @!p1 $0x1  }
0x11c: {  	_ =	swait.ge @!p1 [sflag:s18], $0x190  }
0x11d: {  	[sflag:s18] =	ssyncset.done @!p1 $0x0  }
0x11e: {  	[sflag:s18] =	ssyncadd.s32 @!p1 $0xFFFFFE70  }
0x11f: {  	_ =	swait.ge [sflag:s24], $0x190  }
0x120: {  	[sflag:s24] =	ssyncset.done $0x0  }
0x121: {  	s18 =	simm.s32 $0x0;
	[sflag:s24] =	ssyncadd.s32 $0xFFFFFE70  }
0x122: {  	v19 =	vld [tilespmem:s18+$0x194B0];
	_ =	sdelay $0x3  }
0x123: {  	s19 =	simm.s32 $0x40  }
.LBB2_7:
0x124: {  	s20 =	sshra.s32 s19, $0x2;
	p2 =	sne.s32 s19, $0x600;
	s19 =	sadd.s32 $0x40, s19;
	v20 =	vand.u32 $0x3, v19  }
.Ltmp4:
0x125: {  	v21 =	vshrl.u32 v19, $0x2;
	v19 =	vld [tilespmem:s20+$0x194B0];
	v20 =	vmul.u32 $0x6400, v20;
	(pc) =	sbr.rel @p2 .LBB2_7-.Ltmp4, $4  }
0x126: {  	v22 =	vsub.s32 v21, v0;
	vm0 =	vge.u32 v21, v0;
	vm1 =	vlt.u32 v21, v1  }
0x127: {  	vm0 =	vmand vm0, vm1;
	v20 =	vadd.s32 v20, v22  }
0x128: {  	v20 =	vsel vm0, v20, v2  }
0x129: {  	[tilespmem:s18+$0x1CCF0] =	vst v20;
	s18 =	smov.u32 s20  }
0x12a: {  	v20 =	vand.u32 $0x3, v19  }
0x12b: {  	v19 =	vshrl.u32 v19, $0x2;
	v20 =	vmul.u32 $0x6400, v20  }
0x12c: {  	v21 =	vsub.s32 v19, v0;
	vm0 =	vge.u32 v19, v0;
	vm1 =	vlt.u32 v19, v1  }
0x12d: {  	vm0 =	vmand vm0, vm1;
	v19 =	vadd.s32 v20, v21  }
0x12e: {  	v19 =	vsel vm0, v19, v2  }
0x12f: {  	[tilespmem:s18+$0x1CCF0] =	vst v19  }
0x130: {  	_ =	swait.ge [sflag:s25], $0x1900  }
0x131: {  	s19 =	simm.s32 @!p1 $0x19000;
	[sflag:s25] =	ssyncset.done $0x0  }
0x132: {  	s20 =	simm.s32 @!p1 $0x19960;
	s18 =	simm.s32 @!p1 $0x190;
	[sflag:s25] =	ssyncadd.s32 $0xFFFFE700  }
0x133: {  	[tilespmem:s20], [sflag:$0x7] =	stream.indirect.gather @!p1 [hbm4b:s0+s18], $0x10, s19, s18, $0xb8;
	[tilespmem:$0x1CE80] =	vst v63  }
0x134: {  	_ =	swait.ge [sflag:s26], $0x1900  }
0x135: {  	[sflag:s26] =	ssyncset.done $0x0  }
0x136: {  	[sflag:s26] =	ssyncadd.s32 $0xFFFFE700  }
0x137: {  	_ =	swait.ge [sflag:s28], $0x190  }
0x138: {  	[sflag:s28] =	ssyncset.done $0x0  }
0x139: {  	s19 =	simm.s32 $0x1B2E0;
	[sflag:s28] =	ssyncadd.s32 $0xFFFFFE70  }
0x13a: {  	s21 =	simm.s32 $0x0;
	s20 =	simm.s32 $0x40;
	s18 =	simm.s32 $0x1B2E0;
	v19 =	vld [tilespmem:s19+$0xFFFFFFB0]  }
.LBB2_9:
0x13b: {  	p2 =	sne.s32 s20, $0x600;
	v20 =	vld [tilespmem:s21+$0x197D0]  }
0x13c: {  	v21 =	vld [tilespmem:s19+$0xFFFFFF90]  }
0x13d: {  	v22 =	vld [tilespmem:s19+$0xFFFFFF80]  }
0x13e: {  	v23 =	vld [tilespmem:s19+$0xFFFFFFA0]  }
0x13f: {  	v24 =	vld [tilespmem:s19+$0xFFFFFFF0]  }
0x140: {  	v25 =	vperm.xlane v20, v3;
	v26 =	vperm.xlane v20, v4;
	v27 =	vld [tilespmem:s19+$0xFFFFFFD0]  }
0x141: {  	v28 =	vperm.xlane v20, v5;
	v29 =	vperm.xlane v20, v6;
	v30 =	vld [tilespmem:s19+$0xFFFFFFC0]  }
0x142: {  	v22 =	vmul.f32 v22, v25;
	v21 =	vmul.f32 v21, v26;
	v25 =	vld [tilespmem:s19+$0xFFFFFFE0]  }
0x143: {  	v19 =	vmul.f32 v19, v29;
	v23 =	vmul.f32 v23, v28;
	v26 =	vld [tilespmem:s19+$0x30]  }
0x144: {  	v28 =	vperm.xlane v20, v8;
	[tilespmem:s19+$0xFFFFFF80] =	vst v22;
	v22 =	vperm.xlane v20, v7;
	v29 =	vld [tilespmem:s19+$0x10]  }
0x145: {  	v31 =	vperm.xlane v20, v10;
	[tilespmem:s19+$0xFFFFFF90] =	vst v21;
	v21 =	vperm.xlane v20, v9;
	v32 =	vld [tilespmem:s19+$0x0]  }
0x146: {  	[tilespmem:s19+$0xFFFFFFA0] =	vst v23;
	v22 =	vmul.f32 v30, v22;
	v23 =	vmul.f32 v27, v28;
	v27 =	vld [tilespmem:s19+$0x20]  }
0x147: {  	[tilespmem:s19+$0xFFFFFFB0] =	vst v19;
	v19 =	vmul.f32 v25, v21;
	v21 =	vmul.f32 v24, v31;
	v24 =	vld [tilespmem:s19+$0x70]  }
0x148: {  	v25 =	vperm.xlane v20, v12;
	[tilespmem:s19+$0xFFFFFFC0] =	vst v22;
	v22 =	vperm.xlane v20, v11;
	v28 =	vld [tilespmem:s19+$0x50]  }
0x149: {  	v30 =	vperm.xlane v20, v14;
	[tilespmem:s19+$0xFFFFFFD0] =	vst v23;
	v23 =	vperm.xlane v20, v13;
	v31 =	vld [tilespmem:s19+$0x40]  }
0x14a: {  	[tilespmem:s19+$0xFFFFFFE0] =	vst v19;
	v19 =	vmul.f32 v32, v22;
	v22 =	vmul.f32 v29, v25;
	v25 =	vld [tilespmem:s19+$0x60]  }
0x14b: {  	[tilespmem:s19+$0xFFFFFFF0] =	vst v21;
	v21 =	vmul.f32 v27, v23;
	v23 =	vmul.f32 v26, v30  }
0x14c: {  	v26 =	vperm.xlane v20, v16;
	[tilespmem:s19+$0x0] =	vst v19;
	v19 =	vperm.xlane v20, v15  }
0x14d: {  	[tilespmem:s19+$0x10] =	vst v22;
	v22 =	vperm.xlane v20, v17;
	v20 =	vperm.xlane v20, v18  }
0x14e: {  	[tilespmem:s19+$0x20] =	vst v21;
	v19 =	vmul.f32 v31, v19;
	v21 =	vmul.f32 v28, v26  }
.Ltmp5:
0x14f: {  	[tilespmem:s19+$0x30] =	vst v23;
	v22 =	vmul.f32 v25, v22;
	v20 =	vmul.f32 v24, v20;
	(pc) =	sbr.rel @p2 .LBB2_9-.Ltmp5, $4  }
0x150: {  	[tilespmem:s19+$0x40] =	vst v19  }
0x151: {  	[tilespmem:s19+$0x50] =	vst v21  }
0x152: {  	s19 =	sadd.s32 $0x100, s19;
	[tilespmem:s18+$0x60] =	vst v22  }
0x153: {  	s21 =	sshra.s32 s20, $0x2;
	s20 =	sadd.s32 $0x40, s20;
	v19 =	vld [tilespmem:s19+$0xFFFFFFB0];
	[tilespmem:s18+$0x70] =	vst v20;
	s18 =	smov.u32 s19  }
0x154: {  	v20 =	vld [tilespmem:s21+$0x197D0];
	_ =	sdelay $0x1  }
0x155: {  	v21 =	vld [tilespmem:s19+$0xFFFFFF80]  }
0x156: {  	v22 =	vld [tilespmem:s19+$0xFFFFFF90]  }
0x157: {  	v23 =	vld [tilespmem:s19+$0xFFFFFFA0]  }
0x158: {  	v24 =	vperm.xlane v20, v3  }
0x159: {  	v27 =	vld [tilespmem:s19+$0xFFFFFFD0];
	v25 =	vperm.xlane v20, v4;
	v28 =	vperm.xlane v20, v5  }
0x15a: {  	v45 =	vld [tilespmem:s19+$0xFFFFFFE0];
	v44 =	vperm.xlane v20, v6;
	v21 =	vmul.f32 v21, v24  }
0x15b: {  	v49 =	vld [tilespmem:s19+$0x10];
	v46 =	vperm.xlane v20, v7;
	v22 =	vmul.f32 v22, v25  }
0x15c: {  	v26 =	vld [tilespmem:s19+$0xFFFFFFC0];
	v47 =	vperm.xlane v20, v8;
	v23 =	vmul.f32 v23, v28;
	[tilespmem:s19+$0xFFFFFF80] =	vst v21  }
0x15d: {  	v29 =	vld [tilespmem:s19+$0xFFFFFFF0];
	v30 =	vperm.xlane v20, v9;
	v19 =	vmul.f32 v19, v44;
	[tilespmem:s19+$0xFFFFFF90] =	vst v22  }
0x15e: {  	v51 =	vld [tilespmem:s19+$0x20];
	v53 =	vperm.xlane v20, v12;
	v24 =	vmul.f32 v27, v47;
	[tilespmem:s19+$0xFFFFFFA0] =	vst v23  }
0x15f: {  	v48 =	vld [tilespmem:s19+$0x0];
	v50 =	vperm.xlane v20, v10;
	v25 =	vmul.f32 v45, v30;
	[tilespmem:s19+$0xFFFFFFB0] =	vst v19  }
0x160: {  	v55 =	vld [tilespmem:s19+$0x50];
	v52 =	vperm.xlane v20, v11;
	v58 =	vmul.f32 v49, v53;
	[tilespmem:s19+$0xFFFFFFD0] =	vst v24  }
0x161: {  	v54 =	vld [tilespmem:s19+$0x40];
	v56 =	vperm.xlane v20, v13;
	v21 =	vmul.f32 v26, v46;
	[tilespmem:s19+$0xFFFFFFE0] =	vst v25  }
0x162: {  	v57 =	vperm.xlane v20, v14;
	v19 =	vld [tilespmem:s19+$0x30];
	v23 =	vmul.f32 v29, v50;
	[tilespmem:s19+$0x10] =	vst v58  }
0x163: {  	v60 =	vld [tilespmem:s19+$0x70];
	v62 =	vperm.xlane v20, v16;
	v26 =	vmul.f32 v51, v56;
	[tilespmem:s19+$0xFFFFFFC0] =	vst v21  }
0x164: {  	v59 =	vld [tilespmem:s19+$0x60];
	v61 =	vperm.xlane v20, v15;
	v21 =	vmul.f32 v48, v52;
	[tilespmem:s19+$0xFFFFFFF0] =	vst v23  }
0x165: {  	v63 =	vperm.xlane v20, v17;
	v22 =	vmul.f32 v55, v62;
	[tilespmem:s19+$0x20] =	vst v26  }
0x166: {  	v20 =	vperm.xlane v20, v18;
	[tilespmem:s19+$0x0] =	vst v21;
	v21 =	vmul.f32 v54, v61  }
.Ltmp6:
0x167: {  	[tilespmem:s19+$0x50] =	vst v22;
	v19 =	vmul.f32 v19, v57;
	(pc) =	sbr.rel @p1 .LBB2_12-.Ltmp6, $4  }
0x168: {  	v20 =	vmul.f32 v60, v20;
	[tilespmem:s19+$0x40] =	vst v21  }
0x169: {  	[tilespmem:s19+$0x30] =	vst v19;
	v19 =	vmul.f32 v59, v63  }
0x16a: {  	[tilespmem:s18+$0x70] =	vst v20  }
0x16b: {  	[tilespmem:s18+$0x60] =	vst v19  }
0x16c: {  	s18 =	smul.u32 $0x320, s11;
	_ =	sdelay $0x1  }
0x16d: {  	s18 =	sadd.s32 s18, s17  }
0x16e: {  	s18 =	sshrl.u32 s18, $0x3  }
0x16f: {  	s19 =	sadd.s32 s1, s18  }
0x170: {  	[tilespmem:s5], [sflag:$0x2] =	stream.linear.gather [hbm4b:s19+s8], $0x190, $0x38;
	[tilespmem:$0x1CE80] =	vst v63  }
0x171: {  	s22 =	sadd.s32 s2, s18  }
0x172: {  	[tilespmem:s4], [sflag:$0x4] =	stream.linear.gather [hbm4b:s22+s8], $0x190, $0x38;
	[tilespmem:$0x1CE80] =	vst v63  }
.Ltmp7:
0x173: {  	_ = 	snop;
	(pc) =	sbr.rel .LBB2_2-.Ltmp7, $4  }
0x174: {  	s18 =	sadd.s32 s3, s18  }
0x175: {  	[tilespmem:s10], [sflag:$0x6] =	stream.linear.gather [hbm4b:s18+s8], $0x190, $0x38;
	[tilespmem:$0x1CE80] =	vst v63  }
0x176: {  	s11 =	sadd.s32 $0x1, s11  }
0x177: {  	[spmem:s7] =	stream.indirect.scatter.add.f32 [tilespmem:s15], [sflag:$0xA], $0x10, s29, s12, $0xb8;
	[tilespmem:$0x1CE80] =	vst v63  }
.LBB2_13:
0x178: {  	_ =	sfence.sel $0x180000  }
0x179: {  	[bflag:$0x0] =	sbarrier.arrive $0xFFFF  }
0x17a: {  	_ =	strace $0x9000004A  }
0x17b: {  	s0 =	stileid.u32;
	[bflag:$0x2] =	sbarrier.arrive $0xFFFF  }
0x17c: {  	p0 =	sne.s32 s0, $0x0;
	s0 =	rddreg [dreg:$0x7]  }
0x17d: {  	s0 =	sadd.s32 @!p0 $0x100000, s0  }
0x17e: {  	[sflag:s0] =	ssyncadd.tile.s32 @!p0 $0x1;
	_ =	shalt  }
.Lfunc_end2:
_tile_overlayer_lowered:
.L_overlay_start_2:
0x17f: {  	(tag) =	ssettag $0x2  }
0x180: {  	s0 =	rddreg [dreg:$0x0];
	s2 =	stileid.u32  }
0x181: {  	s1 =	rddreg [dreg:$0x1];
	p0 =	sne.s32 s2, $0x0  }
0x182: {  	s3 =	rddreg [dreg:$0x2];
	[bflag:$0x3] =	sbarrier.arrive $0xFFFF;
	s2 =	simm.s32 @!p0 $0x1C0B  }
0x183: {  	[timem:s3], [sflag:s2] =	dma.local @!p0 [hbm:s0], s1  }
0x184: {  	s0 =	simm.s32 @!p0 $0xB  }
0x185: {  	_ =	swait.ge @!p0 [sflag:s0], s1  }
0x186: {  	s1 =	ssub.s32 @!p0 $0x0, s1;
	[sflag:s0] =	ssyncset.done @!p0 $0x0  }
0x187: {  	[sflag:s0] =	ssyncadd.s32 @!p0 s1  }
0x188: {  	[bflag:$0x3] =	sbarrier.arrive $0xFFFF  }
0x189: {  	_ =	shalt  }

</sc_bundles>
